<compile_context>
chip_gen: v7x
topology: tpu7x:2x2x1
jax: 0.10.2.dev20260603
libtpu: 0.0.44.dev20260713+nightly
codegen_flags: <defaults>
</compile_context>

<pallas_src>
import functools

import numpy as np
import jax
import jax.numpy as jnp
from jax import lax
from jax.experimental import pallas as pl
from jax.experimental.pallas import tpu as pltpu
from jax.experimental.pallas import tpu_sc as plsc

_VOCAB = 100000
_D = 1024
_B = 4
_S = 4096

_NC = 2
_NS = 16
_NW = _NC * _NS
_SW = _S // _NW
_C = 8
_G = _SW // _C
_PH = 3


def _positional_encoding_np(max_len, d_model):
    pos = np.arange(max_len, dtype=np.float32)[:, None]
    i = np.arange(0, d_model, 2, dtype=np.float32)
    angle = pos / np.power(10000.0, i / float(d_model))
    pe = np.zeros((max_len, d_model), dtype=np.float32)
    pe[:, 0::2] = np.sin(angle)
    pe[:, 1::2] = np.cos(angle)
    return pe


_PE = _positional_encoding_np(_S, _D)

_mesh = plsc.VectorSubcoreMesh(
    core_axis_name="c", subcore_axis_name="s", num_cores=_NC, num_subcores=_NS
)

_SCRATCH = (
    [pltpu.VMEM((_B * _SW,), jnp.int32)]
    + [pltpu.VMEM((_C, _D), jnp.float32) for _ in range(_PH)]
    + [pltpu.VMEM((_B * _C, _D), jnp.float32) for _ in range(_PH)]
    + [pltpu.SemaphoreType.DMA for _ in range(2 * _PH)]
)


@functools.partial(
    pl.kernel,
    out_type=jax.ShapeDtypeStruct((_B * _S, _D), jnp.float32),
    mesh=_mesh,
    scratch_types=_SCRATCH,
)
def _emb_kernel(table_hbm, x_hbm, pe_hbm, out_hbm, idx_v, *rest):
    pe_v = rest[:_PH]
    gb = rest[_PH : 2 * _PH]
    nsem = 2 * _PH
    gsem = rest[nsem : nsem + _PH]
    ssem = rest[nsem + _PH : nsem + 2 * _PH]

    wid = lax.axis_index("s") * _NC + lax.axis_index("c")
    s0 = wid * _SW

    for b in range(_B):
        pltpu.sync_copy(
            x_hbm.at[pl.ds(b * _S + s0, _SW)], idx_v.at[pl.ds(b * _SW, _SW)]
        )

    def gather_descs(g, p):
        ds = [
            pltpu.make_async_copy(
                table_hbm.at[idx_v.at[pl.ds(b * _SW + g * _C, _C)]],
                gb[p].at[pl.ds(b * _C, _C)],
                gsem[p],
            )
            for b in range(_B)
        ]
        ds.append(
            pltpu.make_async_copy(pe_hbm.at[pl.ds(s0 + g * _C, _C)], pe_v[p], gsem[p])
        )
        return ds

    def store_descs(g, p):
        return [
            pltpu.make_async_copy(
                gb[p].at[pl.ds(b * _C, _C)],
                out_hbm.at[pl.ds(b * _S + s0 + g * _C, _C)],
                ssem[p],
            )
            for b in range(_B)
        ]

    def fire(descs):
        for d in descs:
            d.start()

    def drain(descs):
        for d in descs:
            d.wait()

    def add_pe(p):
        @pl.loop(0, _C)
        def _row(r):
            @pl.loop(0, _D // 16, unroll=4)
            def _col(v):
                c = v * 16
                pev = pe_v[p][r, pl.ds(c, 16)]
                for b in range(_B):
                    plsc.addupdate(gb[p].at[b * _C + r, pl.ds(c, 16)], pev)

    for g in range(_PH - 1):
        fire(gather_descs(g, g % _PH))

    @pl.loop(0, _G - 1, step=_PH)
    def _outer(g0):
        for j in range(_PH):
            g, p = g0 + j, j

            drain(gather_descs(g, p))

            gn = g + _PH - 1
            pn = (j + _PH - 1) % _PH

            @pl.when(gn < _G)
            def _():
                @pl.when(g >= 1)
                def _():
                    drain(store_descs(g - 1, pn))

                fire(gather_descs(gn, pn))

            add_pe(p)
            fire(store_descs(g, p))

    gl, plast = _G - 1, (_G - 1) % _PH
    drain(gather_descs(gl, plast))
    add_pe(plast)
    fire(store_descs(gl, plast))

    for g in range(_G - _PH, _G):
        drain(store_descs(g, g % _PH))


def kernel(x, table):
    out = _emb_kernel(table, x.reshape(-1), jnp.asarray(_PE))
    return out.reshape(_B, _S, _D)

# --- scband reference (transcript-rebuilt; emitter-appended) ---
"""Pipeline reference for scband-transformer-embedding-65463891525909 (READ-ONLY COPY).

The authoritative reference and input builder live on the scoring server;
editing this copy changes nothing except your own understanding.
"""

import jax, jax.numpy as jnp
import numpy as np

VOCAB = 100000
D_MODEL = 1024
MAX_LEN = 8192
BATCH = 4
SEQ = 4096


def _positional_encoding(max_len, d_model):
    pos = np.arange(max_len, dtype=np.float32)[:, None]
    i = np.arange(0, d_model, 2, dtype=np.float32)
    angle = pos / np.power(10000.0, i / float(d_model))
    pe = np.zeros((max_len, d_model), dtype=np.float32)
    pe[:, 0::2] = np.sin(angle)
    pe[:, 1::2] = np.cos(angle)
    return jnp.asarray(pe)


def setup_inputs(seed: int = 0) -> dict:
    key = jax.random.key(seed)
    k1, k2 = jax.random.split(key)
    x = jax.random.randint(k1, (BATCH, SEQ), 0, VOCAB, dtype=jnp.int32)
    table = jax.random.normal(k2, (VOCAB, D_MODEL), dtype=jnp.float32) * 0.02
    return {"x": x, "table": table}


def reference(x, table):
    # TokenEmbedding: gather rows from embedding table
    tok_emb = jnp.take(table, x, axis=0)  # [B, S, D]
    # PositionalEncoding: fixed sinusoid, sliced to seq_len
    pe = _positional_encoding(MAX_LEN, D_MODEL)
    pos_emb = pe[: x.shape[1], :][None, :, :]  # [1, S, D]
    # Dropout is identity in eval mode (deterministic reference)
    return tok_emb + pos_emb

if __name__ == "__main__":
    import jax
    _d = setup_inputs()
    print(jax.jit(kernel)(*tuple(_d.values())))

</pallas_src>

<mosaic_0001>
#map = affine_map<(d0, d1) -> (0, 0)>
#map1 = affine_map<(d0, d1) -> (0)>
module attributes {stable_mosaic.version = 14 : i64} {
  func.func @_emb_kernel(%arg0: i32, %arg1: i32, %arg2: memref<100000x1024xf32, #tpu.memory_space<hbm>>, %arg3: memref<16384xi32, #tpu.memory_space<hbm>>, %arg4: memref<4096x1024xf32, #tpu.memory_space<hbm>>, %arg5: memref<16384x1024xf32, #tpu.memory_space<hbm>>, %arg6: memref<512xi32, #tpu.memory_space<vmem>>, %arg7: memref<8x1024xf32, #tpu.memory_space<vmem>>, %arg8: memref<8x1024xf32, #tpu.memory_space<vmem>>, %arg9: memref<8x1024xf32, #tpu.memory_space<vmem>>, %arg10: memref<32x1024xf32, #tpu.memory_space<vmem>>, %arg11: memref<32x1024xf32, #tpu.memory_space<vmem>>, %arg12: memref<32x1024xf32, #tpu.memory_space<vmem>>, %arg13: memref<!tpu.dma_semaphore, #tpu.memory_space<semaphore_mem>>, %arg14: memref<!tpu.dma_semaphore, #tpu.memory_space<semaphore_mem>>, %arg15: memref<!tpu.dma_semaphore, #tpu.memory_space<semaphore_mem>>, %arg16: memref<!tpu.dma_semaphore, #tpu.memory_space<semaphore_mem>>, %arg17: memref<!tpu.dma_semaphore, #tpu.memory_space<semaphore_mem>>, %arg18: memref<!tpu.dma_semaphore, #tpu.memory_space<semaphore_mem>>) attributes {dimension_semantics = [#tpu.dimension_semantics<core_parallel>, #tpu.dimension_semantics<subcore_parallel>], iteration_bounds = array<i64: 2, 16>, scalar_prefetch = 0 : i64, scratch_operands = 13 : i64, tpu.core_type = #tpu.core_type<sc_vector_subcore>, window_params = [{transform_indices = #map}, {transform_indices = #map1}, {transform_indices = #map}, {transform_indices = #map}]} {
    %mul3A = arith.constant 2 : i32
    %mul3A_0 = arith.muli %arg1, %mul3A : i32
    %add3A = arith.addi %mul3A_0, %arg0 : i32
    %mul3A_1 = arith.constant 128 : i32
    %mul3A_2 = arith.muli %add3A, %mul3A_1 : i32
    %add3A_3 = arith.constant 0 : i32
    %add3A_4 = arith.addi %add3A_3, %mul3A_2 : i32
    "tpu.region"() ({
      %run_scoped3A = tpu.sem_alloc : memref<!tpu.dma_semaphore, #tpu.memory_space<semaphore_mem>>
      %dma_start3A_356 = arith.constant 0 : i32
      %dma_start3A_357 = tpu.memref_slice %arg6[%dma_start3A_356] : memref<512xi32, #tpu.memory_space<vmem>> -> memref<128xi32, #tpu.memory_space<vmem>>
      %dma_start3A_358 = tpu.memref_slice %arg3[%add3A_4] : memref<16384xi32, #tpu.memory_space<hbm>> -> memref<128xi32, #tpu.memory_space<hbm>>
      %dma_start3A_359 = arith.constant 0 : i32
      %dma_start3A_360 = tpu.memref_slice %arg6[%dma_start3A_359] : memref<512xi32, #tpu.memory_space<vmem>> -> memref<128xi32, #tpu.memory_space<vmem>>
      %dma_start3A_361 = tpu.memref_slice %arg3[%add3A_4] : memref<16384xi32, #tpu.memory_space<hbm>> -> memref<128xi32, #tpu.memory_space<hbm>>
      tpu.enqueue_dma source(%dma_start3A_361 : memref<128xi32, #tpu.memory_space<hbm>>) target(%dma_start3A_360 : memref<128xi32, #tpu.memory_space<vmem>>) target_semaphore(%run_scoped3A : memref<!tpu.dma_semaphore, #tpu.memory_space<semaphore_mem>>)
      %dma_wait3A_362 = arith.constant 0 : i32
      %dma_wait3A_363 = tpu.memref_slice %arg6[%dma_wait3A_362] : memref<512xi32, #tpu.memory_space<vmem>> -> memref<128xi32, #tpu.memory_space<vmem>>
      %dma_wait3A_364 = tpu.memref_slice %arg3[%add3A_4] : memref<16384xi32, #tpu.memory_space<hbm>> -> memref<128xi32, #tpu.memory_space<hbm>>
      %dma_wait3A_365 = arith.constant 0 : i32
      %dma_wait3A_366 = tpu.memref_slice %arg6[%dma_wait3A_365] : memref<512xi32, #tpu.memory_space<vmem>> -> memref<128xi32, #tpu.memory_space<vmem>>
      %dma_wait3A_367 = tpu.memref_slice %arg3[%add3A_4] : memref<16384xi32, #tpu.memory_space<hbm>> -> memref<128xi32, #tpu.memory_space<hbm>>
      tpu.wait_dma2 semaphore(%run_scoped3A : memref<!tpu.dma_semaphore, #tpu.memory_space<semaphore_mem>>) src(%dma_wait3A_367 : memref<128xi32, #tpu.memory_space<hbm>>) dst(%dma_wait3A_366 : memref<128xi32, #tpu.memory_space<vmem>>)
      tpu.yield
    }) : () -> ()
    %add3A_5 = arith.constant 4096 : i32
    %add3A_6 = arith.addi %add3A_5, %mul3A_2 : i32
    "tpu.region"() ({
      %run_scoped3A = tpu.sem_alloc : memref<!tpu.dma_semaphore, #tpu.memory_space<semaphore_mem>>
      %dma_start3A_356 = arith.constant 128 : i32
      %dma_start3A_357 = tpu.memref_slice %arg6[%dma_start3A_356] : memref<512xi32, #tpu.memory_space<vmem>> -> memref<128xi32, #tpu.memory_space<vmem>>
      %dma_start3A_358 = tpu.memref_slice %arg3[%add3A_6] : memref<16384xi32, #tpu.memory_space<hbm>> -> memref<128xi32, #tpu.memory_space<hbm>>
      %dma_start3A_359 = arith.constant 128 : i32
      %dma_start3A_360 = tpu.memref_slice %arg6[%dma_start3A_359] : memref<512xi32, #tpu.memory_space<vmem>> -> memref<128xi32, #tpu.memory_space<vmem>>
      %dma_start3A_361 = tpu.memref_slice %arg3[%add3A_6] : memref<16384xi32, #tpu.memory_space<hbm>> -> memref<128xi32, #tpu.memory_space<hbm>>
      tpu.enqueue_dma source(%dma_start3A_361 : memref<128xi32, #tpu.memory_space<hbm>>) target(%dma_start3A_360 : memref<128xi32, #tpu.memory_space<vmem>>) target_semaphore(%run_scoped3A : memref<!tpu.dma_semaphore, #tpu.memory_space<semaphore_mem>>)
      %dma_wait3A_362 = arith.constant 128 : i32
      %dma_wait3A_363 = tpu.memref_slice %arg6[%dma_wait3A_362] : memref<512xi32, #tpu.memory_space<vmem>> -> memref<128xi32, #tpu.memory_space<vmem>>
      %dma_wait3A_364 = tpu.memref_slice %arg3[%add3A_6] : memref<16384xi32, #tpu.memory_space<hbm>> -> memref<128xi32, #tpu.memory_space<hbm>>
      %dma_wait3A_365 = arith.constant 128 : i32
      %dma_wait3A_366 = tpu.memref_slice %arg6[%dma_wait3A_365] : memref<512xi32, #tpu.memory_space<vmem>> -> memref<128xi32, #tpu.memory_space<vmem>>
      %dma_wait3A_367 = tpu.memref_slice %arg3[%add3A_6] : memref<16384xi32, #tpu.memory_space<hbm>> -> memref<128xi32, #tpu.memory_space<hbm>>
      tpu.wait_dma2 semaphore(%run_scoped3A : memref<!tpu.dma_semaphore, #tpu.memory_space<semaphore_mem>>) src(%dma_wait3A_367 : memref<128xi32, #tpu.memory_space<hbm>>) dst(%dma_wait3A_366 : memref<128xi32, #tpu.memory_space<vmem>>)
      tpu.yield
    }) : () -> ()
    %add3A_7 = arith.constant 8192 : i32
    %add3A_8 = arith.addi %add3A_7, %mul3A_2 : i32
    "tpu.region"() ({
      %run_scoped3A = tpu.sem_alloc : memref<!tpu.dma_semaphore, #tpu.memory_space<semaphore_mem>>
      %dma_start3A_356 = arith.constant 256 : i32
      %dma_start3A_357 = tpu.memref_slice %arg6[%dma_start3A_356] : memref<512xi32, #tpu.memory_space<vmem>> -> memref<128xi32, #tpu.memory_space<vmem>>
      %dma_start3A_358 = tpu.memref_slice %arg3[%add3A_8] : memref<16384xi32, #tpu.memory_space<hbm>> -> memref<128xi32, #tpu.memory_space<hbm>>
      %dma_start3A_359 = arith.constant 256 : i32
      %dma_start3A_360 = tpu.memref_slice %arg6[%dma_start3A_359] : memref<512xi32, #tpu.memory_space<vmem>> -> memref<128xi32, #tpu.memory_space<vmem>>
      %dma_start3A_361 = tpu.memref_slice %arg3[%add3A_8] : memref<16384xi32, #tpu.memory_space<hbm>> -> memref<128xi32, #tpu.memory_space<hbm>>
      tpu.enqueue_dma source(%dma_start3A_361 : memref<128xi32, #tpu.memory_space<hbm>>) target(%dma_start3A_360 : memref<128xi32, #tpu.memory_space<vmem>>) target_semaphore(%run_scoped3A : memref<!tpu.dma_semaphore, #tpu.memory_space<semaphore_mem>>)
      %dma_wait3A_362 = arith.constant 256 : i32
      %dma_wait3A_363 = tpu.memref_slice %arg6[%dma_wait3A_362] : memref<512xi32, #tpu.memory_space<vmem>> -> memref<128xi32, #tpu.memory_space<vmem>>
      %dma_wait3A_364 = tpu.memref_slice %arg3[%add3A_8] : memref<16384xi32, #tpu.memory_space<hbm>> -> memref<128xi32, #tpu.memory_space<hbm>>
      %dma_wait3A_365 = arith.constant 256 : i32
      %dma_wait3A_366 = tpu.memref_slice %arg6[%dma_wait3A_365] : memref<512xi32, #tpu.memory_space<vmem>> -> memref<128xi32, #tpu.memory_space<vmem>>
      %dma_wait3A_367 = tpu.memref_slice %arg3[%add3A_8] : memref<16384xi32, #tpu.memory_space<hbm>> -> memref<128xi32, #tpu.memory_space<hbm>>
      tpu.wait_dma2 semaphore(%run_scoped3A : memref<!tpu.dma_semaphore, #tpu.memory_space<semaphore_mem>>) src(%dma_wait3A_367 : memref<128xi32, #tpu.memory_space<hbm>>) dst(%dma_wait3A_366 : memref<128xi32, #tpu.memory_space<vmem>>)
      tpu.yield
    }) : () -> ()
    %add3A_9 = arith.constant 12288 : i32
    %add3A_10 = arith.addi %add3A_9, %mul3A_2 : i32
    "tpu.region"() ({
      %run_scoped3A = tpu.sem_alloc : memref<!tpu.dma_semaphore, #tpu.memory_space<semaphore_mem>>
      %dma_start3A_356 = arith.constant 384 : i32
      %dma_start3A_357 = tpu.memref_slice %arg6[%dma_start3A_356] : memref<512xi32, #tpu.memory_space<vmem>> -> memref<128xi32, #tpu.memory_space<vmem>>
      %dma_start3A_358 = tpu.memref_slice %arg3[%add3A_10] : memref<16384xi32, #tpu.memory_space<hbm>> -> memref<128xi32, #tpu.memory_space<hbm>>
      %dma_start3A_359 = arith.constant 384 : i32
      %dma_start3A_360 = tpu.memref_slice %arg6[%dma_start3A_359] : memref<512xi32, #tpu.memory_space<vmem>> -> memref<128xi32, #tpu.memory_space<vmem>>
      %dma_start3A_361 = tpu.memref_slice %arg3[%add3A_10] : memref<16384xi32, #tpu.memory_space<hbm>> -> memref<128xi32, #tpu.memory_space<hbm>>
      tpu.enqueue_dma source(%dma_start3A_361 : memref<128xi32, #tpu.memory_space<hbm>>) target(%dma_start3A_360 : memref<128xi32, #tpu.memory_space<vmem>>) target_semaphore(%run_scoped3A : memref<!tpu.dma_semaphore, #tpu.memory_space<semaphore_mem>>)
      %dma_wait3A_362 = arith.constant 384 : i32
      %dma_wait3A_363 = tpu.memref_slice %arg6[%dma_wait3A_362] : memref<512xi32, #tpu.memory_space<vmem>> -> memref<128xi32, #tpu.memory_space<vmem>>
      %dma_wait3A_364 = tpu.memref_slice %arg3[%add3A_10] : memref<16384xi32, #tpu.memory_space<hbm>> -> memref<128xi32, #tpu.memory_space<hbm>>
      %dma_wait3A_365 = arith.constant 384 : i32
      %dma_wait3A_366 = tpu.memref_slice %arg6[%dma_wait3A_365] : memref<512xi32, #tpu.memory_space<vmem>> -> memref<128xi32, #tpu.memory_space<vmem>>
      %dma_wait3A_367 = tpu.memref_slice %arg3[%add3A_10] : memref<16384xi32, #tpu.memory_space<hbm>> -> memref<128xi32, #tpu.memory_space<hbm>>
      tpu.wait_dma2 semaphore(%run_scoped3A : memref<!tpu.dma_semaphore, #tpu.memory_space<semaphore_mem>>) src(%dma_wait3A_367 : memref<128xi32, #tpu.memory_space<hbm>>) dst(%dma_wait3A_366 : memref<128xi32, #tpu.memory_space<vmem>>)
      tpu.yield
    }) : () -> ()
    %add3A_11 = arith.constant 0 : i32
    %add3A_12 = arith.addi %mul3A_2, %add3A_11 : i32
    %dma_start3A = arith.constant 0 : i32
    %dma_start3A_13 = arith.constant 0 : i32
    %dma_start3A_14 = tpu.memref_slice %arg10[%dma_start3A, %dma_start3A_13] : memref<32x1024xf32, #tpu.memory_space<vmem>> -> memref<8x1024xf32, #tpu.memory_space<vmem>>
    %dma_start3A_15 = arith.constant 0 : i32
    %dma_start3A_16 = tpu.memref_slice %arg6[%dma_start3A_15] : memref<512xi32, #tpu.memory_space<vmem>> -> memref<8xi32, #tpu.memory_space<vmem>>
    %dma_start3A_17 = arith.constant 0 : i32
    %dma_start3A_18 = arith.constant 0 : i32
    %dma_start3A_19 = tpu.memref_slice %arg2[%dma_start3A_17, %dma_start3A_18] : memref<100000x1024xf32, #tpu.memory_space<hbm>> -> memref<100000x1024xf32, #tpu.memory_space<hbm>>
    tpu.enqueue_indirect_dma source(%dma_start3A_19 : memref<100000x1024xf32, #tpu.memory_space<hbm>>) target(%dma_start3A_14 : memref<8x1024xf32, #tpu.memory_space<vmem>>) offsets(%dma_start3A_16 : memref<8xi32, #tpu.memory_space<vmem>>) semaphore(%arg13 : memref<!tpu.dma_semaphore, #tpu.memory_space<semaphore_mem>>)
    %dma_start3A_20 = arith.constant 8 : i32
    %dma_start3A_21 = arith.constant 0 : i32
    %dma_start3A_22 = tpu.memref_slice %arg10[%dma_start3A_20, %dma_start3A_21] : memref<32x1024xf32, #tpu.memory_space<vmem>> -> memref<8x1024xf32, #tpu.memory_space<vmem>>
    %dma_start3A_23 = arith.constant 128 : i32
    %dma_start3A_24 = tpu.memref_slice %arg6[%dma_start3A_23] : memref<512xi32, #tpu.memory_space<vmem>> -> memref<8xi32, #tpu.memory_space<vmem>>
    %dma_start3A_25 = arith.constant 0 : i32
    %dma_start3A_26 = arith.constant 0 : i32
    %dma_start3A_27 = tpu.memref_slice %arg2[%dma_start3A_25, %dma_start3A_26] : memref<100000x1024xf32, #tpu.memory_space<hbm>> -> memref<100000x1024xf32, #tpu.memory_space<hbm>>
    tpu.enqueue_indirect_dma source(%dma_start3A_27 : memref<100000x1024xf32, #tpu.memory_space<hbm>>) target(%dma_start3A_22 : memref<8x1024xf32, #tpu.memory_space<vmem>>) offsets(%dma_start3A_24 : memref<8xi32, #tpu.memory_space<vmem>>) semaphore(%arg13 : memref<!tpu.dma_semaphore, #tpu.memory_space<semaphore_mem>>)
    %dma_start3A_28 = arith.constant 16 : i32
    %dma_start3A_29 = arith.constant 0 : i32
    %dma_start3A_30 = tpu.memref_slice %arg10[%dma_start3A_28, %dma_start3A_29] : memref<32x1024xf32, #tpu.memory_space<vmem>> -> memref<8x1024xf32, #tpu.memory_space<vmem>>
    %dma_start3A_31 = arith.constant 256 : i32
    %dma_start3A_32 = tpu.memref_slice %arg6[%dma_start3A_31] : memref<512xi32, #tpu.memory_space<vmem>> -> memref<8xi32, #tpu.memory_space<vmem>>
    %dma_start3A_33 = arith.constant 0 : i32
    %dma_start3A_34 = arith.constant 0 : i32
    %dma_start3A_35 = tpu.memref_slice %arg2[%dma_start3A_33, %dma_start3A_34] : memref<100000x1024xf32, #tpu.memory_space<hbm>> -> memref<100000x1024xf32, #tpu.memory_space<hbm>>
    tpu.enqueue_indirect_dma source(%dma_start3A_35 : memref<100000x1024xf32, #tpu.memory_space<hbm>>) target(%dma_start3A_30 : memref<8x1024xf32, #tpu.memory_space<vmem>>) offsets(%dma_start3A_32 : memref<8xi32, #tpu.memory_space<vmem>>) semaphore(%arg13 : memref<!tpu.dma_semaphore, #tpu.memory_space<semaphore_mem>>)
    %dma_start3A_36 = arith.constant 24 : i32
    %dma_start3A_37 = arith.constant 0 : i32
    %dma_start3A_38 = tpu.memref_slice %arg10[%dma_start3A_36, %dma_start3A_37] : memref<32x1024xf32, #tpu.memory_space<vmem>> -> memref<8x1024xf32, #tpu.memory_space<vmem>>
    %dma_start3A_39 = arith.constant 384 : i32
    %dma_start3A_40 = tpu.memref_slice %arg6[%dma_start3A_39] : memref<512xi32, #tpu.memory_space<vmem>> -> memref<8xi32, #tpu.memory_space<vmem>>
    %dma_start3A_41 = arith.constant 0 : i32
    %dma_start3A_42 = arith.constant 0 : i32
    %dma_start3A_43 = tpu.memref_slice %arg2[%dma_start3A_41, %dma_start3A_42] : memref<100000x1024xf32, #tpu.memory_space<hbm>> -> memref<100000x1024xf32, #tpu.memory_space<hbm>>
    tpu.enqueue_indirect_dma source(%dma_start3A_43 : memref<100000x1024xf32, #tpu.memory_space<hbm>>) target(%dma_start3A_38 : memref<8x1024xf32, #tpu.memory_space<vmem>>) offsets(%dma_start3A_40 : memref<8xi32, #tpu.memory_space<vmem>>) semaphore(%arg13 : memref<!tpu.dma_semaphore, #tpu.memory_space<semaphore_mem>>)
    %dma_start3A_44 = arith.constant 0 : i32
    %dma_start3A_45 = tpu.memref_slice %arg4[%add3A_12, %dma_start3A_44] : memref<4096x1024xf32, #tpu.memory_space<hbm>> -> memref<8x1024xf32, #tpu.memory_space<hbm>>
    %dma_start3A_46 = arith.constant 0 : i32
    %dma_start3A_47 = tpu.memref_slice %arg4[%add3A_12, %dma_start3A_46] : memref<4096x1024xf32, #tpu.memory_space<hbm>> -> memref<8x1024xf32, #tpu.memory_space<hbm>>
    tpu.enqueue_dma source(%dma_start3A_47 : memref<8x1024xf32, #tpu.memory_space<hbm>>) target(%arg7 : memref<8x1024xf32, #tpu.memory_space<vmem>>) target_semaphore(%arg13 : memref<!tpu.dma_semaphore, #tpu.memory_space<semaphore_mem>>)
    %add3A_48 = arith.constant 8 : i32
    %add3A_49 = arith.addi %mul3A_2, %add3A_48 : i32
    %dma_start3A_50 = arith.constant 0 : i32
    %dma_start3A_51 = arith.constant 0 : i32
    %dma_start3A_52 = tpu.memref_slice %arg11[%dma_start3A_50, %dma_start3A_51] : memref<32x1024xf32, #tpu.memory_space<vmem>> -> memref<8x1024xf32, #tpu.memory_space<vmem>>
    %dma_start3A_53 = arith.constant 8 : i32
    %dma_start3A_54 = tpu.memref_slice %arg6[%dma_start3A_53] : memref<512xi32, #tpu.memory_space<vmem>> -> memref<8xi32, #tpu.memory_space<vmem>>
    %dma_start3A_55 = arith.constant 0 : i32
    %dma_start3A_56 = arith.constant 0 : i32
    %dma_start3A_57 = tpu.memref_slice %arg2[%dma_start3A_55, %dma_start3A_56] : memref<100000x1024xf32, #tpu.memory_space<hbm>> -> memref<100000x1024xf32, #tpu.memory_space<hbm>>
    tpu.enqueue_indirect_dma source(%dma_start3A_57 : memref<100000x1024xf32, #tpu.memory_space<hbm>>) target(%dma_start3A_52 : memref<8x1024xf32, #tpu.memory_space<vmem>>) offsets(%dma_start3A_54 : memref<8xi32, #tpu.memory_space<vmem>>) semaphore(%arg14 : memref<!tpu.dma_semaphore, #tpu.memory_space<semaphore_mem>>)
    %dma_start3A_58 = arith.constant 8 : i32
    %dma_start3A_59 = arith.constant 0 : i32
    %dma_start3A_60 = tpu.memref_slice %arg11[%dma_start3A_58, %dma_start3A_59] : memref<32x1024xf32, #tpu.memory_space<vmem>> -> memref<8x1024xf32, #tpu.memory_space<vmem>>
    %dma_start3A_61 = arith.constant 136 : i32
    %dma_start3A_62 = tpu.memref_slice %arg6[%dma_start3A_61] : memref<512xi32, #tpu.memory_space<vmem>> -> memref<8xi32, #tpu.memory_space<vmem>>
    %dma_start3A_63 = arith.constant 0 : i32
    %dma_start3A_64 = arith.constant 0 : i32
    %dma_start3A_65 = tpu.memref_slice %arg2[%dma_start3A_63, %dma_start3A_64] : memref<100000x1024xf32, #tpu.memory_space<hbm>> -> memref<100000x1024xf32, #tpu.memory_space<hbm>>
    tpu.enqueue_indirect_dma source(%dma_start3A_65 : memref<100000x1024xf32, #tpu.memory_space<hbm>>) target(%dma_start3A_60 : memref<8x1024xf32, #tpu.memory_space<vmem>>) offsets(%dma_start3A_62 : memref<8xi32, #tpu.memory_space<vmem>>) semaphore(%arg14 : memref<!tpu.dma_semaphore, #tpu.memory_space<semaphore_mem>>)
    %dma_start3A_66 = arith.constant 16 : i32
    %dma_start3A_67 = arith.constant 0 : i32
    %dma_start3A_68 = tpu.memref_slice %arg11[%dma_start3A_66, %dma_start3A_67] : memref<32x1024xf32, #tpu.memory_space<vmem>> -> memref<8x1024xf32, #tpu.memory_space<vmem>>
    %dma_start3A_69 = arith.constant 264 : i32
    %dma_start3A_70 = tpu.memref_slice %arg6[%dma_start3A_69] : memref<512xi32, #tpu.memory_space<vmem>> -> memref<8xi32, #tpu.memory_space<vmem>>
    %dma_start3A_71 = arith.constant 0 : i32
    %dma_start3A_72 = arith.constant 0 : i32
    %dma_start3A_73 = tpu.memref_slice %arg2[%dma_start3A_71, %dma_start3A_72] : memref<100000x1024xf32, #tpu.memory_space<hbm>> -> memref<100000x1024xf32, #tpu.memory_space<hbm>>
    tpu.enqueue_indirect_dma source(%dma_start3A_73 : memref<100000x1024xf32, #tpu.memory_space<hbm>>) target(%dma_start3A_68 : memref<8x1024xf32, #tpu.memory_space<vmem>>) offsets(%dma_start3A_70 : memref<8xi32, #tpu.memory_space<vmem>>) semaphore(%arg14 : memref<!tpu.dma_semaphore, #tpu.memory_space<semaphore_mem>>)
    %dma_start3A_74 = arith.constant 24 : i32
    %dma_start3A_75 = arith.constant 0 : i32
    %dma_start3A_76 = tpu.memref_slice %arg11[%dma_start3A_74, %dma_start3A_75] : memref<32x1024xf32, #tpu.memory_space<vmem>> -> memref<8x1024xf32, #tpu.memory_space<vmem>>
    %dma_start3A_77 = arith.constant 392 : i32
    %dma_start3A_78 = tpu.memref_slice %arg6[%dma_start3A_77] : memref<512xi32, #tpu.memory_space<vmem>> -> memref<8xi32, #tpu.memory_space<vmem>>
    %dma_start3A_79 = arith.constant 0 : i32
    %dma_start3A_80 = arith.constant 0 : i32
    %dma_start3A_81 = tpu.memref_slice %arg2[%dma_start3A_79, %dma_start3A_80] : memref<100000x1024xf32, #tpu.memory_space<hbm>> -> memref<100000x1024xf32, #tpu.memory_space<hbm>>
    tpu.enqueue_indirect_dma source(%dma_start3A_81 : memref<100000x1024xf32, #tpu.memory_space<hbm>>) target(%dma_start3A_76 : memref<8x1024xf32, #tpu.memory_space<vmem>>) offsets(%dma_start3A_78 : memref<8xi32, #tpu.memory_space<vmem>>) semaphore(%arg14 : memref<!tpu.dma_semaphore, #tpu.memory_space<semaphore_mem>>)
    %dma_start3A_82 = arith.constant 0 : i32
    %dma_start3A_83 = tpu.memref_slice %arg4[%add3A_49, %dma_start3A_82] : memref<4096x1024xf32, #tpu.memory_space<hbm>> -> memref<8x1024xf32, #tpu.memory_space<hbm>>
    %dma_start3A_84 = arith.constant 0 : i32
    %dma_start3A_85 = tpu.memref_slice %arg4[%add3A_49, %dma_start3A_84] : memref<4096x1024xf32, #tpu.memory_space<hbm>> -> memref<8x1024xf32, #tpu.memory_space<hbm>>
    tpu.enqueue_dma source(%dma_start3A_85 : memref<8x1024xf32, #tpu.memory_space<hbm>>) target(%arg8 : memref<8x1024xf32, #tpu.memory_space<vmem>>) target_semaphore(%arg14 : memref<!tpu.dma_semaphore, #tpu.memory_space<semaphore_mem>>)
    %scan3A = arith.constant 0 : i32
    %scan3A_86 = arith.constant 5 : i32
    %scan3A_87 = arith.addi %scan3A, %scan3A_86 : i32
    %scan3A_88 = arith.constant 1 : i32
    scf.for %scan3A_356 = %scan3A to %scan3A_87 step %scan3A_88  : i32 {
      %mul3A_357 = arith.constant 3 : i32
      %mul3A_358 = arith.muli %scan3A_356, %mul3A_357 : i32
      %add3A_359 = arith.constant 0 : i32
      %add3A_360 = arith.addi %add3A_359, %mul3A_358 : i32
      %add3A_361 = arith.constant 0 : i32
      %add3A_362 = arith.addi %add3A_360, %add3A_361 : i32
      %mul3A_363 = arith.constant 8 : i32
      %mul3A_364 = arith.muli %add3A_362, %mul3A_363 : i32
      %add3A_365 = arith.constant 0 : i32
      %add3A_366 = arith.addi %add3A_365, %mul3A_364 : i32
      %mul3A_367 = arith.constant 8 : i32
      %mul3A_368 = arith.muli %add3A_362, %mul3A_367 : i32
      %add3A_369 = arith.constant 128 : i32
      %add3A_370 = arith.addi %add3A_369, %mul3A_368 : i32
      %mul3A_371 = arith.constant 8 : i32
      %mul3A_372 = arith.muli %add3A_362, %mul3A_371 : i32
      %add3A_373 = arith.constant 256 : i32
      %add3A_374 = arith.addi %add3A_373, %mul3A_372 : i32
      %mul3A_375 = arith.constant 8 : i32
      %mul3A_376 = arith.muli %add3A_362, %mul3A_375 : i32
      %add3A_377 = arith.constant 384 : i32
      %add3A_378 = arith.addi %add3A_377, %mul3A_376 : i32
      %mul3A_379 = arith.constant 8 : i32
      %mul3A_380 = arith.muli %add3A_362, %mul3A_379 : i32
      %add3A_381 = arith.addi %mul3A_2, %mul3A_380 : i32
      %dma_wait3A_382 = arith.constant 0 : i32
      %dma_wait3A_383 = arith.constant 0 : i32
      %dma_wait3A_384 = tpu.memref_slice %arg10[%dma_wait3A_382, %dma_wait3A_383] : memref<32x1024xf32, #tpu.memory_space<vmem>> -> memref<8x1024xf32, #tpu.memory_space<vmem>>
      %dma_wait3A_385 = tpu.memref_slice %arg6[%add3A_366] : memref<512xi32, #tpu.memory_space<vmem>> -> memref<8xi32, #tpu.memory_space<vmem>>
      %dma_wait3A_386 = arith.constant 0 : i32
      %dma_wait3A_387 = arith.constant 0 : i32
      %dma_wait3A_388 = tpu.memref_slice %arg2[%dma_wait3A_386, %dma_wait3A_387] : memref<100000x1024xf32, #tpu.memory_space<hbm>> -> memref<100000x1024xf32, #tpu.memory_space<hbm>>
      tpu.wait_indirect_dma semaphore(%arg13 : memref<!tpu.dma_semaphore, #tpu.memory_space<semaphore_mem>>) src(%dma_wait3A_388 : memref<100000x1024xf32, #tpu.memory_space<hbm>>) dst(%dma_wait3A_384 : memref<8x1024xf32, #tpu.memory_space<vmem>>)
      %dma_wait3A_389 = arith.constant 8 : i32
      %dma_wait3A_390 = arith.constant 0 : i32
      %dma_wait3A_391 = tpu.memref_slice %arg10[%dma_wait3A_389, %dma_wait3A_390] : memref<32x1024xf32, #tpu.memory_space<vmem>> -> memref<8x1024xf32, #tpu.memory_space<vmem>>
      %dma_wait3A_392 = tpu.memref_slice %arg6[%add3A_370] : memref<512xi32, #tpu.memory_space<vmem>> -> memref<8xi32, #tpu.memory_space<vmem>>
      %dma_wait3A_393 = arith.constant 0 : i32
      %dma_wait3A_394 = arith.constant 0 : i32
      %dma_wait3A_395 = tpu.memref_slice %arg2[%dma_wait3A_393, %dma_wait3A_394] : memref<100000x1024xf32, #tpu.memory_space<hbm>> -> memref<100000x1024xf32, #tpu.memory_space<hbm>>
      tpu.wait_indirect_dma semaphore(%arg13 : memref<!tpu.dma_semaphore, #tpu.memory_space<semaphore_mem>>) src(%dma_wait3A_395 : memref<100000x1024xf32, #tpu.memory_space<hbm>>) dst(%dma_wait3A_391 : memref<8x1024xf32, #tpu.memory_space<vmem>>)
      %dma_wait3A_396 = arith.constant 16 : i32
      %dma_wait3A_397 = arith.constant 0 : i32
      %dma_wait3A_398 = tpu.memref_slice %arg10[%dma_wait3A_396, %dma_wait3A_397] : memref<32x1024xf32, #tpu.memory_space<vmem>> -> memref<8x1024xf32, #tpu.memory_space<vmem>>
      %dma_wait3A_399 = tpu.memref_slice %arg6[%add3A_374] : memref<512xi32, #tpu.memory_space<vmem>> -> memref<8xi32, #tpu.memory_space<vmem>>
      %dma_wait3A_400 = arith.constant 0 : i32
      %dma_wait3A_401 = arith.constant 0 : i32
      %dma_wait3A_402 = tpu.memref_slice %arg2[%dma_wait3A_400, %dma_wait3A_401] : memref<100000x1024xf32, #tpu.memory_space<hbm>> -> memref<100000x1024xf32, #tpu.memory_space<hbm>>
      tpu.wait_indirect_dma semaphore(%arg13 : memref<!tpu.dma_semaphore, #tpu.memory_space<semaphore_mem>>) src(%dma_wait3A_402 : memref<100000x1024xf32, #tpu.memory_space<hbm>>) dst(%dma_wait3A_398 : memref<8x1024xf32, #tpu.memory_space<vmem>>)
      %dma_wait3A_403 = arith.constant 24 : i32
      %dma_wait3A_404 = arith.constant 0 : i32
      %dma_wait3A_405 = tpu.memref_slice %arg10[%dma_wait3A_403, %dma_wait3A_404] : memref<32x1024xf32, #tpu.memory_space<vmem>> -> memref<8x1024xf32, #tpu.memory_space<vmem>>
      %dma_wait3A_406 = tpu.memref_slice %arg6[%add3A_378] : memref<512xi32, #tpu.memory_space<vmem>> -> memref<8xi32, #tpu.memory_space<vmem>>
      %dma_wait3A_407 = arith.constant 0 : i32
      %dma_wait3A_408 = arith.constant 0 : i32
      %dma_wait3A_409 = tpu.memref_slice %arg2[%dma_wait3A_407, %dma_wait3A_408] : memref<100000x1024xf32, #tpu.memory_space<hbm>> -> memref<100000x1024xf32, #tpu.memory_space<hbm>>
      tpu.wait_indirect_dma semaphore(%arg13 : memref<!tpu.dma_semaphore, #tpu.memory_space<semaphore_mem>>) src(%dma_wait3A_409 : memref<100000x1024xf32, #tpu.memory_space<hbm>>) dst(%dma_wait3A_405 : memref<8x1024xf32, #tpu.memory_space<vmem>>)
      %dma_wait3A_410 = arith.constant 0 : i32
      %dma_wait3A_411 = tpu.memref_slice %arg4[%add3A_381, %dma_wait3A_410] : memref<4096x1024xf32, #tpu.memory_space<hbm>> -> memref<8x1024xf32, #tpu.memory_space<hbm>>
      %dma_wait3A_412 = arith.constant 0 : i32
      %dma_wait3A_413 = tpu.memref_slice %arg4[%add3A_381, %dma_wait3A_412] : memref<4096x1024xf32, #tpu.memory_space<hbm>> -> memref<8x1024xf32, #tpu.memory_space<hbm>>
      tpu.wait_dma2 semaphore(%arg13 : memref<!tpu.dma_semaphore, #tpu.memory_space<semaphore_mem>>) src(%dma_wait3A_413 : memref<8x1024xf32, #tpu.memory_space<hbm>>) dst(%arg7 : memref<8x1024xf32, #tpu.memory_space<vmem>>)
      %add3A_414 = arith.constant 3 : i32
      %add3A_415 = arith.addi %add3A_362, %add3A_414 : i32
      %sub3A = arith.constant 1 : i32
      %sub3A_416 = arith.subi %add3A_415, %sub3A : i32
      %lt3A = arith.constant 16 : i32
      %lt3A_417 = arith.cmpi slt, %sub3A_416, %lt3A : i32
      %convert_element_type3A = arith.extui %lt3A_417 : i1 to i32
      %cond3A = arith.constant 0 : i32
      %cond3A_418 = arith.cmpi ne, %convert_element_type3A, %cond3A : i32
      scf.if %cond3A_418 {
        %ge3A = arith.constant 1 : i32
        %ge3A_738 = arith.cmpi sge, %add3A_362, %ge3A : i32
        %convert_element_type3A_739 = arith.extui %ge3A_738 : i1 to i32
        %cond3A_740 = arith.constant 0 : i32
        %cond3A_741 = arith.cmpi ne, %convert_element_type3A_739, %cond3A_740 : i32
        scf.if %cond3A_741 {
          %sub3A_793 = arith.constant 1 : i32
          %sub3A_794 = arith.subi %add3A_362, %sub3A_793 : i32
          %add3A_795 = arith.constant 0 : i32
          %add3A_796 = arith.addi %add3A_795, %mul3A_2 : i32
          %mul3A_797 = arith.constant 8 : i32
          %mul3A_798 = arith.muli %sub3A_794, %mul3A_797 : i32
          %add3A_799 = arith.addi %add3A_796, %mul3A_798 : i32
          %add3A_800 = arith.constant 4096 : i32
          %add3A_801 = arith.addi %add3A_800, %mul3A_2 : i32
          %mul3A_802 = arith.constant 8 : i32
          %mul3A_803 = arith.muli %sub3A_794, %mul3A_802 : i32
          %add3A_804 = arith.addi %add3A_801, %mul3A_803 : i32
          %add3A_805 = arith.constant 8192 : i32
          %add3A_806 = arith.addi %add3A_805, %mul3A_2 : i32
          %mul3A_807 = arith.constant 8 : i32
          %mul3A_808 = arith.muli %sub3A_794, %mul3A_807 : i32
          %add3A_809 = arith.addi %add3A_806, %mul3A_808 : i32
          %add3A_810 = arith.constant 12288 : i32
          %add3A_811 = arith.addi %add3A_810, %mul3A_2 : i32
          %mul3A_812 = arith.constant 8 : i32
          %mul3A_813 = arith.muli %sub3A_794, %mul3A_812 : i32
          %add3A_814 = arith.addi %add3A_811, %mul3A_813 : i32
          %dma_wait3A_815 = arith.constant 0 : i32
          %dma_wait3A_816 = arith.constant 0 : i32
          %dma_wait3A_817 = tpu.memref_slice %arg12[%dma_wait3A_815, %dma_wait3A_816] : memref<32x1024xf32, #tpu.memory_space<vmem>> -> memref<8x1024xf32, #tpu.memory_space<vmem>>
          %dma_wait3A_818 = arith.constant 0 : i32
          %dma_wait3A_819 = tpu.memref_slice %arg5[%add3A_799, %dma_wait3A_818] : memref<16384x1024xf32, #tpu.memory_space<hbm>> -> memref<8x1024xf32, #tpu.memory_space<hbm>>
          %dma_wait3A_820 = arith.constant 0 : i32
          %dma_wait3A_821 = tpu.memref_slice %arg5[%add3A_799, %dma_wait3A_820] : memref<16384x1024xf32, #tpu.memory_space<hbm>> -> memref<8x1024xf32, #tpu.memory_space<hbm>>
          %dma_wait3A_822 = arith.constant 0 : i32
          %dma_wait3A_823 = arith.constant 0 : i32
          %dma_wait3A_824 = tpu.memref_slice %arg12[%dma_wait3A_822, %dma_wait3A_823] : memref<32x1024xf32, #tpu.memory_space<vmem>> -> memref<8x1024xf32, #tpu.memory_space<vmem>>
          tpu.wait_dma2 semaphore(%arg18 : memref<!tpu.dma_semaphore, #tpu.memory_space<semaphore_mem>>) src(%dma_wait3A_824 : memref<8x1024xf32, #tpu.memory_space<vmem>>) dst(%dma_wait3A_821 : memref<8x1024xf32, #tpu.memory_space<hbm>>)
          %dma_wait3A_825 = arith.constant 8 : i32
          %dma_wait3A_826 = arith.constant 0 : i32
          %dma_wait3A_827 = tpu.memref_slice %arg12[%dma_wait3A_825, %dma_wait3A_826] : memref<32x1024xf32, #tpu.memory_space<vmem>> -> memref<8x1024xf32, #tpu.memory_space<vmem>>
          %dma_wait3A_828 = arith.constant 0 : i32
          %dma_wait3A_829 = tpu.memref_slice %arg5[%add3A_804, %dma_wait3A_828] : memref<16384x1024xf32, #tpu.memory_space<hbm>> -> memref<8x1024xf32, #tpu.memory_space<hbm>>
          %dma_wait3A_830 = arith.constant 0 : i32
          %dma_wait3A_831 = tpu.memref_slice %arg5[%add3A_804, %dma_wait3A_830] : memref<16384x1024xf32, #tpu.memory_space<hbm>> -> memref<8x1024xf32, #tpu.memory_space<hbm>>
          %dma_wait3A_832 = arith.constant 8 : i32
          %dma_wait3A_833 = arith.constant 0 : i32
          %dma_wait3A_834 = tpu.memref_slice %arg12[%dma_wait3A_832, %dma_wait3A_833] : memref<32x1024xf32, #tpu.memory_space<vmem>> -> memref<8x1024xf32, #tpu.memory_space<vmem>>
          tpu.wait_dma2 semaphore(%arg18 : memref<!tpu.dma_semaphore, #tpu.memory_space<semaphore_mem>>) src(%dma_wait3A_834 : memref<8x1024xf32, #tpu.memory_space<vmem>>) dst(%dma_wait3A_831 : memref<8x1024xf32, #tpu.memory_space<hbm>>)
          %dma_wait3A_835 = arith.constant 16 : i32
          %dma_wait3A_836 = arith.constant 0 : i32
          %dma_wait3A_837 = tpu.memref_slice %arg12[%dma_wait3A_835, %dma_wait3A_836] : memref<32x1024xf32, #tpu.memory_space<vmem>> -> memref<8x1024xf32, #tpu.memory_space<vmem>>
          %dma_wait3A_838 = arith.constant 0 : i32
          %dma_wait3A_839 = tpu.memref_slice %arg5[%add3A_809, %dma_wait3A_838] : memref<16384x1024xf32, #tpu.memory_space<hbm>> -> memref<8x1024xf32, #tpu.memory_space<hbm>>
          %dma_wait3A_840 = arith.constant 0 : i32
          %dma_wait3A_841 = tpu.memref_slice %arg5[%add3A_809, %dma_wait3A_840] : memref<16384x1024xf32, #tpu.memory_space<hbm>> -> memref<8x1024xf32, #tpu.memory_space<hbm>>
          %dma_wait3A_842 = arith.constant 16 : i32
          %dma_wait3A_843 = arith.constant 0 : i32
          %dma_wait3A_844 = tpu.memref_slice %arg12[%dma_wait3A_842, %dma_wait3A_843] : memref<32x1024xf32, #tpu.memory_space<vmem>> -> memref<8x1024xf32, #tpu.memory_space<vmem>>
          tpu.wait_dma2 semaphore(%arg18 : memref<!tpu.dma_semaphore, #tpu.memory_space<semaphore_mem>>) src(%dma_wait3A_844 : memref<8x1024xf32, #tpu.memory_space<vmem>>) dst(%dma_wait3A_841 : memref<8x1024xf32, #tpu.memory_space<hbm>>)
          %dma_wait3A_845 = arith.constant 24 : i32
          %dma_wait3A_846 = arith.constant 0 : i32
          %dma_wait3A_847 = tpu.memref_slice %arg12[%dma_wait3A_845, %dma_wait3A_846] : memref<32x1024xf32, #tpu.memory_space<vmem>> -> memref<8x1024xf32, #tpu.memory_space<vmem>>
          %dma_wait3A_848 = arith.constant 0 : i32
          %dma_wait3A_849 = tpu.memref_slice %arg5[%add3A_814, %dma_wait3A_848] : memref<16384x1024xf32, #tpu.memory_space<hbm>> -> memref<8x1024xf32, #tpu.memory_space<hbm>>
          %dma_wait3A_850 = arith.constant 0 : i32
          %dma_wait3A_851 = tpu.memref_slice %arg5[%add3A_814, %dma_wait3A_850] : memref<16384x1024xf32, #tpu.memory_space<hbm>> -> memref<8x1024xf32, #tpu.memory_space<hbm>>
          %dma_wait3A_852 = arith.constant 24 : i32
          %dma_wait3A_853 = arith.constant 0 : i32
          %dma_wait3A_854 = tpu.memref_slice %arg12[%dma_wait3A_852, %dma_wait3A_853] : memref<32x1024xf32, #tpu.memory_space<vmem>> -> memref<8x1024xf32, #tpu.memory_space<vmem>>
          tpu.wait_dma2 semaphore(%arg18 : memref<!tpu.dma_semaphore, #tpu.memory_space<semaphore_mem>>) src(%dma_wait3A_854 : memref<8x1024xf32, #tpu.memory_space<vmem>>) dst(%dma_wait3A_851 : memref<8x1024xf32, #tpu.memory_space<hbm>>)
        } else {
        }
        %mul3A_742 = arith.constant 8 : i32
        %mul3A_743 = arith.muli %sub3A_416, %mul3A_742 : i32
        %add3A_744 = arith.constant 0 : i32
        %add3A_745 = arith.addi %add3A_744, %mul3A_743 : i32
        %mul3A_746 = arith.constant 8 : i32
        %mul3A_747 = arith.muli %sub3A_416, %mul3A_746 : i32
        %add3A_748 = arith.constant 128 : i32
        %add3A_749 = arith.addi %add3A_748, %mul3A_747 : i32
        %mul3A_750 = arith.constant 8 : i32
        %mul3A_751 = arith.muli %sub3A_416, %mul3A_750 : i32
        %add3A_752 = arith.constant 256 : i32
        %add3A_753 = arith.addi %add3A_752, %mul3A_751 : i32
        %mul3A_754 = arith.constant 8 : i32
        %mul3A_755 = arith.muli %sub3A_416, %mul3A_754 : i32
        %add3A_756 = arith.constant 384 : i32
        %add3A_757 = arith.addi %add3A_756, %mul3A_755 : i32
        %mul3A_758 = arith.constant 8 : i32
        %mul3A_759 = arith.muli %sub3A_416, %mul3A_758 : i32
        %add3A_760 = arith.addi %mul3A_2, %mul3A_759 : i32
        %dma_start3A_761 = arith.constant 0 : i32
        %dma_start3A_762 = arith.constant 0 : i32
        %dma_start3A_763 = tpu.memref_slice %arg12[%dma_start3A_761, %dma_start3A_762] : memref<32x1024xf32, #tpu.memory_space<vmem>> -> memref<8x1024xf32, #tpu.memory_space<vmem>>
        %dma_start3A_764 = tpu.memref_slice %arg6[%add3A_745] : memref<512xi32, #tpu.memory_space<vmem>> -> memref<8xi32, #tpu.memory_space<vmem>>
        %dma_start3A_765 = arith.constant 0 : i32
        %dma_start3A_766 = arith.constant 0 : i32
        %dma_start3A_767 = tpu.memref_slice %arg2[%dma_start3A_765, %dma_start3A_766] : memref<100000x1024xf32, #tpu.memory_space<hbm>> -> memref<100000x1024xf32, #tpu.memory_space<hbm>>
        tpu.enqueue_indirect_dma source(%dma_start3A_767 : memref<100000x1024xf32, #tpu.memory_space<hbm>>) target(%dma_start3A_763 : memref<8x1024xf32, #tpu.memory_space<vmem>>) offsets(%dma_start3A_764 : memref<8xi32, #tpu.memory_space<vmem>>) semaphore(%arg15 : memref<!tpu.dma_semaphore, #tpu.memory_space<semaphore_mem>>)
        %dma_start3A_768 = arith.constant 8 : i32
        %dma_start3A_769 = arith.constant 0 : i32
        %dma_start3A_770 = tpu.memref_slice %arg12[%dma_start3A_768, %dma_start3A_769] : memref<32x1024xf32, #tpu.memory_space<vmem>> -> memref<8x1024xf32, #tpu.memory_space<vmem>>
        %dma_start3A_771 = tpu.memref_slice %arg6[%add3A_749] : memref<512xi32, #tpu.memory_space<vmem>> -> memref<8xi32, #tpu.memory_space<vmem>>
        %dma_start3A_772 = arith.constant 0 : i32
        %dma_start3A_773 = arith.constant 0 : i32
        %dma_start3A_774 = tpu.memref_slice %arg2[%dma_start3A_772, %dma_start3A_773] : memref<100000x1024xf32, #tpu.memory_space<hbm>> -> memref<100000x1024xf32, #tpu.memory_space<hbm>>
        tpu.enqueue_indirect_dma source(%dma_start3A_774 : memref<100000x1024xf32, #tpu.memory_space<hbm>>) target(%dma_start3A_770 : memref<8x1024xf32, #tpu.memory_space<vmem>>) offsets(%dma_start3A_771 : memref<8xi32, #tpu.memory_space<vmem>>) semaphore(%arg15 : memref<!tpu.dma_semaphore, #tpu.memory_space<semaphore_mem>>)
        %dma_start3A_775 = arith.constant 16 : i32
        %dma_start3A_776 = arith.constant 0 : i32
        %dma_start3A_777 = tpu.memref_slice %arg12[%dma_start3A_775, %dma_start3A_776] : memref<32x1024xf32, #tpu.memory_space<vmem>> -> memref<8x1024xf32, #tpu.memory_space<vmem>>
        %dma_start3A_778 = tpu.memref_slice %arg6[%add3A_753] : memref<512xi32, #tpu.memory_space<vmem>> -> memref<8xi32, #tpu.memory_space<vmem>>
        %dma_start3A_779 = arith.constant 0 : i32
        %dma_start3A_780 = arith.constant 0 : i32
        %dma_start3A_781 = tpu.memref_slice %arg2[%dma_start3A_779, %dma_start3A_780] : memref<100000x1024xf32, #tpu.memory_space<hbm>> -> memref<100000x1024xf32, #tpu.memory_space<hbm>>
        tpu.enqueue_indirect_dma source(%dma_start3A_781 : memref<100000x1024xf32, #tpu.memory_space<hbm>>) target(%dma_start3A_777 : memref<8x1024xf32, #tpu.memory_space<vmem>>) offsets(%dma_start3A_778 : memref<8xi32, #tpu.memory_space<vmem>>) semaphore(%arg15 : memref<!tpu.dma_semaphore, #tpu.memory_space<semaphore_mem>>)
        %dma_start3A_782 = arith.constant 24 : i32
        %dma_start3A_783 = arith.constant 0 : i32
        %dma_start3A_784 = tpu.memref_slice %arg12[%dma_start3A_782, %dma_start3A_783] : memref<32x1024xf32, #tpu.memory_space<vmem>> -> memref<8x1024xf32, #tpu.memory_space<vmem>>
        %dma_start3A_785 = tpu.memref_slice %arg6[%add3A_757] : memref<512xi32, #tpu.memory_space<vmem>> -> memref<8xi32, #tpu.memory_space<vmem>>
        %dma_start3A_786 = arith.constant 0 : i32
        %dma_start3A_787 = arith.constant 0 : i32
        %dma_start3A_788 = tpu.memref_slice %arg2[%dma_start3A_786, %dma_start3A_787] : memref<100000x1024xf32, #tpu.memory_space<hbm>> -> memref<100000x1024xf32, #tpu.memory_space<hbm>>
        tpu.enqueue_indirect_dma source(%dma_start3A_788 : memref<100000x1024xf32, #tpu.memory_space<hbm>>) target(%dma_start3A_784 : memref<8x1024xf32, #tpu.memory_space<vmem>>) offsets(%dma_start3A_785 : memref<8xi32, #tpu.memory_space<vmem>>) semaphore(%arg15 : memref<!tpu.dma_semaphore, #tpu.memory_space<semaphore_mem>>)
        %dma_start3A_789 = arith.constant 0 : i32
        %dma_start3A_790 = tpu.memref_slice %arg4[%add3A_760, %dma_start3A_789] : memref<4096x1024xf32, #tpu.memory_space<hbm>> -> memref<8x1024xf32, #tpu.memory_space<hbm>>
        %dma_start3A_791 = arith.constant 0 : i32
        %dma_start3A_792 = tpu.memref_slice %arg4[%add3A_760, %dma_start3A_791] : memref<4096x1024xf32, #tpu.memory_space<hbm>> -> memref<8x1024xf32, #tpu.memory_space<hbm>>
        tpu.enqueue_dma source(%dma_start3A_792 : memref<8x1024xf32, #tpu.memory_space<hbm>>) target(%arg9 : memref<8x1024xf32, #tpu.memory_space<vmem>>) target_semaphore(%arg15 : memref<!tpu.dma_semaphore, #tpu.memory_space<semaphore_mem>>)
      } else {
      }
      %scan3A_419 = arith.constant 0 : i32
      %scan3A_420 = arith.constant 8 : i32
      %scan3A_421 = arith.addi %scan3A_419, %scan3A_420 : i32
      %scan3A_422 = arith.constant 1 : i32
      scf.for %scan3A_738 = %scan3A_419 to %scan3A_421 step %scan3A_422  : i32 {
        %mul3A_739 = arith.constant 1 : i32
        %mul3A_740 = arith.muli %scan3A_738, %mul3A_739 : i32
        %add3A_741 = arith.constant 0 : i32
        %add3A_742 = arith.addi %add3A_741, %mul3A_740 : i32
        %scan3A_743 = arith.constant 0 : i32
        %scan3A_744 = arith.constant 64 : i32
        %scan3A_745 = arith.addi %scan3A_743, %scan3A_744 : i32
        %scan3A_746 = arith.constant 4 : i32
        scf.for %scan3A_748 = %scan3A_743 to %scan3A_745 step %scan3A_746  : i32 {
          %mul3A_749 = arith.constant 1 : i32
          %mul3A_750 = arith.muli %scan3A_748, %mul3A_749 : i32
          %add3A_751 = arith.constant 0 : i32
          %add3A_752 = arith.addi %add3A_751, %mul3A_750 : i32
          %mul3A_753 = arith.constant 16 : i32
          %mul3A_754 = arith.muli %add3A_752, %mul3A_753 : i32
          %get3A = arith.index_cast %add3A_742 : i32 to index
          %get3A_755 = arith.index_cast %mul3A_754 : i32 to index
          %get3A_756 = tpu.vector_load %arg7[%get3A, %get3A_755] {strides = array<i32>} : memref<8x1024xf32, #tpu.memory_space<vmem>>, vector<1x16xf32>,
          %get3A_757 = vector.shape_cast %get3A_756 : vector<1x16xf32> to vector<16xf32>
          %add3A_758 = arith.constant 0 : i32
          %add3A_759 = arith.addi %add3A_758, %add3A_742 : i32
          %swap3A = arith.index_cast %add3A_759 : i32 to index
          %swap3A_760 = arith.index_cast %mul3A_754 : i32 to index
          %swap3A_761 = tpu.vector_load %arg10[%swap3A, %swap3A_760] {strides = array<i32>} : memref<32x1024xf32, #tpu.memory_space<vmem>>, vector<1x16xf32>,
          %swap3A_762 = vector.shape_cast %swap3A_761 : vector<1x16xf32> to vector<16xf32>
          %swap3A_763 = vector.shape_cast %get3A_757 : vector<16xf32> to vector<1x16xf32>
          tpu.vector_store %arg10[%swap3A, %swap3A_760], %swap3A_763 {add = true, strides = array<i32>} : memref<32x1024xf32, #tpu.memory_space<vmem>>, vector<1x16xf32>,
          %add3A_764 = arith.constant 8 : i32
          %add3A_765 = arith.addi %add3A_764, %add3A_742 : i32
          %swap3A_766 = arith.index_cast %add3A_765 : i32 to index
          %swap3A_767 = arith.index_cast %mul3A_754 : i32 to index
          %swap3A_768 = tpu.vector_load %arg10[%swap3A_766, %swap3A_767] {strides = array<i32>} : memref<32x1024xf32, #tpu.memory_space<vmem>>, vector<1x16xf32>,
          %swap3A_769 = vector.shape_cast %swap3A_768 : vector<1x16xf32> to vector<16xf32>
          %swap3A_770 = vector.shape_cast %get3A_757 : vector<16xf32> to vector<1x16xf32>
          tpu.vector_store %arg10[%swap3A_766, %swap3A_767], %swap3A_770 {add = true, strides = array<i32>} : memref<32x1024xf32, #tpu.memory_space<vmem>>, vector<1x16xf32>,
          %add3A_771 = arith.constant 16 : i32
          %add3A_772 = arith.addi %add3A_771, %add3A_742 : i32
          %swap3A_773 = arith.index_cast %add3A_772 : i32 to index
          %swap3A_774 = arith.index_cast %mul3A_754 : i32 to index
          %swap3A_775 = tpu.vector_load %arg10[%swap3A_773, %swap3A_774] {strides = array<i32>} : memref<32x1024xf32, #tpu.memory_space<vmem>>, vector<1x16xf32>,
          %swap3A_776 = vector.shape_cast %swap3A_775 : vector<1x16xf32> to vector<16xf32>
          %swap3A_777 = vector.shape_cast %get3A_757 : vector<16xf32> to vector<1x16xf32>
          tpu.vector_store %arg10[%swap3A_773, %swap3A_774], %swap3A_777 {add = true, strides = array<i32>} : memref<32x1024xf32, #tpu.memory_space<vmem>>, vector<1x16xf32>,
          %add3A_778 = arith.constant 24 : i32
          %add3A_779 = arith.addi %add3A_778, %add3A_742 : i32
          %swap3A_780 = arith.index_cast %add3A_779 : i32 to index
          %swap3A_781 = arith.index_cast %mul3A_754 : i32 to index
          %swap3A_782 = tpu.vector_load %arg10[%swap3A_780, %swap3A_781] {strides = array<i32>} : memref<32x1024xf32, #tpu.memory_space<vmem>>, vector<1x16xf32>,
          %swap3A_783 = vector.shape_cast %swap3A_782 : vector<1x16xf32> to vector<16xf32>
          %swap3A_784 = vector.shape_cast %get3A_757 : vector<16xf32> to vector<1x16xf32>
          tpu.vector_store %arg10[%swap3A_780, %swap3A_781], %swap3A_784 {add = true, strides = array<i32>} : memref<32x1024xf32, #tpu.memory_space<vmem>>, vector<1x16xf32>,
          %scan3A_785 = arith.constant 1 : i32
          %scan3A_786 = arith.addi %scan3A_748, %scan3A_785 : i32
          %mul3A_787 = arith.constant 1 : i32
          %mul3A_788 = arith.muli %scan3A_786, %mul3A_787 : i32
          %add3A_789 = arith.constant 0 : i32
          %add3A_790 = arith.addi %add3A_789, %mul3A_788 : i32
          %mul3A_791 = arith.constant 16 : i32
          %mul3A_792 = arith.muli %add3A_790, %mul3A_791 : i32
          %get3A_793 = arith.index_cast %add3A_742 : i32 to index
          %get3A_794 = arith.index_cast %mul3A_792 : i32 to index
          %get3A_795 = tpu.vector_load %arg7[%get3A_793, %get3A_794] {strides = array<i32>} : memref<8x1024xf32, #tpu.memory_space<vmem>>, vector<1x16xf32>,
          %get3A_796 = vector.shape_cast %get3A_795 : vector<1x16xf32> to vector<16xf32>
          %add3A_797 = arith.constant 0 : i32
          %add3A_798 = arith.addi %add3A_797, %add3A_742 : i32
          %swap3A_799 = arith.index_cast %add3A_798 : i32 to index
          %swap3A_800 = arith.index_cast %mul3A_792 : i32 to index
          %swap3A_801 = tpu.vector_load %arg10[%swap3A_799, %swap3A_800] {strides = array<i32>} : memref<32x1024xf32, #tpu.memory_space<vmem>>, vector<1x16xf32>,
          %swap3A_802 = vector.shape_cast %swap3A_801 : vector<1x16xf32> to vector<16xf32>
          %swap3A_803 = vector.shape_cast %get3A_796 : vector<16xf32> to vector<1x16xf32>
          tpu.vector_store %arg10[%swap3A_799, %swap3A_800], %swap3A_803 {add = true, strides = array<i32>} : memref<32x1024xf32, #tpu.memory_space<vmem>>, vector<1x16xf32>,
          %add3A_804 = arith.constant 8 : i32
          %add3A_805 = arith.addi %add3A_804, %add3A_742 : i32
          %swap3A_806 = arith.index_cast %add3A_805 : i32 to index
          %swap3A_807 = arith.index_cast %mul3A_792 : i32 to index
          %swap3A_808 = tpu.vector_load %arg10[%swap3A_806, %swap3A_807] {strides = array<i32>} : memref<32x1024xf32, #tpu.memory_space<vmem>>, vector<1x16xf32>,
          %swap3A_809 = vector.shape_cast %swap3A_808 : vector<1x16xf32> to vector<16xf32>
          %swap3A_810 = vector.shape_cast %get3A_796 : vector<16xf32> to vector<1x16xf32>
          tpu.vector_store %arg10[%swap3A_806, %swap3A_807], %swap3A_810 {add = true, strides = array<i32>} : memref<32x1024xf32, #tpu.memory_space<vmem>>, vector<1x16xf32>,
          %add3A_811 = arith.constant 16 : i32
          %add3A_812 = arith.addi %add3A_811, %add3A_742 : i32
          %swap3A_813 = arith.index_cast %add3A_812 : i32 to index
          %swap3A_814 = arith.index_cast %mul3A_792 : i32 to index
          %swap3A_815 = tpu.vector_load %arg10[%swap3A_813, %swap3A_814] {strides = array<i32>} : memref<32x1024xf32, #tpu.memory_space<vmem>>, vector<1x16xf32>,
          %swap3A_816 = vector.shape_cast %swap3A_815 : vector<1x16xf32> to vector<16xf32>
          %swap3A_817 = vector.shape_cast %get3A_796 : vector<16xf32> to vector<1x16xf32>
          tpu.vector_store %arg10[%swap3A_813, %swap3A_814], %swap3A_817 {add = true, strides = array<i32>} : memref<32x1024xf32, #tpu.memory_space<vmem>>, vector<1x16xf32>,
          %add3A_818 = arith.constant 24 : i32
          %add3A_819 = arith.addi %add3A_818, %add3A_742 : i32
          %swap3A_820 = arith.index_cast %add3A_819 : i32 to index
          %swap3A_821 = arith.index_cast %mul3A_792 : i32 to index
          %swap3A_822 = tpu.vector_load %arg10[%swap3A_820, %swap3A_821] {strides = array<i32>} : memref<32x1024xf32, #tpu.memory_space<vmem>>, vector<1x16xf32>,
          %swap3A_823 = vector.shape_cast %swap3A_822 : vector<1x16xf32> to vector<16xf32>
          %swap3A_824 = vector.shape_cast %get3A_796 : vector<16xf32> to vector<1x16xf32>
          tpu.vector_store %arg10[%swap3A_820, %swap3A_821], %swap3A_824 {add = true, strides = array<i32>} : memref<32x1024xf32, #tpu.memory_space<vmem>>, vector<1x16xf32>,
          %scan3A_825 = arith.constant 2 : i32
          %scan3A_826 = arith.addi %scan3A_748, %scan3A_825 : i32
          %mul3A_827 = arith.constant 1 : i32
          %mul3A_828 = arith.muli %scan3A_826, %mul3A_827 : i32
          %add3A_829 = arith.constant 0 : i32
          %add3A_830 = arith.addi %add3A_829, %mul3A_828 : i32
          %mul3A_831 = arith.constant 16 : i32
          %mul3A_832 = arith.muli %add3A_830, %mul3A_831 : i32
          %get3A_833 = arith.index_cast %add3A_742 : i32 to index
          %get3A_834 = arith.index_cast %mul3A_832 : i32 to index
          %get3A_835 = tpu.vector_load %arg7[%get3A_833, %get3A_834] {strides = array<i32>} : memref<8x1024xf32, #tpu.memory_space<vmem>>, vector<1x16xf32>,
          %get3A_836 = vector.shape_cast %get3A_835 : vector<1x16xf32> to vector<16xf32>
          %add3A_837 = arith.constant 0 : i32
          %add3A_838 = arith.addi %add3A_837, %add3A_742 : i32
          %swap3A_839 = arith.index_cast %add3A_838 : i32 to index
          %swap3A_840 = arith.index_cast %mul3A_832 : i32 to index
          %swap3A_841 = tpu.vector_load %arg10[%swap3A_839, %swap3A_840] {strides = array<i32>} : memref<32x1024xf32, #tpu.memory_space<vmem>>, vector<1x16xf32>,
          %swap3A_842 = vector.shape_cast %swap3A_841 : vector<1x16xf32> to vector<16xf32>
          %swap3A_843 = vector.shape_cast %get3A_836 : vector<16xf32> to vector<1x16xf32>
          tpu.vector_store %arg10[%swap3A_839, %swap3A_840], %swap3A_843 {add = true, strides = array<i32>} : memref<32x1024xf32, #tpu.memory_space<vmem>>, vector<1x16xf32>,
          %add3A_844 = arith.constant 8 : i32
          %add3A_845 = arith.addi %add3A_844, %add3A_742 : i32
          %swap3A_846 = arith.index_cast %add3A_845 : i32 to index
          %swap3A_847 = arith.index_cast %mul3A_832 : i32 to index
          %swap3A_848 = tpu.vector_load %arg10[%swap3A_846, %swap3A_847] {strides = array<i32>} : memref<32x1024xf32, #tpu.memory_space<vmem>>, vector<1x16xf32>,
          %swap3A_849 = vector.shape_cast %swap3A_848 : vector<1x16xf32> to vector<16xf32>
          %swap3A_850 = vector.shape_cast %get3A_836 : vector<16xf32> to vector<1x16xf32>
          tpu.vector_store %arg10[%swap3A_846, %swap3A_847], %swap3A_850 {add = true, strides = array<i32>} : memref<32x1024xf32, #tpu.memory_space<vmem>>, vector<1x16xf32>,
          %add3A_851 = arith.constant 16 : i32
          %add3A_852 = arith.addi %add3A_851, %add3A_742 : i32
          %swap3A_853 = arith.index_cast %add3A_852 : i32 to index
          %swap3A_854 = arith.index_cast %mul3A_832 : i32 to index
          %swap3A_855 = tpu.vector_load %arg10[%swap3A_853, %swap3A_854] {strides = array<i32>} : memref<32x1024xf32, #tpu.memory_space<vmem>>, vector<1x16xf32>,
          %swap3A_856 = vector.shape_cast %swap3A_855 : vector<1x16xf32> to vector<16xf32>
          %swap3A_857 = vector.shape_cast %get3A_836 : vector<16xf32> to vector<1x16xf32>
          tpu.vector_store %arg10[%swap3A_853, %swap3A_854], %swap3A_857 {add = true, strides = array<i32>} : memref<32x1024xf32, #tpu.memory_space<vmem>>, vector<1x16xf32>,
          %add3A_858 = arith.constant 24 : i32
          %add3A_859 = arith.addi %add3A_858, %add3A_742 : i32
          %swap3A_860 = arith.index_cast %add3A_859 : i32 to index
          %swap3A_861 = arith.index_cast %mul3A_832 : i32 to index
          %swap3A_862 = tpu.vector_load %arg10[%swap3A_860, %swap3A_861] {strides = array<i32>} : memref<32x1024xf32, #tpu.memory_space<vmem>>, vector<1x16xf32>,
          %swap3A_863 = vector.shape_cast %swap3A_862 : vector<1x16xf32> to vector<16xf32>
          %swap3A_864 = vector.shape_cast %get3A_836 : vector<16xf32> to vector<1x16xf32>
          tpu.vector_store %arg10[%swap3A_860, %swap3A_861], %swap3A_864 {add = true, strides = array<i32>} : memref<32x1024xf32, #tpu.memory_space<vmem>>, vector<1x16xf32>,
          %scan3A_865 = arith.constant 3 : i32
          %scan3A_866 = arith.addi %scan3A_748, %scan3A_865 : i32
          %mul3A_867 = arith.constant 1 : i32
          %mul3A_868 = arith.muli %scan3A_866, %mul3A_867 : i32
          %add3A_869 = arith.constant 0 : i32
          %add3A_870 = arith.addi %add3A_869, %mul3A_868 : i32
          %mul3A_871 = arith.constant 16 : i32
          %mul3A_872 = arith.muli %add3A_870, %mul3A_871 : i32
          %get3A_873 = arith.index_cast %add3A_742 : i32 to index
          %get3A_874 = arith.index_cast %mul3A_872 : i32 to index
          %get3A_875 = tpu.vector_load %arg7[%get3A_873, %get3A_874] {strides = array<i32>} : memref<8x1024xf32, #tpu.memory_space<vmem>>, vector<1x16xf32>,
          %get3A_876 = vector.shape_cast %get3A_875 : vector<1x16xf32> to vector<16xf32>
          %add3A_877 = arith.constant 0 : i32
          %add3A_878 = arith.addi %add3A_877, %add3A_742 : i32
          %swap3A_879 = arith.index_cast %add3A_878 : i32 to index
          %swap3A_880 = arith.index_cast %mul3A_872 : i32 to index
          %swap3A_881 = tpu.vector_load %arg10[%swap3A_879, %swap3A_880] {strides = array<i32>} : memref<32x1024xf32, #tpu.memory_space<vmem>>, vector<1x16xf32>,
          %swap3A_882 = vector.shape_cast %swap3A_881 : vector<1x16xf32> to vector<16xf32>
          %swap3A_883 = vector.shape_cast %get3A_876 : vector<16xf32> to vector<1x16xf32>
          tpu.vector_store %arg10[%swap3A_879, %swap3A_880], %swap3A_883 {add = true, strides = array<i32>} : memref<32x1024xf32, #tpu.memory_space<vmem>>, vector<1x16xf32>,
          %add3A_884 = arith.constant 8 : i32
          %add3A_885 = arith.addi %add3A_884, %add3A_742 : i32
          %swap3A_886 = arith.index_cast %add3A_885 : i32 to index
          %swap3A_887 = arith.index_cast %mul3A_872 : i32 to index
          %swap3A_888 = tpu.vector_load %arg10[%swap3A_886, %swap3A_887] {strides = array<i32>} : memref<32x1024xf32, #tpu.memory_space<vmem>>, vector<1x16xf32>,
          %swap3A_889 = vector.shape_cast %swap3A_888 : vector<1x16xf32> to vector<16xf32>
          %swap3A_890 = vector.shape_cast %get3A_876 : vector<16xf32> to vector<1x16xf32>
          tpu.vector_store %arg10[%swap3A_886, %swap3A_887], %swap3A_890 {add = true, strides = array<i32>} : memref<32x1024xf32, #tpu.memory_space<vmem>>, vector<1x16xf32>,
          %add3A_891 = arith.constant 16 : i32
          %add3A_892 = arith.addi %add3A_891, %add3A_742 : i32
          %swap3A_893 = arith.index_cast %add3A_892 : i32 to index
          %swap3A_894 = arith.index_cast %mul3A_872 : i32 to index
          %swap3A_895 = tpu.vector_load %arg10[%swap3A_893, %swap3A_894] {strides = array<i32>} : memref<32x1024xf32, #tpu.memory_space<vmem>>, vector<1x16xf32>,
          %swap3A_896 = vector.shape_cast %swap3A_895 : vector<1x16xf32> to vector<16xf32>
          %swap3A_897 = vector.shape_cast %get3A_876 : vector<16xf32> to vector<1x16xf32>
          tpu.vector_store %arg10[%swap3A_893, %swap3A_894], %swap3A_897 {add = true, strides = array<i32>} : memref<32x1024xf32, #tpu.memory_space<vmem>>, vector<1x16xf32>,
          %add3A_898 = arith.constant 24 : i32
          %add3A_899 = arith.addi %add3A_898, %add3A_742 : i32
          %swap3A_900 = arith.index_cast %add3A_899 : i32 to index
          %swap3A_901 = arith.index_cast %mul3A_872 : i32 to index
          %swap3A_902 = tpu.vector_load %arg10[%swap3A_900, %swap3A_901] {strides = array<i32>} : memref<32x1024xf32, #tpu.memory_space<vmem>>, vector<1x16xf32>,
          %swap3A_903 = vector.shape_cast %swap3A_902 : vector<1x16xf32> to vector<16xf32>
          %swap3A_904 = vector.shape_cast %get3A_876 : vector<16xf32> to vector<1x16xf32>
          tpu.vector_store %arg10[%swap3A_900, %swap3A_901], %swap3A_904 {add = true, strides = array<i32>} : memref<32x1024xf32, #tpu.memory_space<vmem>>, vector<1x16xf32>,
        }
        %scan3A_747 = arith.constant 64 : i32
      }
      %scan3A_423 = arith.constant 8 : i32
      %add3A_424 = arith.constant 0 : i32
      %add3A_425 = arith.addi %add3A_424, %mul3A_2 : i32
      %mul3A_426 = arith.constant 8 : i32
      %mul3A_427 = arith.muli %add3A_362, %mul3A_426 : i32
      %add3A_428 = arith.addi %add3A_425, %mul3A_427 : i32
      %add3A_429 = arith.constant 4096 : i32
      %add3A_430 = arith.addi %add3A_429, %mul3A_2 : i32
      %mul3A_431 = arith.constant 8 : i32
      %mul3A_432 = arith.muli %add3A_362, %mul3A_431 : i32
      %add3A_433 = arith.addi %add3A_430, %mul3A_432 : i32
      %add3A_434 = arith.constant 8192 : i32
      %add3A_435 = arith.addi %add3A_434, %mul3A_2 : i32
      %mul3A_436 = arith.constant 8 : i32
      %mul3A_437 = arith.muli %add3A_362, %mul3A_436 : i32
      %add3A_438 = arith.addi %add3A_435, %mul3A_437 : i32
      %add3A_439 = arith.constant 12288 : i32
      %add3A_440 = arith.addi %add3A_439, %mul3A_2 : i32
      %mul3A_441 = arith.constant 8 : i32
      %mul3A_442 = arith.muli %add3A_362, %mul3A_441 : i32
      %add3A_443 = arith.addi %add3A_440, %mul3A_442 : i32
      %dma_start3A_444 = arith.constant 0 : i32
      %dma_start3A_445 = arith.constant 0 : i32
      %dma_start3A_446 = tpu.memref_slice %arg10[%dma_start3A_444, %dma_start3A_445] : memref<32x1024xf32, #tpu.memory_space<vmem>> -> memref<8x1024xf32, #tpu.memory_space<vmem>>
      %dma_start3A_447 = arith.constant 0 : i32
      %dma_start3A_448 = tpu.memref_slice %arg5[%add3A_428, %dma_start3A_447] : memref<16384x1024xf32, #tpu.memory_space<hbm>> -> memref<8x1024xf32, #tpu.memory_space<hbm>>
      %dma_start3A_449 = arith.constant 0 : i32
      %dma_start3A_450 = tpu.memref_slice %arg5[%add3A_428, %dma_start3A_449] : memref<16384x1024xf32, #tpu.memory_space<hbm>> -> memref<8x1024xf32, #tpu.memory_space<hbm>>
      %dma_start3A_451 = arith.constant 0 : i32
      %dma_start3A_452 = arith.constant 0 : i32
      %dma_start3A_453 = tpu.memref_slice %arg10[%dma_start3A_451, %dma_start3A_452] : memref<32x1024xf32, #tpu.memory_space<vmem>> -> memref<8x1024xf32, #tpu.memory_space<vmem>>
      tpu.enqueue_dma source(%dma_start3A_453 : memref<8x1024xf32, #tpu.memory_space<vmem>>) target(%dma_start3A_450 : memref<8x1024xf32, #tpu.memory_space<hbm>>) target_semaphore(%arg16 : memref<!tpu.dma_semaphore, #tpu.memory_space<semaphore_mem>>)
      %dma_start3A_454 = arith.constant 8 : i32
      %dma_start3A_455 = arith.constant 0 : i32
      %dma_start3A_456 = tpu.memref_slice %arg10[%dma_start3A_454, %dma_start3A_455] : memref<32x1024xf32, #tpu.memory_space<vmem>> -> memref<8x1024xf32, #tpu.memory_space<vmem>>
      %dma_start3A_457 = arith.constant 0 : i32
      %dma_start3A_458 = tpu.memref_slice %arg5[%add3A_433, %dma_start3A_457] : memref<16384x1024xf32, #tpu.memory_space<hbm>> -> memref<8x1024xf32, #tpu.memory_space<hbm>>
      %dma_start3A_459 = arith.constant 0 : i32
      %dma_start3A_460 = tpu.memref_slice %arg5[%add3A_433, %dma_start3A_459] : memref<16384x1024xf32, #tpu.memory_space<hbm>> -> memref<8x1024xf32, #tpu.memory_space<hbm>>
      %dma_start3A_461 = arith.constant 8 : i32
      %dma_start3A_462 = arith.constant 0 : i32
      %dma_start3A_463 = tpu.memref_slice %arg10[%dma_start3A_461, %dma_start3A_462] : memref<32x1024xf32, #tpu.memory_space<vmem>> -> memref<8x1024xf32, #tpu.memory_space<vmem>>
      tpu.enqueue_dma source(%dma_start3A_463 : memref<8x1024xf32, #tpu.memory_space<vmem>>) target(%dma_start3A_460 : memref<8x1024xf32, #tpu.memory_space<hbm>>) target_semaphore(%arg16 : memref<!tpu.dma_semaphore, #tpu.memory_space<semaphore_mem>>)
      %dma_start3A_464 = arith.constant 16 : i32
      %dma_start3A_465 = arith.constant 0 : i32
      %dma_start3A_466 = tpu.memref_slice %arg10[%dma_start3A_464, %dma_start3A_465] : memref<32x1024xf32, #tpu.memory_space<vmem>> -> memref<8x1024xf32, #tpu.memory_space<vmem>>
      %dma_start3A_467 = arith.constant 0 : i32
      %dma_start3A_468 = tpu.memref_slice %arg5[%add3A_438, %dma_start3A_467] : memref<16384x1024xf32, #tpu.memory_space<hbm>> -> memref<8x1024xf32, #tpu.memory_space<hbm>>
      %dma_start3A_469 = arith.constant 0 : i32
      %dma_start3A_470 = tpu.memref_slice %arg5[%add3A_438, %dma_start3A_469] : memref<16384x1024xf32, #tpu.memory_space<hbm>> -> memref<8x1024xf32, #tpu.memory_space<hbm>>
      %dma_start3A_471 = arith.constant 16 : i32
      %dma_start3A_472 = arith.constant 0 : i32
      %dma_start3A_473 = tpu.memref_slice %arg10[%dma_start3A_471, %dma_start3A_472] : memref<32x1024xf32, #tpu.memory_space<vmem>> -> memref<8x1024xf32, #tpu.memory_space<vmem>>
      tpu.enqueue_dma source(%dma_start3A_473 : memref<8x1024xf32, #tpu.memory_space<vmem>>) target(%dma_start3A_470 : memref<8x1024xf32, #tpu.memory_space<hbm>>) target_semaphore(%arg16 : memref<!tpu.dma_semaphore, #tpu.memory_space<semaphore_mem>>)
      %dma_start3A_474 = arith.constant 24 : i32
      %dma_start3A_475 = arith.constant 0 : i32
      %dma_start3A_476 = tpu.memref_slice %arg10[%dma_start3A_474, %dma_start3A_475] : memref<32x1024xf32, #tpu.memory_space<vmem>> -> memref<8x1024xf32, #tpu.memory_space<vmem>>
      %dma_start3A_477 = arith.constant 0 : i32
      %dma_start3A_478 = tpu.memref_slice %arg5[%add3A_443, %dma_start3A_477] : memref<16384x1024xf32, #tpu.memory_space<hbm>> -> memref<8x1024xf32, #tpu.memory_space<hbm>>
      %dma_start3A_479 = arith.constant 0 : i32
      %dma_start3A_480 = tpu.memref_slice %arg5[%add3A_443, %dma_start3A_479] : memref<16384x1024xf32, #tpu.memory_space<hbm>> -> memref<8x1024xf32, #tpu.memory_space<hbm>>
      %dma_start3A_481 = arith.constant 24 : i32
      %dma_start3A_482 = arith.constant 0 : i32
      %dma_start3A_483 = tpu.memref_slice %arg10[%dma_start3A_481, %dma_start3A_482] : memref<32x1024xf32, #tpu.memory_space<vmem>> -> memref<8x1024xf32, #tpu.memory_space<vmem>>
      tpu.enqueue_dma source(%dma_start3A_483 : memref<8x1024xf32, #tpu.memory_space<vmem>>) target(%dma_start3A_480 : memref<8x1024xf32, #tpu.memory_space<hbm>>) target_semaphore(%arg16 : memref<!tpu.dma_semaphore, #tpu.memory_space<semaphore_mem>>)
      %add3A_484 = arith.constant 1 : i32
      %add3A_485 = arith.addi %add3A_360, %add3A_484 : i32
      %mul3A_486 = arith.constant 8 : i32
      %mul3A_487 = arith.muli %add3A_485, %mul3A_486 : i32
      %add3A_488 = arith.constant 0 : i32
      %add3A_489 = arith.addi %add3A_488, %mul3A_487 : i32
      %mul3A_490 = arith.constant 8 : i32
      %mul3A_491 = arith.muli %add3A_485, %mul3A_490 : i32
      %add3A_492 = arith.constant 128 : i32
      %add3A_493 = arith.addi %add3A_492, %mul3A_491 : i32
      %mul3A_494 = arith.constant 8 : i32
      %mul3A_495 = arith.muli %add3A_485, %mul3A_494 : i32
      %add3A_496 = arith.constant 256 : i32
      %add3A_497 = arith.addi %add3A_496, %mul3A_495 : i32
      %mul3A_498 = arith.constant 8 : i32
      %mul3A_499 = arith.muli %add3A_485, %mul3A_498 : i32
      %add3A_500 = arith.constant 384 : i32
      %add3A_501 = arith.addi %add3A_500, %mul3A_499 : i32
      %mul3A_502 = arith.constant 8 : i32
      %mul3A_503 = arith.muli %add3A_485, %mul3A_502 : i32
      %add3A_504 = arith.addi %mul3A_2, %mul3A_503 : i32
      %dma_wait3A_505 = arith.constant 0 : i32
      %dma_wait3A_506 = arith.constant 0 : i32
      %dma_wait3A_507 = tpu.memref_slice %arg11[%dma_wait3A_505, %dma_wait3A_506] : memref<32x1024xf32, #tpu.memory_space<vmem>> -> memref<8x1024xf32, #tpu.memory_space<vmem>>
      %dma_wait3A_508 = tpu.memref_slice %arg6[%add3A_489] : memref<512xi32, #tpu.memory_space<vmem>> -> memref<8xi32, #tpu.memory_space<vmem>>
      %dma_wait3A_509 = arith.constant 0 : i32
      %dma_wait3A_510 = arith.constant 0 : i32
      %dma_wait3A_511 = tpu.memref_slice %arg2[%dma_wait3A_509, %dma_wait3A_510] : memref<100000x1024xf32, #tpu.memory_space<hbm>> -> memref<100000x1024xf32, #tpu.memory_space<hbm>>
      tpu.wait_indirect_dma semaphore(%arg14 : memref<!tpu.dma_semaphore, #tpu.memory_space<semaphore_mem>>) src(%dma_wait3A_511 : memref<100000x1024xf32, #tpu.memory_space<hbm>>) dst(%dma_wait3A_507 : memref<8x1024xf32, #tpu.memory_space<vmem>>)
      %dma_wait3A_512 = arith.constant 8 : i32
      %dma_wait3A_513 = arith.constant 0 : i32
      %dma_wait3A_514 = tpu.memref_slice %arg11[%dma_wait3A_512, %dma_wait3A_513] : memref<32x1024xf32, #tpu.memory_space<vmem>> -> memref<8x1024xf32, #tpu.memory_space<vmem>>
      %dma_wait3A_515 = tpu.memref_slice %arg6[%add3A_493] : memref<512xi32, #tpu.memory_space<vmem>> -> memref<8xi32, #tpu.memory_space<vmem>>
      %dma_wait3A_516 = arith.constant 0 : i32
      %dma_wait3A_517 = arith.constant 0 : i32
      %dma_wait3A_518 = tpu.memref_slice %arg2[%dma_wait3A_516, %dma_wait3A_517] : memref<100000x1024xf32, #tpu.memory_space<hbm>> -> memref<100000x1024xf32, #tpu.memory_space<hbm>>
      tpu.wait_indirect_dma semaphore(%arg14 : memref<!tpu.dma_semaphore, #tpu.memory_space<semaphore_mem>>) src(%dma_wait3A_518 : memref<100000x1024xf32, #tpu.memory_space<hbm>>) dst(%dma_wait3A_514 : memref<8x1024xf32, #tpu.memory_space<vmem>>)
      %dma_wait3A_519 = arith.constant 16 : i32
      %dma_wait3A_520 = arith.constant 0 : i32
      %dma_wait3A_521 = tpu.memref_slice %arg11[%dma_wait3A_519, %dma_wait3A_520] : memref<32x1024xf32, #tpu.memory_space<vmem>> -> memref<8x1024xf32, #tpu.memory_space<vmem>>
      %dma_wait3A_522 = tpu.memref_slice %arg6[%add3A_497] : memref<512xi32, #tpu.memory_space<vmem>> -> memref<8xi32, #tpu.memory_space<vmem>>
      %dma_wait3A_523 = arith.constant 0 : i32
      %dma_wait3A_524 = arith.constant 0 : i32
      %dma_wait3A_525 = tpu.memref_slice %arg2[%dma_wait3A_523, %dma_wait3A_524] : memref<100000x1024xf32, #tpu.memory_space<hbm>> -> memref<100000x1024xf32, #tpu.memory_space<hbm>>
      tpu.wait_indirect_dma semaphore(%arg14 : memref<!tpu.dma_semaphore, #tpu.memory_space<semaphore_mem>>) src(%dma_wait3A_525 : memref<100000x1024xf32, #tpu.memory_space<hbm>>) dst(%dma_wait3A_521 : memref<8x1024xf32, #tpu.memory_space<vmem>>)
      %dma_wait3A_526 = arith.constant 24 : i32
      %dma_wait3A_527 = arith.constant 0 : i32
      %dma_wait3A_528 = tpu.memref_slice %arg11[%dma_wait3A_526, %dma_wait3A_527] : memref<32x1024xf32, #tpu.memory_space<vmem>> -> memref<8x1024xf32, #tpu.memory_space<vmem>>
      %dma_wait3A_529 = tpu.memref_slice %arg6[%add3A_501] : memref<512xi32, #tpu.memory_space<vmem>> -> memref<8xi32, #tpu.memory_space<vmem>>
      %dma_wait3A_530 = arith.constant 0 : i32
      %dma_wait3A_531 = arith.constant 0 : i32
      %dma_wait3A_532 = tpu.memref_slice %arg2[%dma_wait3A_530, %dma_wait3A_531] : memref<100000x1024xf32, #tpu.memory_space<hbm>> -> memref<100000x1024xf32, #tpu.memory_space<hbm>>
      tpu.wait_indirect_dma semaphore(%arg14 : memref<!tpu.dma_semaphore, #tpu.memory_space<semaphore_mem>>) src(%dma_wait3A_532 : memref<100000x1024xf32, #tpu.memory_space<hbm>>) dst(%dma_wait3A_528 : memref<8x1024xf32, #tpu.memory_space<vmem>>)
      %dma_wait3A_533 = arith.constant 0 : i32
      %dma_wait3A_534 = tpu.memref_slice %arg4[%add3A_504, %dma_wait3A_533] : memref<4096x1024xf32, #tpu.memory_space<hbm>> -> memref<8x1024xf32, #tpu.memory_space<hbm>>
      %dma_wait3A_535 = arith.constant 0 : i32
      %dma_wait3A_536 = tpu.memref_slice %arg4[%add3A_504, %dma_wait3A_535] : memref<4096x1024xf32, #tpu.memory_space<hbm>> -> memref<8x1024xf32, #tpu.memory_space<hbm>>
      tpu.wait_dma2 semaphore(%arg14 : memref<!tpu.dma_semaphore, #tpu.memory_space<semaphore_mem>>) src(%dma_wait3A_536 : memref<8x1024xf32, #tpu.memory_space<hbm>>) dst(%arg8 : memref<8x1024xf32, #tpu.memory_space<vmem>>)
      %add3A_537 = arith.constant 3 : i32
      %add3A_538 = arith.addi %add3A_485, %add3A_537 : i32
      %sub3A_539 = arith.constant 1 : i32
      %sub3A_540 = arith.subi %add3A_538, %sub3A_539 : i32
      %lt3A_541 = arith.constant 16 : i32
      %lt3A_542 = arith.cmpi slt, %sub3A_540, %lt3A_541 : i32
      %convert_element_type3A_543 = arith.extui %lt3A_542 : i1 to i32
      %cond3A_544 = arith.constant 0 : i32
      %cond3A_545 = arith.cmpi ne, %convert_element_type3A_543, %cond3A_544 : i32
      scf.if %cond3A_545 {
        %ge3A = arith.constant 1 : i32
        %ge3A_738 = arith.cmpi sge, %add3A_485, %ge3A : i32
        %convert_element_type3A_739 = arith.extui %ge3A_738 : i1 to i32
        %cond3A_740 = arith.constant 0 : i32
        %cond3A_741 = arith.cmpi ne, %convert_element_type3A_739, %cond3A_740 : i32
        scf.if %cond3A_741 {
          %sub3A_793 = arith.constant 1 : i32
          %sub3A_794 = arith.subi %add3A_485, %sub3A_793 : i32
          %add3A_795 = arith.constant 0 : i32
          %add3A_796 = arith.addi %add3A_795, %mul3A_2 : i32
          %mul3A_797 = arith.constant 8 : i32
          %mul3A_798 = arith.muli %sub3A_794, %mul3A_797 : i32
          %add3A_799 = arith.addi %add3A_796, %mul3A_798 : i32
          %add3A_800 = arith.constant 4096 : i32
          %add3A_801 = arith.addi %add3A_800, %mul3A_2 : i32
          %mul3A_802 = arith.constant 8 : i32
          %mul3A_803 = arith.muli %sub3A_794, %mul3A_802 : i32
          %add3A_804 = arith.addi %add3A_801, %mul3A_803 : i32
          %add3A_805 = arith.constant 8192 : i32
          %add3A_806 = arith.addi %add3A_805, %mul3A_2 : i32
          %mul3A_807 = arith.constant 8 : i32
          %mul3A_808 = arith.muli %sub3A_794, %mul3A_807 : i32
          %add3A_809 = arith.addi %add3A_806, %mul3A_808 : i32
          %add3A_810 = arith.constant 12288 : i32
          %add3A_811 = arith.addi %add3A_810, %mul3A_2 : i32
          %mul3A_812 = arith.constant 8 : i32
          %mul3A_813 = arith.muli %sub3A_794, %mul3A_812 : i32
          %add3A_814 = arith.addi %add3A_811, %mul3A_813 : i32
          %dma_wait3A_815 = arith.constant 0 : i32
          %dma_wait3A_816 = arith.constant 0 : i32
          %dma_wait3A_817 = tpu.memref_slice %arg10[%dma_wait3A_815, %dma_wait3A_816] : memref<32x1024xf32, #tpu.memory_space<vmem>> -> memref<8x1024xf32, #tpu.memory_space<vmem>>
          %dma_wait3A_818 = arith.constant 0 : i32
          %dma_wait3A_819 = tpu.memref_slice %arg5[%add3A_799, %dma_wait3A_818] : memref<16384x1024xf32, #tpu.memory_space<hbm>> -> memref<8x1024xf32, #tpu.memory_space<hbm>>
          %dma_wait3A_820 = arith.constant 0 : i32
          %dma_wait3A_821 = tpu.memref_slice %arg5[%add3A_799, %dma_wait3A_820] : memref<16384x1024xf32, #tpu.memory_space<hbm>> -> memref<8x1024xf32, #tpu.memory_space<hbm>>
          %dma_wait3A_822 = arith.constant 0 : i32
          %dma_wait3A_823 = arith.constant 0 : i32
          %dma_wait3A_824 = tpu.memref_slice %arg10[%dma_wait3A_822, %dma_wait3A_823] : memref<32x1024xf32, #tpu.memory_space<vmem>> -> memref<8x1024xf32, #tpu.memory_space<vmem>>
          tpu.wait_dma2 semaphore(%arg16 : memref<!tpu.dma_semaphore, #tpu.memory_space<semaphore_mem>>) src(%dma_wait3A_824 : memref<8x1024xf32, #tpu.memory_space<vmem>>) dst(%dma_wait3A_821 : memref<8x1024xf32, #tpu.memory_space<hbm>>)
          %dma_wait3A_825 = arith.constant 8 : i32
          %dma_wait3A_826 = arith.constant 0 : i32
          %dma_wait3A_827 = tpu.memref_slice %arg10[%dma_wait3A_825, %dma_wait3A_826] : memref<32x1024xf32, #tpu.memory_space<vmem>> -> memref<8x1024xf32, #tpu.memory_space<vmem>>
          %dma_wait3A_828 = arith.constant 0 : i32
          %dma_wait3A_829 = tpu.memref_slice %arg5[%add3A_804, %dma_wait3A_828] : memref<16384x1024xf32, #tpu.memory_space<hbm>> -> memref<8x1024xf32, #tpu.memory_space<hbm>>
          %dma_wait3A_830 = arith.constant 0 : i32
          %dma_wait3A_831 = tpu.memref_slice %arg5[%add3A_804, %dma_wait3A_830] : memref<16384x1024xf32, #tpu.memory_space<hbm>> -> memref<8x1024xf32, #tpu.memory_space<hbm>>
          %dma_wait3A_832 = arith.constant 8 : i32
          %dma_wait3A_833 = arith.constant 0 : i32
          %dma_wait3A_834 = tpu.memref_slice %arg10[%dma_wait3A_832, %dma_wait3A_833] : memref<32x1024xf32, #tpu.memory_space<vmem>> -> memref<8x1024xf32, #tpu.memory_space<vmem>>
          tpu.wait_dma2 semaphore(%arg16 : memref<!tpu.dma_semaphore, #tpu.memory_space<semaphore_mem>>) src(%dma_wait3A_834 : memref<8x1024xf32, #tpu.memory_space<vmem>>) dst(%dma_wait3A_831 : memref<8x1024xf32, #tpu.memory_space<hbm>>)
          %dma_wait3A_835 = arith.constant 16 : i32
          %dma_wait3A_836 = arith.constant 0 : i32
          %dma_wait3A_837 = tpu.memref_slice %arg10[%dma_wait3A_835, %dma_wait3A_836] : memref<32x1024xf32, #tpu.memory_space<vmem>> -> memref<8x1024xf32, #tpu.memory_space<vmem>>
          %dma_wait3A_838 = arith.constant 0 : i32
          %dma_wait3A_839 = tpu.memref_slice %arg5[%add3A_809, %dma_wait3A_838] : memref<16384x1024xf32, #tpu.memory_space<hbm>> -> memref<8x1024xf32, #tpu.memory_space<hbm>>
          %dma_wait3A_840 = arith.constant 0 : i32
          %dma_wait3A_841 = tpu.memref_slice %arg5[%add3A_809, %dma_wait3A_840] : memref<16384x1024xf32, #tpu.memory_space<hbm>> -> memref<8x1024xf32, #tpu.memory_space<hbm>>
          %dma_wait3A_842 = arith.constant 16 : i32
          %dma_wait3A_843 = arith.constant 0 : i32
          %dma_wait3A_844 = tpu.memref_slice %arg10[%dma_wait3A_842, %dma_wait3A_843] : memref<32x1024xf32, #tpu.memory_space<vmem>> -> memref<8x1024xf32, #tpu.memory_space<vmem>>
          tpu.wait_dma2 semaphore(%arg16 : memref<!tpu.dma_semaphore, #tpu.memory_space<semaphore_mem>>) src(%dma_wait3A_844 : memref<8x1024xf32, #tpu.memory_space<vmem>>) dst(%dma_wait3A_841 : memref<8x1024xf32, #tpu.memory_space<hbm>>)
          %dma_wait3A_845 = arith.constant 24 : i32
          %dma_wait3A_846 = arith.constant 0 : i32
          %dma_wait3A_847 = tpu.memref_slice %arg10[%dma_wait3A_845, %dma_wait3A_846] : memref<32x1024xf32, #tpu.memory_space<vmem>> -> memref<8x1024xf32, #tpu.memory_space<vmem>>
          %dma_wait3A_848 = arith.constant 0 : i32
          %dma_wait3A_849 = tpu.memref_slice %arg5[%add3A_814, %dma_wait3A_848] : memref<16384x1024xf32, #tpu.memory_space<hbm>> -> memref<8x1024xf32, #tpu.memory_space<hbm>>
          %dma_wait3A_850 = arith.constant 0 : i32
          %dma_wait3A_851 = tpu.memref_slice %arg5[%add3A_814, %dma_wait3A_850] : memref<16384x1024xf32, #tpu.memory_space<hbm>> -> memref<8x1024xf32, #tpu.memory_space<hbm>>
          %dma_wait3A_852 = arith.constant 24 : i32
          %dma_wait3A_853 = arith.constant 0 : i32
          %dma_wait3A_854 = tpu.memref_slice %arg10[%dma_wait3A_852, %dma_wait3A_853] : memref<32x1024xf32, #tpu.memory_space<vmem>> -> memref<8x1024xf32, #tpu.memory_space<vmem>>
          tpu.wait_dma2 semaphore(%arg16 : memref<!tpu.dma_semaphore, #tpu.memory_space<semaphore_mem>>) src(%dma_wait3A_854 : memref<8x1024xf32, #tpu.memory_space<vmem>>) dst(%dma_wait3A_851 : memref<8x1024xf32, #tpu.memory_space<hbm>>)
        } else {
        }
        %mul3A_742 = arith.constant 8 : i32
        %mul3A_743 = arith.muli %sub3A_540, %mul3A_742 : i32
        %add3A_744 = arith.constant 0 : i32
        %add3A_745 = arith.addi %add3A_744, %mul3A_743 : i32
        %mul3A_746 = arith.constant 8 : i32
        %mul3A_747 = arith.muli %sub3A_540, %mul3A_746 : i32
        %add3A_748 = arith.constant 128 : i32
        %add3A_749 = arith.addi %add3A_748, %mul3A_747 : i32
        %mul3A_750 = arith.constant 8 : i32
        %mul3A_751 = arith.muli %sub3A_540, %mul3A_750 : i32
        %add3A_752 = arith.constant 256 : i32
        %add3A_753 = arith.addi %add3A_752, %mul3A_751 : i32
        %mul3A_754 = arith.constant 8 : i32
        %mul3A_755 = arith.muli %sub3A_540, %mul3A_754 : i32
        %add3A_756 = arith.constant 384 : i32
        %add3A_757 = arith.addi %add3A_756, %mul3A_755 : i32
        %mul3A_758 = arith.constant 8 : i32
        %mul3A_759 = arith.muli %sub3A_540, %mul3A_758 : i32
        %add3A_760 = arith.addi %mul3A_2, %mul3A_759 : i32
        %dma_start3A_761 = arith.constant 0 : i32
        %dma_start3A_762 = arith.constant 0 : i32
        %dma_start3A_763 = tpu.memref_slice %arg10[%dma_start3A_761, %dma_start3A_762] : memref<32x1024xf32, #tpu.memory_space<vmem>> -> memref<8x1024xf32, #tpu.memory_space<vmem>>
        %dma_start3A_764 = tpu.memref_slice %arg6[%add3A_745] : memref<512xi32, #tpu.memory_space<vmem>> -> memref<8xi32, #tpu.memory_space<vmem>>
        %dma_start3A_765 = arith.constant 0 : i32
        %dma_start3A_766 = arith.constant 0 : i32
        %dma_start3A_767 = tpu.memref_slice %arg2[%dma_start3A_765, %dma_start3A_766] : memref<100000x1024xf32, #tpu.memory_space<hbm>> -> memref<100000x1024xf32, #tpu.memory_space<hbm>>
        tpu.enqueue_indirect_dma source(%dma_start3A_767 : memref<100000x1024xf32, #tpu.memory_space<hbm>>) target(%dma_start3A_763 : memref<8x1024xf32, #tpu.memory_space<vmem>>) offsets(%dma_start3A_764 : memref<8xi32, #tpu.memory_space<vmem>>) semaphore(%arg13 : memref<!tpu.dma_semaphore, #tpu.memory_space<semaphore_mem>>)
        %dma_start3A_768 = arith.constant 8 : i32
        %dma_start3A_769 = arith.constant 0 : i32
        %dma_start3A_770 = tpu.memref_slice %arg10[%dma_start3A_768, %dma_start3A_769] : memref<32x1024xf32, #tpu.memory_space<vmem>> -> memref<8x1024xf32, #tpu.memory_space<vmem>>
        %dma_start3A_771 = tpu.memref_slice %arg6[%add3A_749] : memref<512xi32, #tpu.memory_space<vmem>> -> memref<8xi32, #tpu.memory_space<vmem>>
        %dma_start3A_772 = arith.constant 0 : i32
        %dma_start3A_773 = arith.constant 0 : i32
        %dma_start3A_774 = tpu.memref_slice %arg2[%dma_start3A_772, %dma_start3A_773] : memref<100000x1024xf32, #tpu.memory_space<hbm>> -> memref<100000x1024xf32, #tpu.memory_space<hbm>>
        tpu.enqueue_indirect_dma source(%dma_start3A_774 : memref<100000x1024xf32, #tpu.memory_space<hbm>>) target(%dma_start3A_770 : memref<8x1024xf32, #tpu.memory_space<vmem>>) offsets(%dma_start3A_771 : memref<8xi32, #tpu.memory_space<vmem>>) semaphore(%arg13 : memref<!tpu.dma_semaphore, #tpu.memory_space<semaphore_mem>>)
        %dma_start3A_775 = arith.constant 16 : i32
        %dma_start3A_776 = arith.constant 0 : i32
        %dma_start3A_777 = tpu.memref_slice %arg10[%dma_start3A_775, %dma_start3A_776] : memref<32x1024xf32, #tpu.memory_space<vmem>> -> memref<8x1024xf32, #tpu.memory_space<vmem>>
        %dma_start3A_778 = tpu.memref_slice %arg6[%add3A_753] : memref<512xi32, #tpu.memory_space<vmem>> -> memref<8xi32, #tpu.memory_space<vmem>>
        %dma_start3A_779 = arith.constant 0 : i32
        %dma_start3A_780 = arith.constant 0 : i32
        %dma_start3A_781 = tpu.memref_slice %arg2[%dma_start3A_779, %dma_start3A_780] : memref<100000x1024xf32, #tpu.memory_space<hbm>> -> memref<100000x1024xf32, #tpu.memory_space<hbm>>
        tpu.enqueue_indirect_dma source(%dma_start3A_781 : memref<100000x1024xf32, #tpu.memory_space<hbm>>) target(%dma_start3A_777 : memref<8x1024xf32, #tpu.memory_space<vmem>>) offsets(%dma_start3A_778 : memref<8xi32, #tpu.memory_space<vmem>>) semaphore(%arg13 : memref<!tpu.dma_semaphore, #tpu.memory_space<semaphore_mem>>)
        %dma_start3A_782 = arith.constant 24 : i32
        %dma_start3A_783 = arith.constant 0 : i32
        %dma_start3A_784 = tpu.memref_slice %arg10[%dma_start3A_782, %dma_start3A_783] : memref<32x1024xf32, #tpu.memory_space<vmem>> -> memref<8x1024xf32, #tpu.memory_space<vmem>>
        %dma_start3A_785 = tpu.memref_slice %arg6[%add3A_757] : memref<512xi32, #tpu.memory_space<vmem>> -> memref<8xi32, #tpu.memory_space<vmem>>
        %dma_start3A_786 = arith.constant 0 : i32
        %dma_start3A_787 = arith.constant 0 : i32
        %dma_start3A_788 = tpu.memref_slice %arg2[%dma_start3A_786, %dma_start3A_787] : memref<100000x1024xf32, #tpu.memory_space<hbm>> -> memref<100000x1024xf32, #tpu.memory_space<hbm>>
        tpu.enqueue_indirect_dma source(%dma_start3A_788 : memref<100000x1024xf32, #tpu.memory_space<hbm>>) target(%dma_start3A_784 : memref<8x1024xf32, #tpu.memory_space<vmem>>) offsets(%dma_start3A_785 : memref<8xi32, #tpu.memory_space<vmem>>) semaphore(%arg13 : memref<!tpu.dma_semaphore, #tpu.memory_space<semaphore_mem>>)
        %dma_start3A_789 = arith.constant 0 : i32
        %dma_start3A_790 = tpu.memref_slice %arg4[%add3A_760, %dma_start3A_789] : memref<4096x1024xf32, #tpu.memory_space<hbm>> -> memref<8x1024xf32, #tpu.memory_space<hbm>>
        %dma_start3A_791 = arith.constant 0 : i32
        %dma_start3A_792 = tpu.memref_slice %arg4[%add3A_760, %dma_start3A_791] : memref<4096x1024xf32, #tpu.memory_space<hbm>> -> memref<8x1024xf32, #tpu.memory_space<hbm>>
        tpu.enqueue_dma source(%dma_start3A_792 : memref<8x1024xf32, #tpu.memory_space<hbm>>) target(%arg7 : memref<8x1024xf32, #tpu.memory_space<vmem>>) target_semaphore(%arg13 : memref<!tpu.dma_semaphore, #tpu.memory_space<semaphore_mem>>)
      } else {
      }
      %scan3A_546 = arith.constant 0 : i32
      %scan3A_547 = arith.constant 8 : i32
      %scan3A_548 = arith.addi %scan3A_546, %scan3A_547 : i32
      %scan3A_549 = arith.constant 1 : i32
      scf.for %scan3A_738 = %scan3A_546 to %scan3A_548 step %scan3A_549  : i32 {
        %mul3A_739 = arith.constant 1 : i32
        %mul3A_740 = arith.muli %scan3A_738, %mul3A_739 : i32
        %add3A_741 = arith.constant 0 : i32
        %add3A_742 = arith.addi %add3A_741, %mul3A_740 : i32
        %scan3A_743 = arith.constant 0 : i32
        %scan3A_744 = arith.constant 64 : i32
        %scan3A_745 = arith.addi %scan3A_743, %scan3A_744 : i32
        %scan3A_746 = arith.constant 4 : i32
        scf.for %scan3A_748 = %scan3A_743 to %scan3A_745 step %scan3A_746  : i32 {
          %mul3A_749 = arith.constant 1 : i32
          %mul3A_750 = arith.muli %scan3A_748, %mul3A_749 : i32
          %add3A_751 = arith.constant 0 : i32
          %add3A_752 = arith.addi %add3A_751, %mul3A_750 : i32
          %mul3A_753 = arith.constant 16 : i32
          %mul3A_754 = arith.muli %add3A_752, %mul3A_753 : i32
          %get3A = arith.index_cast %add3A_742 : i32 to index
          %get3A_755 = arith.index_cast %mul3A_754 : i32 to index
          %get3A_756 = tpu.vector_load %arg8[%get3A, %get3A_755] {strides = array<i32>} : memref<8x1024xf32, #tpu.memory_space<vmem>>, vector<1x16xf32>,
          %get3A_757 = vector.shape_cast %get3A_756 : vector<1x16xf32> to vector<16xf32>
          %add3A_758 = arith.constant 0 : i32
          %add3A_759 = arith.addi %add3A_758, %add3A_742 : i32
          %swap3A = arith.index_cast %add3A_759 : i32 to index
          %swap3A_760 = arith.index_cast %mul3A_754 : i32 to index
          %swap3A_761 = tpu.vector_load %arg11[%swap3A, %swap3A_760] {strides = array<i32>} : memref<32x1024xf32, #tpu.memory_space<vmem>>, vector<1x16xf32>,
          %swap3A_762 = vector.shape_cast %swap3A_761 : vector<1x16xf32> to vector<16xf32>
          %swap3A_763 = vector.shape_cast %get3A_757 : vector<16xf32> to vector<1x16xf32>
          tpu.vector_store %arg11[%swap3A, %swap3A_760], %swap3A_763 {add = true, strides = array<i32>} : memref<32x1024xf32, #tpu.memory_space<vmem>>, vector<1x16xf32>,
          %add3A_764 = arith.constant 8 : i32
          %add3A_765 = arith.addi %add3A_764, %add3A_742 : i32
          %swap3A_766 = arith.index_cast %add3A_765 : i32 to index
          %swap3A_767 = arith.index_cast %mul3A_754 : i32 to index
          %swap3A_768 = tpu.vector_load %arg11[%swap3A_766, %swap3A_767] {strides = array<i32>} : memref<32x1024xf32, #tpu.memory_space<vmem>>, vector<1x16xf32>,
          %swap3A_769 = vector.shape_cast %swap3A_768 : vector<1x16xf32> to vector<16xf32>
          %swap3A_770 = vector.shape_cast %get3A_757 : vector<16xf32> to vector<1x16xf32>
          tpu.vector_store %arg11[%swap3A_766, %swap3A_767], %swap3A_770 {add = true, strides = array<i32>} : memref<32x1024xf32, #tpu.memory_space<vmem>>, vector<1x16xf32>,
          %add3A_771 = arith.constant 16 : i32
          %add3A_772 = arith.addi %add3A_771, %add3A_742 : i32
          %swap3A_773 = arith.index_cast %add3A_772 : i32 to index
          %swap3A_774 = arith.index_cast %mul3A_754 : i32 to index
          %swap3A_775 = tpu.vector_load %arg11[%swap3A_773, %swap3A_774] {strides = array<i32>} : memref<32x1024xf32, #tpu.memory_space<vmem>>, vector<1x16xf32>,
          %swap3A_776 = vector.shape_cast %swap3A_775 : vector<1x16xf32> to vector<16xf32>
          %swap3A_777 = vector.shape_cast %get3A_757 : vector<16xf32> to vector<1x16xf32>
          tpu.vector_store %arg11[%swap3A_773, %swap3A_774], %swap3A_777 {add = true, strides = array<i32>} : memref<32x1024xf32, #tpu.memory_space<vmem>>, vector<1x16xf32>,
          %add3A_778 = arith.constant 24 : i32
          %add3A_779 = arith.addi %add3A_778, %add3A_742 : i32
          %swap3A_780 = arith.index_cast %add3A_779 : i32 to index
          %swap3A_781 = arith.index_cast %mul3A_754 : i32 to index
          %swap3A_782 = tpu.vector_load %arg11[%swap3A_780, %swap3A_781] {strides = array<i32>} : memref<32x1024xf32, #tpu.memory_space<vmem>>, vector<1x16xf32>,
          %swap3A_783 = vector.shape_cast %swap3A_782 : vector<1x16xf32> to vector<16xf32>
          %swap3A_784 = vector.shape_cast %get3A_757 : vector<16xf32> to vector<1x16xf32>
          tpu.vector_store %arg11[%swap3A_780, %swap3A_781], %swap3A_784 {add = true, strides = array<i32>} : memref<32x1024xf32, #tpu.memory_space<vmem>>, vector<1x16xf32>,
          %scan3A_785 = arith.constant 1 : i32
          %scan3A_786 = arith.addi %scan3A_748, %scan3A_785 : i32
          %mul3A_787 = arith.constant 1 : i32
          %mul3A_788 = arith.muli %scan3A_786, %mul3A_787 : i32
          %add3A_789 = arith.constant 0 : i32
          %add3A_790 = arith.addi %add3A_789, %mul3A_788 : i32
          %mul3A_791 = arith.constant 16 : i32
          %mul3A_792 = arith.muli %add3A_790, %mul3A_791 : i32
          %get3A_793 = arith.index_cast %add3A_742 : i32 to index
          %get3A_794 = arith.index_cast %mul3A_792 : i32 to index
          %get3A_795 = tpu.vector_load %arg8[%get3A_793, %get3A_794] {strides = array<i32>} : memref<8x1024xf32, #tpu.memory_space<vmem>>, vector<1x16xf32>,
          %get3A_796 = vector.shape_cast %get3A_795 : vector<1x16xf32> to vector<16xf32>
          %add3A_797 = arith.constant 0 : i32
          %add3A_798 = arith.addi %add3A_797, %add3A_742 : i32
          %swap3A_799 = arith.index_cast %add3A_798 : i32 to index
          %swap3A_800 = arith.index_cast %mul3A_792 : i32 to index
          %swap3A_801 = tpu.vector_load %arg11[%swap3A_799, %swap3A_800] {strides = array<i32>} : memref<32x1024xf32, #tpu.memory_space<vmem>>, vector<1x16xf32>,
          %swap3A_802 = vector.shape_cast %swap3A_801 : vector<1x16xf32> to vector<16xf32>
          %swap3A_803 = vector.shape_cast %get3A_796 : vector<16xf32> to vector<1x16xf32>
          tpu.vector_store %arg11[%swap3A_799, %swap3A_800], %swap3A_803 {add = true, strides = array<i32>} : memref<32x1024xf32, #tpu.memory_space<vmem>>, vector<1x16xf32>,
          %add3A_804 = arith.constant 8 : i32
          %add3A_805 = arith.addi %add3A_804, %add3A_742 : i32
          %swap3A_806 = arith.index_cast %add3A_805 : i32 to index
          %swap3A_807 = arith.index_cast %mul3A_792 : i32 to index
          %swap3A_808 = tpu.vector_load %arg11[%swap3A_806, %swap3A_807] {strides = array<i32>} : memref<32x1024xf32, #tpu.memory_space<vmem>>, vector<1x16xf32>,
          %swap3A_809 = vector.shape_cast %swap3A_808 : vector<1x16xf32> to vector<16xf32>
          %swap3A_810 = vector.shape_cast %get3A_796 : vector<16xf32> to vector<1x16xf32>
          tpu.vector_store %arg11[%swap3A_806, %swap3A_807], %swap3A_810 {add = true, strides = array<i32>} : memref<32x1024xf32, #tpu.memory_space<vmem>>, vector<1x16xf32>,
          %add3A_811 = arith.constant 16 : i32
          %add3A_812 = arith.addi %add3A_811, %add3A_742 : i32
          %swap3A_813 = arith.index_cast %add3A_812 : i32 to index
          %swap3A_814 = arith.index_cast %mul3A_792 : i32 to index
          %swap3A_815 = tpu.vector_load %arg11[%swap3A_813, %swap3A_814] {strides = array<i32>} : memref<32x1024xf32, #tpu.memory_space<vmem>>, vector<1x16xf32>,
          %swap3A_816 = vector.shape_cast %swap3A_815 : vector<1x16xf32> to vector<16xf32>
          %swap3A_817 = vector.shape_cast %get3A_796 : vector<16xf32> to vector<1x16xf32>
          tpu.vector_store %arg11[%swap3A_813, %swap3A_814], %swap3A_817 {add = true, strides = array<i32>} : memref<32x1024xf32, #tpu.memory_space<vmem>>, vector<1x16xf32>,
          %add3A_818 = arith.constant 24 : i32
          %add3A_819 = arith.addi %add3A_818, %add3A_742 : i32
          %swap3A_820 = arith.index_cast %add3A_819 : i32 to index
          %swap3A_821 = arith.index_cast %mul3A_792 : i32 to index
          %swap3A_822 = tpu.vector_load %arg11[%swap3A_820, %swap3A_821] {strides = array<i32>} : memref<32x1024xf32, #tpu.memory_space<vmem>>, vector<1x16xf32>,
          %swap3A_823 = vector.shape_cast %swap3A_822 : vector<1x16xf32> to vector<16xf32>
          %swap3A_824 = vector.shape_cast %get3A_796 : vector<16xf32> to vector<1x16xf32>
          tpu.vector_store %arg11[%swap3A_820, %swap3A_821], %swap3A_824 {add = true, strides = array<i32>} : memref<32x1024xf32, #tpu.memory_space<vmem>>, vector<1x16xf32>,
          %scan3A_825 = arith.constant 2 : i32
          %scan3A_826 = arith.addi %scan3A_748, %scan3A_825 : i32
          %mul3A_827 = arith.constant 1 : i32
          %mul3A_828 = arith.muli %scan3A_826, %mul3A_827 : i32
          %add3A_829 = arith.constant 0 : i32
          %add3A_830 = arith.addi %add3A_829, %mul3A_828 : i32
          %mul3A_831 = arith.constant 16 : i32
          %mul3A_832 = arith.muli %add3A_830, %mul3A_831 : i32
          %get3A_833 = arith.index_cast %add3A_742 : i32 to index
          %get3A_834 = arith.index_cast %mul3A_832 : i32 to index
          %get3A_835 = tpu.vector_load %arg8[%get3A_833, %get3A_834] {strides = array<i32>} : memref<8x1024xf32, #tpu.memory_space<vmem>>, vector<1x16xf32>,
          %get3A_836 = vector.shape_cast %get3A_835 : vector<1x16xf32> to vector<16xf32>
          %add3A_837 = arith.constant 0 : i32
          %add3A_838 = arith.addi %add3A_837, %add3A_742 : i32
          %swap3A_839 = arith.index_cast %add3A_838 : i32 to index
          %swap3A_840 = arith.index_cast %mul3A_832 : i32 to index
          %swap3A_841 = tpu.vector_load %arg11[%swap3A_839, %swap3A_840] {strides = array<i32>} : memref<32x1024xf32, #tpu.memory_space<vmem>>, vector<1x16xf32>,
          %swap3A_842 = vector.shape_cast %swap3A_841 : vector<1x16xf32> to vector<16xf32>
          %swap3A_843 = vector.shape_cast %get3A_836 : vector<16xf32> to vector<1x16xf32>
          tpu.vector_store %arg11[%swap3A_839, %swap3A_840], %swap3A_843 {add = true, strides = array<i32>} : memref<32x1024xf32, #tpu.memory_space<vmem>>, vector<1x16xf32>,
          %add3A_844 = arith.constant 8 : i32
          %add3A_845 = arith.addi %add3A_844, %add3A_742 : i32
          %swap3A_846 = arith.index_cast %add3A_845 : i32 to index
          %swap3A_847 = arith.index_cast %mul3A_832 : i32 to index
          %swap3A_848 = tpu.vector_load %arg11[%swap3A_846, %swap3A_847] {strides = array<i32>} : memref<32x1024xf32, #tpu.memory_space<vmem>>, vector<1x16xf32>,
          %swap3A_849 = vector.shape_cast %swap3A_848 : vector<1x16xf32> to vector<16xf32>
          %swap3A_850 = vector.shape_cast %get3A_836 : vector<16xf32> to vector<1x16xf32>
          tpu.vector_store %arg11[%swap3A_846, %swap3A_847], %swap3A_850 {add = true, strides = array<i32>} : memref<32x1024xf32, #tpu.memory_space<vmem>>, vector<1x16xf32>,
          %add3A_851 = arith.constant 16 : i32
          %add3A_852 = arith.addi %add3A_851, %add3A_742 : i32
          %swap3A_853 = arith.index_cast %add3A_852 : i32 to index
          %swap3A_854 = arith.index_cast %mul3A_832 : i32 to index
          %swap3A_855 = tpu.vector_load %arg11[%swap3A_853, %swap3A_854] {strides = array<i32>} : memref<32x1024xf32, #tpu.memory_space<vmem>>, vector<1x16xf32>,
          %swap3A_856 = vector.shape_cast %swap3A_855 : vector<1x16xf32> to vector<16xf32>
          %swap3A_857 = vector.shape_cast %get3A_836 : vector<16xf32> to vector<1x16xf32>
          tpu.vector_store %arg11[%swap3A_853, %swap3A_854], %swap3A_857 {add = true, strides = array<i32>} : memref<32x1024xf32, #tpu.memory_space<vmem>>, vector<1x16xf32>,
          %add3A_858 = arith.constant 24 : i32
          %add3A_859 = arith.addi %add3A_858, %add3A_742 : i32
          %swap3A_860 = arith.index_cast %add3A_859 : i32 to index
          %swap3A_861 = arith.index_cast %mul3A_832 : i32 to index
          %swap3A_862 = tpu.vector_load %arg11[%swap3A_860, %swap3A_861] {strides = array<i32>} : memref<32x1024xf32, #tpu.memory_space<vmem>>, vector<1x16xf32>,
          %swap3A_863 = vector.shape_cast %swap3A_862 : vector<1x16xf32> to vector<16xf32>
          %swap3A_864 = vector.shape_cast %get3A_836 : vector<16xf32> to vector<1x16xf32>
          tpu.vector_store %arg11[%swap3A_860, %swap3A_861], %swap3A_864 {add = true, strides = array<i32>} : memref<32x1024xf32, #tpu.memory_space<vmem>>, vector<1x16xf32>,
          %scan3A_865 = arith.constant 3 : i32
          %scan3A_866 = arith.addi %scan3A_748, %scan3A_865 : i32
          %mul3A_867 = arith.constant 1 : i32
          %mul3A_868 = arith.muli %scan3A_866, %mul3A_867 : i32
          %add3A_869 = arith.constant 0 : i32
          %add3A_870 = arith.addi %add3A_869, %mul3A_868 : i32
          %mul3A_871 = arith.constant 16 : i32
          %mul3A_872 = arith.muli %add3A_870, %mul3A_871 : i32
          %get3A_873 = arith.index_cast %add3A_742 : i32 to index
          %get3A_874 = arith.index_cast %mul3A_872 : i32 to index
          %get3A_875 = tpu.vector_load %arg8[%get3A_873, %get3A_874] {strides = array<i32>} : memref<8x1024xf32, #tpu.memory_space<vmem>>, vector<1x16xf32>,
          %get3A_876 = vector.shape_cast %get3A_875 : vector<1x16xf32> to vector<16xf32>
          %add3A_877 = arith.constant 0 : i32
          %add3A_878 = arith.addi %add3A_877, %add3A_742 : i32
          %swap3A_879 = arith.index_cast %add3A_878 : i32 to index
          %swap3A_880 = arith.index_cast %mul3A_872 : i32 to index
          %swap3A_881 = tpu.vector_load %arg11[%swap3A_879, %swap3A_880] {strides = array<i32>} : memref<32x1024xf32, #tpu.memory_space<vmem>>, vector<1x16xf32>,
          %swap3A_882 = vector.shape_cast %swap3A_881 : vector<1x16xf32> to vector<16xf32>
          %swap3A_883 = vector.shape_cast %get3A_876 : vector<16xf32> to vector<1x16xf32>
          tpu.vector_store %arg11[%swap3A_879, %swap3A_880], %swap3A_883 {add = true, strides = array<i32>} : memref<32x1024xf32, #tpu.memory_space<vmem>>, vector<1x16xf32>,
          %add3A_884 = arith.constant 8 : i32
          %add3A_885 = arith.addi %add3A_884, %add3A_742 : i32
          %swap3A_886 = arith.index_cast %add3A_885 : i32 to index
          %swap3A_887 = arith.index_cast %mul3A_872 : i32 to index
          %swap3A_888 = tpu.vector_load %arg11[%swap3A_886, %swap3A_887] {strides = array<i32>} : memref<32x1024xf32, #tpu.memory_space<vmem>>, vector<1x16xf32>,
          %swap3A_889 = vector.shape_cast %swap3A_888 : vector<1x16xf32> to vector<16xf32>
          %swap3A_890 = vector.shape_cast %get3A_876 : vector<16xf32> to vector<1x16xf32>
          tpu.vector_store %arg11[%swap3A_886, %swap3A_887], %swap3A_890 {add = true, strides = array<i32>} : memref<32x1024xf32, #tpu.memory_space<vmem>>, vector<1x16xf32>,
          %add3A_891 = arith.constant 16 : i32
          %add3A_892 = arith.addi %add3A_891, %add3A_742 : i32
          %swap3A_893 = arith.index_cast %add3A_892 : i32 to index
          %swap3A_894 = arith.index_cast %mul3A_872 : i32 to index
          %swap3A_895 = tpu.vector_load %arg11[%swap3A_893, %swap3A_894] {strides = array<i32>} : memref<32x1024xf32, #tpu.memory_space<vmem>>, vector<1x16xf32>,
          %swap3A_896 = vector.shape_cast %swap3A_895 : vector<1x16xf32> to vector<16xf32>
          %swap3A_897 = vector.shape_cast %get3A_876 : vector<16xf32> to vector<1x16xf32>
          tpu.vector_store %arg11[%swap3A_893, %swap3A_894], %swap3A_897 {add = true, strides = array<i32>} : memref<32x1024xf32, #tpu.memory_space<vmem>>, vector<1x16xf32>,
          %add3A_898 = arith.constant 24 : i32
          %add3A_899 = arith.addi %add3A_898, %add3A_742 : i32
          %swap3A_900 = arith.index_cast %add3A_899 : i32 to index
          %swap3A_901 = arith.index_cast %mul3A_872 : i32 to index
          %swap3A_902 = tpu.vector_load %arg11[%swap3A_900, %swap3A_901] {strides = array<i32>} : memref<32x1024xf32, #tpu.memory_space<vmem>>, vector<1x16xf32>,
          %swap3A_903 = vector.shape_cast %swap3A_902 : vector<1x16xf32> to vector<16xf32>
          %swap3A_904 = vector.shape_cast %get3A_876 : vector<16xf32> to vector<1x16xf32>
          tpu.vector_store %arg11[%swap3A_900, %swap3A_901], %swap3A_904 {add = true, strides = array<i32>} : memref<32x1024xf32, #tpu.memory_space<vmem>>, vector<1x16xf32>,
        }
        %scan3A_747 = arith.constant 64 : i32
      }
      %scan3A_550 = arith.constant 8 : i32
      %add3A_551 = arith.constant 0 : i32
      %add3A_552 = arith.addi %add3A_551, %mul3A_2 : i32
      %mul3A_553 = arith.constant 8 : i32
      %mul3A_554 = arith.muli %add3A_485, %mul3A_553 : i32
      %add3A_555 = arith.addi %add3A_552, %mul3A_554 : i32
      %add3A_556 = arith.constant 4096 : i32
      %add3A_557 = arith.addi %add3A_556, %mul3A_2 : i32
      %mul3A_558 = arith.constant 8 : i32
      %mul3A_559 = arith.muli %add3A_485, %mul3A_558 : i32
      %add3A_560 = arith.addi %add3A_557, %mul3A_559 : i32
      %add3A_561 = arith.constant 8192 : i32
      %add3A_562 = arith.addi %add3A_561, %mul3A_2 : i32
      %mul3A_563 = arith.constant 8 : i32
      %mul3A_564 = arith.muli %add3A_485, %mul3A_563 : i32
      %add3A_565 = arith.addi %add3A_562, %mul3A_564 : i32
      %add3A_566 = arith.constant 12288 : i32
      %add3A_567 = arith.addi %add3A_566, %mul3A_2 : i32
      %mul3A_568 = arith.constant 8 : i32
      %mul3A_569 = arith.muli %add3A_485, %mul3A_568 : i32
      %add3A_570 = arith.addi %add3A_567, %mul3A_569 : i32
      %dma_start3A_571 = arith.constant 0 : i32
      %dma_start3A_572 = arith.constant 0 : i32
      %dma_start3A_573 = tpu.memref_slice %arg11[%dma_start3A_571, %dma_start3A_572] : memref<32x1024xf32, #tpu.memory_space<vmem>> -> memref<8x1024xf32, #tpu.memory_space<vmem>>
      %dma_start3A_574 = arith.constant 0 : i32
      %dma_start3A_575 = tpu.memref_slice %arg5[%add3A_555, %dma_start3A_574] : memref<16384x1024xf32, #tpu.memory_space<hbm>> -> memref<8x1024xf32, #tpu.memory_space<hbm>>
      %dma_start3A_576 = arith.constant 0 : i32
      %dma_start3A_577 = tpu.memref_slice %arg5[%add3A_555, %dma_start3A_576] : memref<16384x1024xf32, #tpu.memory_space<hbm>> -> memref<8x1024xf32, #tpu.memory_space<hbm>>
      %dma_start3A_578 = arith.constant 0 : i32
      %dma_start3A_579 = arith.constant 0 : i32
      %dma_start3A_580 = tpu.memref_slice %arg11[%dma_start3A_578, %dma_start3A_579] : memref<32x1024xf32, #tpu.memory_space<vmem>> -> memref<8x1024xf32, #tpu.memory_space<vmem>>
      tpu.enqueue_dma source(%dma_start3A_580 : memref<8x1024xf32, #tpu.memory_space<vmem>>) target(%dma_start3A_577 : memref<8x1024xf32, #tpu.memory_space<hbm>>) target_semaphore(%arg17 : memref<!tpu.dma_semaphore, #tpu.memory_space<semaphore_mem>>)
      %dma_start3A_581 = arith.constant 8 : i32
      %dma_start3A_582 = arith.constant 0 : i32
      %dma_start3A_583 = tpu.memref_slice %arg11[%dma_start3A_581, %dma_start3A_582] : memref<32x1024xf32, #tpu.memory_space<vmem>> -> memref<8x1024xf32, #tpu.memory_space<vmem>>
      %dma_start3A_584 = arith.constant 0 : i32
      %dma_start3A_585 = tpu.memref_slice %arg5[%add3A_560, %dma_start3A_584] : memref<16384x1024xf32, #tpu.memory_space<hbm>> -> memref<8x1024xf32, #tpu.memory_space<hbm>>
      %dma_start3A_586 = arith.constant 0 : i32
      %dma_start3A_587 = tpu.memref_slice %arg5[%add3A_560, %dma_start3A_586] : memref<16384x1024xf32, #tpu.memory_space<hbm>> -> memref<8x1024xf32, #tpu.memory_space<hbm>>
      %dma_start3A_588 = arith.constant 8 : i32
      %dma_start3A_589 = arith.constant 0 : i32
      %dma_start3A_590 = tpu.memref_slice %arg11[%dma_start3A_588, %dma_start3A_589] : memref<32x1024xf32, #tpu.memory_space<vmem>> -> memref<8x1024xf32, #tpu.memory_space<vmem>>
      tpu.enqueue_dma source(%dma_start3A_590 : memref<8x1024xf32, #tpu.memory_space<vmem>>) target(%dma_start3A_587 : memref<8x1024xf32, #tpu.memory_space<hbm>>) target_semaphore(%arg17 : memref<!tpu.dma_semaphore, #tpu.memory_space<semaphore_mem>>)
      %dma_start3A_591 = arith.constant 16 : i32
      %dma_start3A_592 = arith.constant 0 : i32
      %dma_start3A_593 = tpu.memref_slice %arg11[%dma_start3A_591, %dma_start3A_592] : memref<32x1024xf32, #tpu.memory_space<vmem>> -> memref<8x1024xf32, #tpu.memory_space<vmem>>
      %dma_start3A_594 = arith.constant 0 : i32
      %dma_start3A_595 = tpu.memref_slice %arg5[%add3A_565, %dma_start3A_594] : memref<16384x1024xf32, #tpu.memory_space<hbm>> -> memref<8x1024xf32, #tpu.memory_space<hbm>>
      %dma_start3A_596 = arith.constant 0 : i32
      %dma_start3A_597 = tpu.memref_slice %arg5[%add3A_565, %dma_start3A_596] : memref<16384x1024xf32, #tpu.memory_space<hbm>> -> memref<8x1024xf32, #tpu.memory_space<hbm>>
      %dma_start3A_598 = arith.constant 16 : i32
      %dma_start3A_599 = arith.constant 0 : i32
      %dma_start3A_600 = tpu.memref_slice %arg11[%dma_start3A_598, %dma_start3A_599] : memref<32x1024xf32, #tpu.memory_space<vmem>> -> memref<8x1024xf32, #tpu.memory_space<vmem>>
      tpu.enqueue_dma source(%dma_start3A_600 : memref<8x1024xf32, #tpu.memory_space<vmem>>) target(%dma_start3A_597 : memref<8x1024xf32, #tpu.memory_space<hbm>>) target_semaphore(%arg17 : memref<!tpu.dma_semaphore, #tpu.memory_space<semaphore_mem>>)
      %dma_start3A_601 = arith.constant 24 : i32
      %dma_start3A_602 = arith.constant 0 : i32
      %dma_start3A_603 = tpu.memref_slice %arg11[%dma_start3A_601, %dma_start3A_602] : memref<32x1024xf32, #tpu.memory_space<vmem>> -> memref<8x1024xf32, #tpu.memory_space<vmem>>
      %dma_start3A_604 = arith.constant 0 : i32
      %dma_start3A_605 = tpu.memref_slice %arg5[%add3A_570, %dma_start3A_604] : memref<16384x1024xf32, #tpu.memory_space<hbm>> -> memref<8x1024xf32, #tpu.memory_space<hbm>>
      %dma_start3A_606 = arith.constant 0 : i32
      %dma_start3A_607 = tpu.memref_slice %arg5[%add3A_570, %dma_start3A_606] : memref<16384x1024xf32, #tpu.memory_space<hbm>> -> memref<8x1024xf32, #tpu.memory_space<hbm>>
      %dma_start3A_608 = arith.constant 24 : i32
      %dma_start3A_609 = arith.constant 0 : i32
      %dma_start3A_610 = tpu.memref_slice %arg11[%dma_start3A_608, %dma_start3A_609] : memref<32x1024xf32, #tpu.memory_space<vmem>> -> memref<8x1024xf32, #tpu.memory_space<vmem>>
      tpu.enqueue_dma source(%dma_start3A_610 : memref<8x1024xf32, #tpu.memory_space<vmem>>) target(%dma_start3A_607 : memref<8x1024xf32, #tpu.memory_space<hbm>>) target_semaphore(%arg17 : memref<!tpu.dma_semaphore, #tpu.memory_space<semaphore_mem>>)
      %add3A_611 = arith.constant 2 : i32
      %add3A_612 = arith.addi %add3A_360, %add3A_611 : i32
      %mul3A_613 = arith.constant 8 : i32
      %mul3A_614 = arith.muli %add3A_612, %mul3A_613 : i32
      %add3A_615 = arith.constant 0 : i32
      %add3A_616 = arith.addi %add3A_615, %mul3A_614 : i32
      %mul3A_617 = arith.constant 8 : i32
      %mul3A_618 = arith.muli %add3A_612, %mul3A_617 : i32
      %add3A_619 = arith.constant 128 : i32
      %add3A_620 = arith.addi %add3A_619, %mul3A_618 : i32
      %mul3A_621 = arith.constant 8 : i32
      %mul3A_622 = arith.muli %add3A_612, %mul3A_621 : i32
      %add3A_623 = arith.constant 256 : i32
      %add3A_624 = arith.addi %add3A_623, %mul3A_622 : i32
      %mul3A_625 = arith.constant 8 : i32
      %mul3A_626 = arith.muli %add3A_612, %mul3A_625 : i32
      %add3A_627 = arith.constant 384 : i32
      %add3A_628 = arith.addi %add3A_627, %mul3A_626 : i32
      %mul3A_629 = arith.constant 8 : i32
      %mul3A_630 = arith.muli %add3A_612, %mul3A_629 : i32
      %add3A_631 = arith.addi %mul3A_2, %mul3A_630 : i32
      %dma_wait3A_632 = arith.constant 0 : i32
      %dma_wait3A_633 = arith.constant 0 : i32
      %dma_wait3A_634 = tpu.memref_slice %arg12[%dma_wait3A_632, %dma_wait3A_633] : memref<32x1024xf32, #tpu.memory_space<vmem>> -> memref<8x1024xf32, #tpu.memory_space<vmem>>
      %dma_wait3A_635 = tpu.memref_slice %arg6[%add3A_616] : memref<512xi32, #tpu.memory_space<vmem>> -> memref<8xi32, #tpu.memory_space<vmem>>
      %dma_wait3A_636 = arith.constant 0 : i32
      %dma_wait3A_637 = arith.constant 0 : i32
      %dma_wait3A_638 = tpu.memref_slice %arg2[%dma_wait3A_636, %dma_wait3A_637] : memref<100000x1024xf32, #tpu.memory_space<hbm>> -> memref<100000x1024xf32, #tpu.memory_space<hbm>>
      tpu.wait_indirect_dma semaphore(%arg15 : memref<!tpu.dma_semaphore, #tpu.memory_space<semaphore_mem>>) src(%dma_wait3A_638 : memref<100000x1024xf32, #tpu.memory_space<hbm>>) dst(%dma_wait3A_634 : memref<8x1024xf32, #tpu.memory_space<vmem>>)
      %dma_wait3A_639 = arith.constant 8 : i32
      %dma_wait3A_640 = arith.constant 0 : i32
      %dma_wait3A_641 = tpu.memref_slice %arg12[%dma_wait3A_639, %dma_wait3A_640] : memref<32x1024xf32, #tpu.memory_space<vmem>> -> memref<8x1024xf32, #tpu.memory_space<vmem>>
      %dma_wait3A_642 = tpu.memref_slice %arg6[%add3A_620] : memref<512xi32, #tpu.memory_space<vmem>> -> memref<8xi32, #tpu.memory_space<vmem>>
      %dma_wait3A_643 = arith.constant 0 : i32
      %dma_wait3A_644 = arith.constant 0 : i32
      %dma_wait3A_645 = tpu.memref_slice %arg2[%dma_wait3A_643, %dma_wait3A_644] : memref<100000x1024xf32, #tpu.memory_space<hbm>> -> memref<100000x1024xf32, #tpu.memory_space<hbm>>
      tpu.wait_indirect_dma semaphore(%arg15 : memref<!tpu.dma_semaphore, #tpu.memory_space<semaphore_mem>>) src(%dma_wait3A_645 : memref<100000x1024xf32, #tpu.memory_space<hbm>>) dst(%dma_wait3A_641 : memref<8x1024xf32, #tpu.memory_space<vmem>>)
      %dma_wait3A_646 = arith.constant 16 : i32
      %dma_wait3A_647 = arith.constant 0 : i32
      %dma_wait3A_648 = tpu.memref_slice %arg12[%dma_wait3A_646, %dma_wait3A_647] : memref<32x1024xf32, #tpu.memory_space<vmem>> -> memref<8x1024xf32, #tpu.memory_space<vmem>>
      %dma_wait3A_649 = tpu.memref_slice %arg6[%add3A_624] : memref<512xi32, #tpu.memory_space<vmem>> -> memref<8xi32, #tpu.memory_space<vmem>>
      %dma_wait3A_650 = arith.constant 0 : i32
      %dma_wait3A_651 = arith.constant 0 : i32
      %dma_wait3A_652 = tpu.memref_slice %arg2[%dma_wait3A_650, %dma_wait3A_651] : memref<100000x1024xf32, #tpu.memory_space<hbm>> -> memref<100000x1024xf32, #tpu.memory_space<hbm>>
      tpu.wait_indirect_dma semaphore(%arg15 : memref<!tpu.dma_semaphore, #tpu.memory_space<semaphore_mem>>) src(%dma_wait3A_652 : memref<100000x1024xf32, #tpu.memory_space<hbm>>) dst(%dma_wait3A_648 : memref<8x1024xf32, #tpu.memory_space<vmem>>)
      %dma_wait3A_653 = arith.constant 24 : i32
      %dma_wait3A_654 = arith.constant 0 : i32
      %dma_wait3A_655 = tpu.memref_slice %arg12[%dma_wait3A_653, %dma_wait3A_654] : memref<32x1024xf32, #tpu.memory_space<vmem>> -> memref<8x1024xf32, #tpu.memory_space<vmem>>
      %dma_wait3A_656 = tpu.memref_slice %arg6[%add3A_628] : memref<512xi32, #tpu.memory_space<vmem>> -> memref<8xi32, #tpu.memory_space<vmem>>
      %dma_wait3A_657 = arith.constant 0 : i32
      %dma_wait3A_658 = arith.constant 0 : i32
      %dma_wait3A_659 = tpu.memref_slice %arg2[%dma_wait3A_657, %dma_wait3A_658] : memref<100000x1024xf32, #tpu.memory_space<hbm>> -> memref<100000x1024xf32, #tpu.memory_space<hbm>>
      tpu.wait_indirect_dma semaphore(%arg15 : memref<!tpu.dma_semaphore, #tpu.memory_space<semaphore_mem>>) src(%dma_wait3A_659 : memref<100000x1024xf32, #tpu.memory_space<hbm>>) dst(%dma_wait3A_655 : memref<8x1024xf32, #tpu.memory_space<vmem>>)
      %dma_wait3A_660 = arith.constant 0 : i32
      %dma_wait3A_661 = tpu.memref_slice %arg4[%add3A_631, %dma_wait3A_660] : memref<4096x1024xf32, #tpu.memory_space<hbm>> -> memref<8x1024xf32, #tpu.memory_space<hbm>>
      %dma_wait3A_662 = arith.constant 0 : i32
      %dma_wait3A_663 = tpu.memref_slice %arg4[%add3A_631, %dma_wait3A_662] : memref<4096x1024xf32, #tpu.memory_space<hbm>> -> memref<8x1024xf32, #tpu.memory_space<hbm>>
      tpu.wait_dma2 semaphore(%arg15 : memref<!tpu.dma_semaphore, #tpu.memory_space<semaphore_mem>>) src(%dma_wait3A_663 : memref<8x1024xf32, #tpu.memory_space<hbm>>) dst(%arg9 : memref<8x1024xf32, #tpu.memory_space<vmem>>)
      %add3A_664 = arith.constant 3 : i32
      %add3A_665 = arith.addi %add3A_612, %add3A_664 : i32
      %sub3A_666 = arith.constant 1 : i32
      %sub3A_667 = arith.subi %add3A_665, %sub3A_666 : i32
      %lt3A_668 = arith.constant 16 : i32
      %lt3A_669 = arith.cmpi slt, %sub3A_667, %lt3A_668 : i32
      %convert_element_type3A_670 = arith.extui %lt3A_669 : i1 to i32
      %cond3A_671 = arith.constant 0 : i32
      %cond3A_672 = arith.cmpi ne, %convert_element_type3A_670, %cond3A_671 : i32
      scf.if %cond3A_672 {
        %ge3A = arith.constant 1 : i32
        %ge3A_738 = arith.cmpi sge, %add3A_612, %ge3A : i32
        %convert_element_type3A_739 = arith.extui %ge3A_738 : i1 to i32
        %cond3A_740 = arith.constant 0 : i32
        %cond3A_741 = arith.cmpi ne, %convert_element_type3A_739, %cond3A_740 : i32
        scf.if %cond3A_741 {
          %sub3A_793 = arith.constant 1 : i32
          %sub3A_794 = arith.subi %add3A_612, %sub3A_793 : i32
          %add3A_795 = arith.constant 0 : i32
          %add3A_796 = arith.addi %add3A_795, %mul3A_2 : i32
          %mul3A_797 = arith.constant 8 : i32
          %mul3A_798 = arith.muli %sub3A_794, %mul3A_797 : i32
          %add3A_799 = arith.addi %add3A_796, %mul3A_798 : i32
          %add3A_800 = arith.constant 4096 : i32
          %add3A_801 = arith.addi %add3A_800, %mul3A_2 : i32
          %mul3A_802 = arith.constant 8 : i32
          %mul3A_803 = arith.muli %sub3A_794, %mul3A_802 : i32
          %add3A_804 = arith.addi %add3A_801, %mul3A_803 : i32
          %add3A_805 = arith.constant 8192 : i32
          %add3A_806 = arith.addi %add3A_805, %mul3A_2 : i32
          %mul3A_807 = arith.constant 8 : i32
          %mul3A_808 = arith.muli %sub3A_794, %mul3A_807 : i32
          %add3A_809 = arith.addi %add3A_806, %mul3A_808 : i32
          %add3A_810 = arith.constant 12288 : i32
          %add3A_811 = arith.addi %add3A_810, %mul3A_2 : i32
          %mul3A_812 = arith.constant 8 : i32
          %mul3A_813 = arith.muli %sub3A_794, %mul3A_812 : i32
          %add3A_814 = arith.addi %add3A_811, %mul3A_813 : i32
          %dma_wait3A_815 = arith.constant 0 : i32
          %dma_wait3A_816 = arith.constant 0 : i32
          %dma_wait3A_817 = tpu.memref_slice %arg11[%dma_wait3A_815, %dma_wait3A_816] : memref<32x1024xf32, #tpu.memory_space<vmem>> -> memref<8x1024xf32, #tpu.memory_space<vmem>>
          %dma_wait3A_818 = arith.constant 0 : i32
          %dma_wait3A_819 = tpu.memref_slice %arg5[%add3A_799, %dma_wait3A_818] : memref<16384x1024xf32, #tpu.memory_space<hbm>> -> memref<8x1024xf32, #tpu.memory_space<hbm>>
          %dma_wait3A_820 = arith.constant 0 : i32
          %dma_wait3A_821 = tpu.memref_slice %arg5[%add3A_799, %dma_wait3A_820] : memref<16384x1024xf32, #tpu.memory_space<hbm>> -> memref<8x1024xf32, #tpu.memory_space<hbm>>
          %dma_wait3A_822 = arith.constant 0 : i32
          %dma_wait3A_823 = arith.constant 0 : i32
          %dma_wait3A_824 = tpu.memref_slice %arg11[%dma_wait3A_822, %dma_wait3A_823] : memref<32x1024xf32, #tpu.memory_space<vmem>> -> memref<8x1024xf32, #tpu.memory_space<vmem>>
          tpu.wait_dma2 semaphore(%arg17 : memref<!tpu.dma_semaphore, #tpu.memory_space<semaphore_mem>>) src(%dma_wait3A_824 : memref<8x1024xf32, #tpu.memory_space<vmem>>) dst(%dma_wait3A_821 : memref<8x1024xf32, #tpu.memory_space<hbm>>)
          %dma_wait3A_825 = arith.constant 8 : i32
          %dma_wait3A_826 = arith.constant 0 : i32
          %dma_wait3A_827 = tpu.memref_slice %arg11[%dma_wait3A_825, %dma_wait3A_826] : memref<32x1024xf32, #tpu.memory_space<vmem>> -> memref<8x1024xf32, #tpu.memory_space<vmem>>
          %dma_wait3A_828 = arith.constant 0 : i32
          %dma_wait3A_829 = tpu.memref_slice %arg5[%add3A_804, %dma_wait3A_828] : memref<16384x1024xf32, #tpu.memory_space<hbm>> -> memref<8x1024xf32, #tpu.memory_space<hbm>>
          %dma_wait3A_830 = arith.constant 0 : i32
          %dma_wait3A_831 = tpu.memref_slice %arg5[%add3A_804, %dma_wait3A_830] : memref<16384x1024xf32, #tpu.memory_space<hbm>> -> memref<8x1024xf32, #tpu.memory_space<hbm>>
          %dma_wait3A_832 = arith.constant 8 : i32
          %dma_wait3A_833 = arith.constant 0 : i32
          %dma_wait3A_834 = tpu.memref_slice %arg11[%dma_wait3A_832, %dma_wait3A_833] : memref<32x1024xf32, #tpu.memory_space<vmem>> -> memref<8x1024xf32, #tpu.memory_space<vmem>>
          tpu.wait_dma2 semaphore(%arg17 : memref<!tpu.dma_semaphore, #tpu.memory_space<semaphore_mem>>) src(%dma_wait3A_834 : memref<8x1024xf32, #tpu.memory_space<vmem>>) dst(%dma_wait3A_831 : memref<8x1024xf32, #tpu.memory_space<hbm>>)
          %dma_wait3A_835 = arith.constant 16 : i32
          %dma_wait3A_836 = arith.constant 0 : i32
          %dma_wait3A_837 = tpu.memref_slice %arg11[%dma_wait3A_835, %dma_wait3A_836] : memref<32x1024xf32, #tpu.memory_space<vmem>> -> memref<8x1024xf32, #tpu.memory_space<vmem>>
          %dma_wait3A_838 = arith.constant 0 : i32
          %dma_wait3A_839 = tpu.memref_slice %arg5[%add3A_809, %dma_wait3A_838] : memref<16384x1024xf32, #tpu.memory_space<hbm>> -> memref<8x1024xf32, #tpu.memory_space<hbm>>
          %dma_wait3A_840 = arith.constant 0 : i32
          %dma_wait3A_841 = tpu.memref_slice %arg5[%add3A_809, %dma_wait3A_840] : memref<16384x1024xf32, #tpu.memory_space<hbm>> -> memref<8x1024xf32, #tpu.memory_space<hbm>>
          %dma_wait3A_842 = arith.constant 16 : i32
          %dma_wait3A_843 = arith.constant 0 : i32
          %dma_wait3A_844 = tpu.memref_slice %arg11[%dma_wait3A_842, %dma_wait3A_843] : memref<32x1024xf32, #tpu.memory_space<vmem>> -> memref<8x1024xf32, #tpu.memory_space<vmem>>
          tpu.wait_dma2 semaphore(%arg17 : memref<!tpu.dma_semaphore, #tpu.memory_space<semaphore_mem>>) src(%dma_wait3A_844 : memref<8x1024xf32, #tpu.memory_space<vmem>>) dst(%dma_wait3A_841 : memref<8x1024xf32, #tpu.memory_space<hbm>>)
          %dma_wait3A_845 = arith.constant 24 : i32
          %dma_wait3A_846 = arith.constant 0 : i32
          %dma_wait3A_847 = tpu.memref_slice %arg11[%dma_wait3A_845, %dma_wait3A_846] : memref<32x1024xf32, #tpu.memory_space<vmem>> -> memref<8x1024xf32, #tpu.memory_space<vmem>>
          %dma_wait3A_848 = arith.constant 0 : i32
          %dma_wait3A_849 = tpu.memref_slice %arg5[%add3A_814, %dma_wait3A_848] : memref<16384x1024xf32, #tpu.memory_space<hbm>> -> memref<8x1024xf32, #tpu.memory_space<hbm>>
          %dma_wait3A_850 = arith.constant 0 : i32
          %dma_wait3A_851 = tpu.memref_slice %arg5[%add3A_814, %dma_wait3A_850] : memref<16384x1024xf32, #tpu.memory_space<hbm>> -> memref<8x1024xf32, #tpu.memory_space<hbm>>
          %dma_wait3A_852 = arith.constant 24 : i32
          %dma_wait3A_853 = arith.constant 0 : i32
          %dma_wait3A_854 = tpu.memref_slice %arg11[%dma_wait3A_852, %dma_wait3A_853] : memref<32x1024xf32, #tpu.memory_space<vmem>> -> memref<8x1024xf32, #tpu.memory_space<vmem>>
          tpu.wait_dma2 semaphore(%arg17 : memref<!tpu.dma_semaphore, #tpu.memory_space<semaphore_mem>>) src(%dma_wait3A_854 : memref<8x1024xf32, #tpu.memory_space<vmem>>) dst(%dma_wait3A_851 : memref<8x1024xf32, #tpu.memory_space<hbm>>)
        } else {
        }
        %mul3A_742 = arith.constant 8 : i32
        %mul3A_743 = arith.muli %sub3A_667, %mul3A_742 : i32
        %add3A_744 = arith.constant 0 : i32
        %add3A_745 = arith.addi %add3A_744, %mul3A_743 : i32
        %mul3A_746 = arith.constant 8 : i32
        %mul3A_747 = arith.muli %sub3A_667, %mul3A_746 : i32
        %add3A_748 = arith.constant 128 : i32
        %add3A_749 = arith.addi %add3A_748, %mul3A_747 : i32
        %mul3A_750 = arith.constant 8 : i32
        %mul3A_751 = arith.muli %sub3A_667, %mul3A_750 : i32
        %add3A_752 = arith.constant 256 : i32
        %add3A_753 = arith.addi %add3A_752, %mul3A_751 : i32
        %mul3A_754 = arith.constant 8 : i32
        %mul3A_755 = arith.muli %sub3A_667, %mul3A_754 : i32
        %add3A_756 = arith.constant 384 : i32
        %add3A_757 = arith.addi %add3A_756, %mul3A_755 : i32
        %mul3A_758 = arith.constant 8 : i32
        %mul3A_759 = arith.muli %sub3A_667, %mul3A_758 : i32
        %add3A_760 = arith.addi %mul3A_2, %mul3A_759 : i32
        %dma_start3A_761 = arith.constant 0 : i32
        %dma_start3A_762 = arith.constant 0 : i32
        %dma_start3A_763 = tpu.memref_slice %arg11[%dma_start3A_761, %dma_start3A_762] : memref<32x1024xf32, #tpu.memory_space<vmem>> -> memref<8x1024xf32, #tpu.memory_space<vmem>>
        %dma_start3A_764 = tpu.memref_slice %arg6[%add3A_745] : memref<512xi32, #tpu.memory_space<vmem>> -> memref<8xi32, #tpu.memory_space<vmem>>
        %dma_start3A_765 = arith.constant 0 : i32
        %dma_start3A_766 = arith.constant 0 : i32
        %dma_start3A_767 = tpu.memref_slice %arg2[%dma_start3A_765, %dma_start3A_766] : memref<100000x1024xf32, #tpu.memory_space<hbm>> -> memref<100000x1024xf32, #tpu.memory_space<hbm>>
        tpu.enqueue_indirect_dma source(%dma_start3A_767 : memref<100000x1024xf32, #tpu.memory_space<hbm>>) target(%dma_start3A_763 : memref<8x1024xf32, #tpu.memory_space<vmem>>) offsets(%dma_start3A_764 : memref<8xi32, #tpu.memory_space<vmem>>) semaphore(%arg14 : memref<!tpu.dma_semaphore, #tpu.memory_space<semaphore_mem>>)
        %dma_start3A_768 = arith.constant 8 : i32
        %dma_start3A_769 = arith.constant 0 : i32
        %dma_start3A_770 = tpu.memref_slice %arg11[%dma_start3A_768, %dma_start3A_769] : memref<32x1024xf32, #tpu.memory_space<vmem>> -> memref<8x1024xf32, #tpu.memory_space<vmem>>
        %dma_start3A_771 = tpu.memref_slice %arg6[%add3A_749] : memref<512xi32, #tpu.memory_space<vmem>> -> memref<8xi32, #tpu.memory_space<vmem>>
        %dma_start3A_772 = arith.constant 0 : i32
        %dma_start3A_773 = arith.constant 0 : i32
        %dma_start3A_774 = tpu.memref_slice %arg2[%dma_start3A_772, %dma_start3A_773] : memref<100000x1024xf32, #tpu.memory_space<hbm>> -> memref<100000x1024xf32, #tpu.memory_space<hbm>>
        tpu.enqueue_indirect_dma source(%dma_start3A_774 : memref<100000x1024xf32, #tpu.memory_space<hbm>>) target(%dma_start3A_770 : memref<8x1024xf32, #tpu.memory_space<vmem>>) offsets(%dma_start3A_771 : memref<8xi32, #tpu.memory_space<vmem>>) semaphore(%arg14 : memref<!tpu.dma_semaphore, #tpu.memory_space<semaphore_mem>>)
        %dma_start3A_775 = arith.constant 16 : i32
        %dma_start3A_776 = arith.constant 0 : i32
        %dma_start3A_777 = tpu.memref_slice %arg11[%dma_start3A_775, %dma_start3A_776] : memref<32x1024xf32, #tpu.memory_space<vmem>> -> memref<8x1024xf32, #tpu.memory_space<vmem>>
        %dma_start3A_778 = tpu.memref_slice %arg6[%add3A_753] : memref<512xi32, #tpu.memory_space<vmem>> -> memref<8xi32, #tpu.memory_space<vmem>>
        %dma_start3A_779 = arith.constant 0 : i32
        %dma_start3A_780 = arith.constant 0 : i32
        %dma_start3A_781 = tpu.memref_slice %arg2[%dma_start3A_779, %dma_start3A_780] : memref<100000x1024xf32, #tpu.memory_space<hbm>> -> memref<100000x1024xf32, #tpu.memory_space<hbm>>
        tpu.enqueue_indirect_dma source(%dma_start3A_781 : memref<100000x1024xf32, #tpu.memory_space<hbm>>) target(%dma_start3A_777 : memref<8x1024xf32, #tpu.memory_space<vmem>>) offsets(%dma_start3A_778 : memref<8xi32, #tpu.memory_space<vmem>>) semaphore(%arg14 : memref<!tpu.dma_semaphore, #tpu.memory_space<semaphore_mem>>)
        %dma_start3A_782 = arith.constant 24 : i32
        %dma_start3A_783 = arith.constant 0 : i32
        %dma_start3A_784 = tpu.memref_slice %arg11[%dma_start3A_782, %dma_start3A_783] : memref<32x1024xf32, #tpu.memory_space<vmem>> -> memref<8x1024xf32, #tpu.memory_space<vmem>>
        %dma_start3A_785 = tpu.memref_slice %arg6[%add3A_757] : memref<512xi32, #tpu.memory_space<vmem>> -> memref<8xi32, #tpu.memory_space<vmem>>
        %dma_start3A_786 = arith.constant 0 : i32
        %dma_start3A_787 = arith.constant 0 : i32
        %dma_start3A_788 = tpu.memref_slice %arg2[%dma_start3A_786, %dma_start3A_787] : memref<100000x1024xf32, #tpu.memory_space<hbm>> -> memref<100000x1024xf32, #tpu.memory_space<hbm>>
        tpu.enqueue_indirect_dma source(%dma_start3A_788 : memref<100000x1024xf32, #tpu.memory_space<hbm>>) target(%dma_start3A_784 : memref<8x1024xf32, #tpu.memory_space<vmem>>) offsets(%dma_start3A_785 : memref<8xi32, #tpu.memory_space<vmem>>) semaphore(%arg14 : memref<!tpu.dma_semaphore, #tpu.memory_space<semaphore_mem>>)
        %dma_start3A_789 = arith.constant 0 : i32
        %dma_start3A_790 = tpu.memref_slice %arg4[%add3A_760, %dma_start3A_789] : memref<4096x1024xf32, #tpu.memory_space<hbm>> -> memref<8x1024xf32, #tpu.memory_space<hbm>>
        %dma_start3A_791 = arith.constant 0 : i32
        %dma_start3A_792 = tpu.memref_slice %arg4[%add3A_760, %dma_start3A_791] : memref<4096x1024xf32, #tpu.memory_space<hbm>> -> memref<8x1024xf32, #tpu.memory_space<hbm>>
        tpu.enqueue_dma source(%dma_start3A_792 : memref<8x1024xf32, #tpu.memory_space<hbm>>) target(%arg8 : memref<8x1024xf32, #tpu.memory_space<vmem>>) target_semaphore(%arg14 : memref<!tpu.dma_semaphore, #tpu.memory_space<semaphore_mem>>)
      } else {
      }
      %scan3A_673 = arith.constant 0 : i32
      %scan3A_674 = arith.constant 8 : i32
      %scan3A_675 = arith.addi %scan3A_673, %scan3A_674 : i32
      %scan3A_676 = arith.constant 1 : i32
      scf.for %scan3A_738 = %scan3A_673 to %scan3A_675 step %scan3A_676  : i32 {
        %mul3A_739 = arith.constant 1 : i32
        %mul3A_740 = arith.muli %scan3A_738, %mul3A_739 : i32
        %add3A_741 = arith.constant 0 : i32
        %add3A_742 = arith.addi %add3A_741, %mul3A_740 : i32
        %scan3A_743 = arith.constant 0 : i32
        %scan3A_744 = arith.constant 64 : i32
        %scan3A_745 = arith.addi %scan3A_743, %scan3A_744 : i32
        %scan3A_746 = arith.constant 4 : i32
        scf.for %scan3A_748 = %scan3A_743 to %scan3A_745 step %scan3A_746  : i32 {
          %mul3A_749 = arith.constant 1 : i32
          %mul3A_750 = arith.muli %scan3A_748, %mul3A_749 : i32
          %add3A_751 = arith.constant 0 : i32
          %add3A_752 = arith.addi %add3A_751, %mul3A_750 : i32
          %mul3A_753 = arith.constant 16 : i32
          %mul3A_754 = arith.muli %add3A_752, %mul3A_753 : i32
          %get3A = arith.index_cast %add3A_742 : i32 to index
          %get3A_755 = arith.index_cast %mul3A_754 : i32 to index
          %get3A_756 = tpu.vector_load %arg9[%get3A, %get3A_755] {strides = array<i32>} : memref<8x1024xf32, #tpu.memory_space<vmem>>, vector<1x16xf32>,
          %get3A_757 = vector.shape_cast %get3A_756 : vector<1x16xf32> to vector<16xf32>
          %add3A_758 = arith.constant 0 : i32
          %add3A_759 = arith.addi %add3A_758, %add3A_742 : i32
          %swap3A = arith.index_cast %add3A_759 : i32 to index
          %swap3A_760 = arith.index_cast %mul3A_754 : i32 to index
          %swap3A_761 = tpu.vector_load %arg12[%swap3A, %swap3A_760] {strides = array<i32>} : memref<32x1024xf32, #tpu.memory_space<vmem>>, vector<1x16xf32>,
          %swap3A_762 = vector.shape_cast %swap3A_761 : vector<1x16xf32> to vector<16xf32>
          %swap3A_763 = vector.shape_cast %get3A_757 : vector<16xf32> to vector<1x16xf32>
          tpu.vector_store %arg12[%swap3A, %swap3A_760], %swap3A_763 {add = true, strides = array<i32>} : memref<32x1024xf32, #tpu.memory_space<vmem>>, vector<1x16xf32>,
          %add3A_764 = arith.constant 8 : i32
          %add3A_765 = arith.addi %add3A_764, %add3A_742 : i32
          %swap3A_766 = arith.index_cast %add3A_765 : i32 to index
          %swap3A_767 = arith.index_cast %mul3A_754 : i32 to index
          %swap3A_768 = tpu.vector_load %arg12[%swap3A_766, %swap3A_767] {strides = array<i32>} : memref<32x1024xf32, #tpu.memory_space<vmem>>, vector<1x16xf32>,
          %swap3A_769 = vector.shape_cast %swap3A_768 : vector<1x16xf32> to vector<16xf32>
          %swap3A_770 = vector.shape_cast %get3A_757 : vector<16xf32> to vector<1x16xf32>
          tpu.vector_store %arg12[%swap3A_766, %swap3A_767], %swap3A_770 {add = true, strides = array<i32>} : memref<32x1024xf32, #tpu.memory_space<vmem>>, vector<1x16xf32>,
          %add3A_771 = arith.constant 16 : i32
          %add3A_772 = arith.addi %add3A_771, %add3A_742 : i32
          %swap3A_773 = arith.index_cast %add3A_772 : i32 to index
          %swap3A_774 = arith.index_cast %mul3A_754 : i32 to index
          %swap3A_775 = tpu.vector_load %arg12[%swap3A_773, %swap3A_774] {strides = array<i32>} : memref<32x1024xf32, #tpu.memory_space<vmem>>, vector<1x16xf32>,
          %swap3A_776 = vector.shape_cast %swap3A_775 : vector<1x16xf32> to vector<16xf32>
          %swap3A_777 = vector.shape_cast %get3A_757 : vector<16xf32> to vector<1x16xf32>
          tpu.vector_store %arg12[%swap3A_773, %swap3A_774], %swap3A_777 {add = true, strides = array<i32>} : memref<32x1024xf32, #tpu.memory_space<vmem>>, vector<1x16xf32>,
          %add3A_778 = arith.constant 24 : i32
          %add3A_779 = arith.addi %add3A_778, %add3A_742 : i32
          %swap3A_780 = arith.index_cast %add3A_779 : i32 to index
          %swap3A_781 = arith.index_cast %mul3A_754 : i32 to index
          %swap3A_782 = tpu.vector_load %arg12[%swap3A_780, %swap3A_781] {strides = array<i32>} : memref<32x1024xf32, #tpu.memory_space<vmem>>, vector<1x16xf32>,
          %swap3A_783 = vector.shape_cast %swap3A_782 : vector<1x16xf32> to vector<16xf32>
          %swap3A_784 = vector.shape_cast %get3A_757 : vector<16xf32> to vector<1x16xf32>
          tpu.vector_store %arg12[%swap3A_780, %swap3A_781], %swap3A_784 {add = true, strides = array<i32>} : memref<32x1024xf32, #tpu.memory_space<vmem>>, vector<1x16xf32>,
          %scan3A_785 = arith.constant 1 : i32
          %scan3A_786 = arith.addi %scan3A_748, %scan3A_785 : i32
          %mul3A_787 = arith.constant 1 : i32
          %mul3A_788 = arith.muli %scan3A_786, %mul3A_787 : i32
          %add3A_789 = arith.constant 0 : i32
          %add3A_790 = arith.addi %add3A_789, %mul3A_788 : i32
          %mul3A_791 = arith.constant 16 : i32
          %mul3A_792 = arith.muli %add3A_790, %mul3A_791 : i32
          %get3A_793 = arith.index_cast %add3A_742 : i32 to index
          %get3A_794 = arith.index_cast %mul3A_792 : i32 to index
          %get3A_795 = tpu.vector_load %arg9[%get3A_793, %get3A_794] {strides = array<i32>} : memref<8x1024xf32, #tpu.memory_space<vmem>>, vector<1x16xf32>,
          %get3A_796 = vector.shape_cast %get3A_795 : vector<1x16xf32> to vector<16xf32>
          %add3A_797 = arith.constant 0 : i32
          %add3A_798 = arith.addi %add3A_797, %add3A_742 : i32
          %swap3A_799 = arith.index_cast %add3A_798 : i32 to index
          %swap3A_800 = arith.index_cast %mul3A_792 : i32 to index
          %swap3A_801 = tpu.vector_load %arg12[%swap3A_799, %swap3A_800] {strides = array<i32>} : memref<32x1024xf32, #tpu.memory_space<vmem>>, vector<1x16xf32>,
          %swap3A_802 = vector.shape_cast %swap3A_801 : vector<1x16xf32> to vector<16xf32>
          %swap3A_803 = vector.shape_cast %get3A_796 : vector<16xf32> to vector<1x16xf32>
          tpu.vector_store %arg12[%swap3A_799, %swap3A_800], %swap3A_803 {add = true, strides = array<i32>} : memref<32x1024xf32, #tpu.memory_space<vmem>>, vector<1x16xf32>,
          %add3A_804 = arith.constant 8 : i32
          %add3A_805 = arith.addi %add3A_804, %add3A_742 : i32
          %swap3A_806 = arith.index_cast %add3A_805 : i32 to index
          %swap3A_807 = arith.index_cast %mul3A_792 : i32 to index
          %swap3A_808 = tpu.vector_load %arg12[%swap3A_806, %swap3A_807] {strides = array<i32>} : memref<32x1024xf32, #tpu.memory_space<vmem>>, vector<1x16xf32>,
          %swap3A_809 = vector.shape_cast %swap3A_808 : vector<1x16xf32> to vector<16xf32>
          %swap3A_810 = vector.shape_cast %get3A_796 : vector<16xf32> to vector<1x16xf32>
          tpu.vector_store %arg12[%swap3A_806, %swap3A_807], %swap3A_810 {add = true, strides = array<i32>} : memref<32x1024xf32, #tpu.memory_space<vmem>>, vector<1x16xf32>,
          %add3A_811 = arith.constant 16 : i32
          %add3A_812 = arith.addi %add3A_811, %add3A_742 : i32
          %swap3A_813 = arith.index_cast %add3A_812 : i32 to index
          %swap3A_814 = arith.index_cast %mul3A_792 : i32 to index
          %swap3A_815 = tpu.vector_load %arg12[%swap3A_813, %swap3A_814] {strides = array<i32>} : memref<32x1024xf32, #tpu.memory_space<vmem>>, vector<1x16xf32>,
          %swap3A_816 = vector.shape_cast %swap3A_815 : vector<1x16xf32> to vector<16xf32>
          %swap3A_817 = vector.shape_cast %get3A_796 : vector<16xf32> to vector<1x16xf32>
          tpu.vector_store %arg12[%swap3A_813, %swap3A_814], %swap3A_817 {add = true, strides = array<i32>} : memref<32x1024xf32, #tpu.memory_space<vmem>>, vector<1x16xf32>,
          %add3A_818 = arith.constant 24 : i32
          %add3A_819 = arith.addi %add3A_818, %add3A_742 : i32
          %swap3A_820 = arith.index_cast %add3A_819 : i32 to index
          %swap3A_821 = arith.index_cast %mul3A_792 : i32 to index
          %swap3A_822 = tpu.vector_load %arg12[%swap3A_820, %swap3A_821] {strides = array<i32>} : memref<32x1024xf32, #tpu.memory_space<vmem>>, vector<1x16xf32>,
          %swap3A_823 = vector.shape_cast %swap3A_822 : vector<1x16xf32> to vector<16xf32>
          %swap3A_824 = vector.shape_cast %get3A_796 : vector<16xf32> to vector<1x16xf32>
          tpu.vector_store %arg12[%swap3A_820, %swap3A_821], %swap3A_824 {add = true, strides = array<i32>} : memref<32x1024xf32, #tpu.memory_space<vmem>>, vector<1x16xf32>,
          %scan3A_825 = arith.constant 2 : i32
          %scan3A_826 = arith.addi %scan3A_748, %scan3A_825 : i32
          %mul3A_827 = arith.constant 1 : i32
          %mul3A_828 = arith.muli %scan3A_826, %mul3A_827 : i32
          %add3A_829 = arith.constant 0 : i32
          %add3A_830 = arith.addi %add3A_829, %mul3A_828 : i32
          %mul3A_831 = arith.constant 16 : i32
          %mul3A_832 = arith.muli %add3A_830, %mul3A_831 : i32
          %get3A_833 = arith.index_cast %add3A_742 : i32 to index
          %get3A_834 = arith.index_cast %mul3A_832 : i32 to index
          %get3A_835 = tpu.vector_load %arg9[%get3A_833, %get3A_834] {strides = array<i32>} : memref<8x1024xf32, #tpu.memory_space<vmem>>, vector<1x16xf32>,
          %get3A_836 = vector.shape_cast %get3A_835 : vector<1x16xf32> to vector<16xf32>
          %add3A_837 = arith.constant 0 : i32
          %add3A_838 = arith.addi %add3A_837, %add3A_742 : i32
          %swap3A_839 = arith.index_cast %add3A_838 : i32 to index
          %swap3A_840 = arith.index_cast %mul3A_832 : i32 to index
          %swap3A_841 = tpu.vector_load %arg12[%swap3A_839, %swap3A_840] {strides = array<i32>} : memref<32x1024xf32, #tpu.memory_space<vmem>>, vector<1x16xf32>,
          %swap3A_842 = vector.shape_cast %swap3A_841 : vector<1x16xf32> to vector<16xf32>
          %swap3A_843 = vector.shape_cast %get3A_836 : vector<16xf32> to vector<1x16xf32>
          tpu.vector_store %arg12[%swap3A_839, %swap3A_840], %swap3A_843 {add = true, strides = array<i32>} : memref<32x1024xf32, #tpu.memory_space<vmem>>, vector<1x16xf32>,
          %add3A_844 = arith.constant 8 : i32
          %add3A_845 = arith.addi %add3A_844, %add3A_742 : i32
          %swap3A_846 = arith.index_cast %add3A_845 : i32 to index
          %swap3A_847 = arith.index_cast %mul3A_832 : i32 to index
          %swap3A_848 = tpu.vector_load %arg12[%swap3A_846, %swap3A_847] {strides = array<i32>} : memref<32x1024xf32, #tpu.memory_space<vmem>>, vector<1x16xf32>,
          %swap3A_849 = vector.shape_cast %swap3A_848 : vector<1x16xf32> to vector<16xf32>
          %swap3A_850 = vector.shape_cast %get3A_836 : vector<16xf32> to vector<1x16xf32>
          tpu.vector_store %arg12[%swap3A_846, %swap3A_847], %swap3A_850 {add = true, strides = array<i32>} : memref<32x1024xf32, #tpu.memory_space<vmem>>, vector<1x16xf32>,
          %add3A_851 = arith.constant 16 : i32
          %add3A_852 = arith.addi %add3A_851, %add3A_742 : i32
          %swap3A_853 = arith.index_cast %add3A_852 : i32 to index
          %swap3A_854 = arith.index_cast %mul3A_832 : i32 to index
          %swap3A_855 = tpu.vector_load %arg12[%swap3A_853, %swap3A_854] {strides = array<i32>} : memref<32x1024xf32, #tpu.memory_space<vmem>>, vector<1x16xf32>,
          %swap3A_856 = vector.shape_cast %swap3A_855 : vector<1x16xf32> to vector<16xf32>
          %swap3A_857 = vector.shape_cast %get3A_836 : vector<16xf32> to vector<1x16xf32>
          tpu.vector_store %arg12[%swap3A_853, %swap3A_854], %swap3A_857 {add = true, strides = array<i32>} : memref<32x1024xf32, #tpu.memory_space<vmem>>, vector<1x16xf32>,
          %add3A_858 = arith.constant 24 : i32
          %add3A_859 = arith.addi %add3A_858, %add3A_742 : i32
          %swap3A_860 = arith.index_cast %add3A_859 : i32 to index
          %swap3A_861 = arith.index_cast %mul3A_832 : i32 to index
          %swap3A_862 = tpu.vector_load %arg12[%swap3A_860, %swap3A_861] {strides = array<i32>} : memref<32x1024xf32, #tpu.memory_space<vmem>>, vector<1x16xf32>,
          %swap3A_863 = vector.shape_cast %swap3A_862 : vector<1x16xf32> to vector<16xf32>
          %swap3A_864 = vector.shape_cast %get3A_836 : vector<16xf32> to vector<1x16xf32>
          tpu.vector_store %arg12[%swap3A_860, %swap3A_861], %swap3A_864 {add = true, strides = array<i32>} : memref<32x1024xf32, #tpu.memory_space<vmem>>, vector<1x16xf32>,
          %scan3A_865 = arith.constant 3 : i32
          %scan3A_866 = arith.addi %scan3A_748, %scan3A_865 : i32
          %mul3A_867 = arith.constant 1 : i32
          %mul3A_868 = arith.muli %scan3A_866, %mul3A_867 : i32
          %add3A_869 = arith.constant 0 : i32
          %add3A_870 = arith.addi %add3A_869, %mul3A_868 : i32
          %mul3A_871 = arith.constant 16 : i32
          %mul3A_872 = arith.muli %add3A_870, %mul3A_871 : i32
          %get3A_873 = arith.index_cast %add3A_742 : i32 to index
          %get3A_874 = arith.index_cast %mul3A_872 : i32 to index
          %get3A_875 = tpu.vector_load %arg9[%get3A_873, %get3A_874] {strides = array<i32>} : memref<8x1024xf32, #tpu.memory_space<vmem>>, vector<1x16xf32>,
          %get3A_876 = vector.shape_cast %get3A_875 : vector<1x16xf32> to vector<16xf32>
          %add3A_877 = arith.constant 0 : i32
          %add3A_878 = arith.addi %add3A_877, %add3A_742 : i32
          %swap3A_879 = arith.index_cast %add3A_878 : i32 to index
          %swap3A_880 = arith.index_cast %mul3A_872 : i32 to index
          %swap3A_881 = tpu.vector_load %arg12[%swap3A_879, %swap3A_880] {strides = array<i32>} : memref<32x1024xf32, #tpu.memory_space<vmem>>, vector<1x16xf32>,
          %swap3A_882 = vector.shape_cast %swap3A_881 : vector<1x16xf32> to vector<16xf32>
          %swap3A_883 = vector.shape_cast %get3A_876 : vector<16xf32> to vector<1x16xf32>
          tpu.vector_store %arg12[%swap3A_879, %swap3A_880], %swap3A_883 {add = true, strides = array<i32>} : memref<32x1024xf32, #tpu.memory_space<vmem>>, vector<1x16xf32>,
          %add3A_884 = arith.constant 8 : i32
          %add3A_885 = arith.addi %add3A_884, %add3A_742 : i32
          %swap3A_886 = arith.index_cast %add3A_885 : i32 to index
          %swap3A_887 = arith.index_cast %mul3A_872 : i32 to index
          %swap3A_888 = tpu.vector_load %arg12[%swap3A_886, %swap3A_887] {strides = array<i32>} : memref<32x1024xf32, #tpu.memory_space<vmem>>, vector<1x16xf32>,
          %swap3A_889 = vector.shape_cast %swap3A_888 : vector<1x16xf32> to vector<16xf32>
          %swap3A_890 = vector.shape_cast %get3A_876 : vector<16xf32> to vector<1x16xf32>
          tpu.vector_store %arg12[%swap3A_886, %swap3A_887], %swap3A_890 {add = true, strides = array<i32>} : memref<32x1024xf32, #tpu.memory_space<vmem>>, vector<1x16xf32>,
          %add3A_891 = arith.constant 16 : i32
          %add3A_892 = arith.addi %add3A_891, %add3A_742 : i32
          %swap3A_893 = arith.index_cast %add3A_892 : i32 to index
          %swap3A_894 = arith.index_cast %mul3A_872 : i32 to index
          %swap3A_895 = tpu.vector_load %arg12[%swap3A_893, %swap3A_894] {strides = array<i32>} : memref<32x1024xf32, #tpu.memory_space<vmem>>, vector<1x16xf32>,
          %swap3A_896 = vector.shape_cast %swap3A_895 : vector<1x16xf32> to vector<16xf32>
          %swap3A_897 = vector.shape_cast %get3A_876 : vector<16xf32> to vector<1x16xf32>
          tpu.vector_store %arg12[%swap3A_893, %swap3A_894], %swap3A_897 {add = true, strides = array<i32>} : memref<32x1024xf32, #tpu.memory_space<vmem>>, vector<1x16xf32>,
          %add3A_898 = arith.constant 24 : i32
          %add3A_899 = arith.addi %add3A_898, %add3A_742 : i32
          %swap3A_900 = arith.index_cast %add3A_899 : i32 to index
          %swap3A_901 = arith.index_cast %mul3A_872 : i32 to index
          %swap3A_902 = tpu.vector_load %arg12[%swap3A_900, %swap3A_901] {strides = array<i32>} : memref<32x1024xf32, #tpu.memory_space<vmem>>, vector<1x16xf32>,
          %swap3A_903 = vector.shape_cast %swap3A_902 : vector<1x16xf32> to vector<16xf32>
          %swap3A_904 = vector.shape_cast %get3A_876 : vector<16xf32> to vector<1x16xf32>
          tpu.vector_store %arg12[%swap3A_900, %swap3A_901], %swap3A_904 {add = true, strides = array<i32>} : memref<32x1024xf32, #tpu.memory_space<vmem>>, vector<1x16xf32>,
        }
        %scan3A_747 = arith.constant 64 : i32
      }
      %scan3A_677 = arith.constant 8 : i32
      %add3A_678 = arith.constant 0 : i32
      %add3A_679 = arith.addi %add3A_678, %mul3A_2 : i32
      %mul3A_680 = arith.constant 8 : i32
      %mul3A_681 = arith.muli %add3A_612, %mul3A_680 : i32
      %add3A_682 = arith.addi %add3A_679, %mul3A_681 : i32
      %add3A_683 = arith.constant 4096 : i32
      %add3A_684 = arith.addi %add3A_683, %mul3A_2 : i32
      %mul3A_685 = arith.constant 8 : i32
      %mul3A_686 = arith.muli %add3A_612, %mul3A_685 : i32
      %add3A_687 = arith.addi %add3A_684, %mul3A_686 : i32
      %add3A_688 = arith.constant 8192 : i32
      %add3A_689 = arith.addi %add3A_688, %mul3A_2 : i32
      %mul3A_690 = arith.constant 8 : i32
      %mul3A_691 = arith.muli %add3A_612, %mul3A_690 : i32
      %add3A_692 = arith.addi %add3A_689, %mul3A_691 : i32
      %add3A_693 = arith.constant 12288 : i32
      %add3A_694 = arith.addi %add3A_693, %mul3A_2 : i32
      %mul3A_695 = arith.constant 8 : i32
      %mul3A_696 = arith.muli %add3A_612, %mul3A_695 : i32
      %add3A_697 = arith.addi %add3A_694, %mul3A_696 : i32
      %dma_start3A_698 = arith.constant 0 : i32
      %dma_start3A_699 = arith.constant 0 : i32
      %dma_start3A_700 = tpu.memref_slice %arg12[%dma_start3A_698, %dma_start3A_699] : memref<32x1024xf32, #tpu.memory_space<vmem>> -> memref<8x1024xf32, #tpu.memory_space<vmem>>
      %dma_start3A_701 = arith.constant 0 : i32
      %dma_start3A_702 = tpu.memref_slice %arg5[%add3A_682, %dma_start3A_701] : memref<16384x1024xf32, #tpu.memory_space<hbm>> -> memref<8x1024xf32, #tpu.memory_space<hbm>>
      %dma_start3A_703 = arith.constant 0 : i32
      %dma_start3A_704 = tpu.memref_slice %arg5[%add3A_682, %dma_start3A_703] : memref<16384x1024xf32, #tpu.memory_space<hbm>> -> memref<8x1024xf32, #tpu.memory_space<hbm>>
      %dma_start3A_705 = arith.constant 0 : i32
      %dma_start3A_706 = arith.constant 0 : i32
      %dma_start3A_707 = tpu.memref_slice %arg12[%dma_start3A_705, %dma_start3A_706] : memref<32x1024xf32, #tpu.memory_space<vmem>> -> memref<8x1024xf32, #tpu.memory_space<vmem>>
      tpu.enqueue_dma source(%dma_start3A_707 : memref<8x1024xf32, #tpu.memory_space<vmem>>) target(%dma_start3A_704 : memref<8x1024xf32, #tpu.memory_space<hbm>>) target_semaphore(%arg18 : memref<!tpu.dma_semaphore, #tpu.memory_space<semaphore_mem>>)
      %dma_start3A_708 = arith.constant 8 : i32
      %dma_start3A_709 = arith.constant 0 : i32
      %dma_start3A_710 = tpu.memref_slice %arg12[%dma_start3A_708, %dma_start3A_709] : memref<32x1024xf32, #tpu.memory_space<vmem>> -> memref<8x1024xf32, #tpu.memory_space<vmem>>
      %dma_start3A_711 = arith.constant 0 : i32
      %dma_start3A_712 = tpu.memref_slice %arg5[%add3A_687, %dma_start3A_711] : memref<16384x1024xf32, #tpu.memory_space<hbm>> -> memref<8x1024xf32, #tpu.memory_space<hbm>>
      %dma_start3A_713 = arith.constant 0 : i32
      %dma_start3A_714 = tpu.memref_slice %arg5[%add3A_687, %dma_start3A_713] : memref<16384x1024xf32, #tpu.memory_space<hbm>> -> memref<8x1024xf32, #tpu.memory_space<hbm>>
      %dma_start3A_715 = arith.constant 8 : i32
      %dma_start3A_716 = arith.constant 0 : i32
      %dma_start3A_717 = tpu.memref_slice %arg12[%dma_start3A_715, %dma_start3A_716] : memref<32x1024xf32, #tpu.memory_space<vmem>> -> memref<8x1024xf32, #tpu.memory_space<vmem>>
      tpu.enqueue_dma source(%dma_start3A_717 : memref<8x1024xf32, #tpu.memory_space<vmem>>) target(%dma_start3A_714 : memref<8x1024xf32, #tpu.memory_space<hbm>>) target_semaphore(%arg18 : memref<!tpu.dma_semaphore, #tpu.memory_space<semaphore_mem>>)
      %dma_start3A_718 = arith.constant 16 : i32
      %dma_start3A_719 = arith.constant 0 : i32
      %dma_start3A_720 = tpu.memref_slice %arg12[%dma_start3A_718, %dma_start3A_719] : memref<32x1024xf32, #tpu.memory_space<vmem>> -> memref<8x1024xf32, #tpu.memory_space<vmem>>
      %dma_start3A_721 = arith.constant 0 : i32
      %dma_start3A_722 = tpu.memref_slice %arg5[%add3A_692, %dma_start3A_721] : memref<16384x1024xf32, #tpu.memory_space<hbm>> -> memref<8x1024xf32, #tpu.memory_space<hbm>>
      %dma_start3A_723 = arith.constant 0 : i32
      %dma_start3A_724 = tpu.memref_slice %arg5[%add3A_692, %dma_start3A_723] : memref<16384x1024xf32, #tpu.memory_space<hbm>> -> memref<8x1024xf32, #tpu.memory_space<hbm>>
      %dma_start3A_725 = arith.constant 16 : i32
      %dma_start3A_726 = arith.constant 0 : i32
      %dma_start3A_727 = tpu.memref_slice %arg12[%dma_start3A_725, %dma_start3A_726] : memref<32x1024xf32, #tpu.memory_space<vmem>> -> memref<8x1024xf32, #tpu.memory_space<vmem>>
      tpu.enqueue_dma source(%dma_start3A_727 : memref<8x1024xf32, #tpu.memory_space<vmem>>) target(%dma_start3A_724 : memref<8x1024xf32, #tpu.memory_space<hbm>>) target_semaphore(%arg18 : memref<!tpu.dma_semaphore, #tpu.memory_space<semaphore_mem>>)
      %dma_start3A_728 = arith.constant 24 : i32
      %dma_start3A_729 = arith.constant 0 : i32
      %dma_start3A_730 = tpu.memref_slice %arg12[%dma_start3A_728, %dma_start3A_729] : memref<32x1024xf32, #tpu.memory_space<vmem>> -> memref<8x1024xf32, #tpu.memory_space<vmem>>
      %dma_start3A_731 = arith.constant 0 : i32
      %dma_start3A_732 = tpu.memref_slice %arg5[%add3A_697, %dma_start3A_731] : memref<16384x1024xf32, #tpu.memory_space<hbm>> -> memref<8x1024xf32, #tpu.memory_space<hbm>>
      %dma_start3A_733 = arith.constant 0 : i32
      %dma_start3A_734 = tpu.memref_slice %arg5[%add3A_697, %dma_start3A_733] : memref<16384x1024xf32, #tpu.memory_space<hbm>> -> memref<8x1024xf32, #tpu.memory_space<hbm>>
      %dma_start3A_735 = arith.constant 24 : i32
      %dma_start3A_736 = arith.constant 0 : i32
      %dma_start3A_737 = tpu.memref_slice %arg12[%dma_start3A_735, %dma_start3A_736] : memref<32x1024xf32, #tpu.memory_space<vmem>> -> memref<8x1024xf32, #tpu.memory_space<vmem>>
      tpu.enqueue_dma source(%dma_start3A_737 : memref<8x1024xf32, #tpu.memory_space<vmem>>) target(%dma_start3A_734 : memref<8x1024xf32, #tpu.memory_space<hbm>>) target_semaphore(%arg18 : memref<!tpu.dma_semaphore, #tpu.memory_space<semaphore_mem>>)
    }
    %scan3A_89 = arith.constant 5 : i32
    %add3A_90 = arith.constant 120 : i32
    %add3A_91 = arith.addi %mul3A_2, %add3A_90 : i32
    %dma_wait3A = arith.constant 0 : i32
    %dma_wait3A_92 = arith.constant 0 : i32
    %dma_wait3A_93 = tpu.memref_slice %arg10[%dma_wait3A, %dma_wait3A_92] : memref<32x1024xf32, #tpu.memory_space<vmem>> -> memref<8x1024xf32, #tpu.memory_space<vmem>>
    %dma_wait3A_94 = arith.constant 120 : i32
    %dma_wait3A_95 = tpu.memref_slice %arg6[%dma_wait3A_94] : memref<512xi32, #tpu.memory_space<vmem>> -> memref<8xi32, #tpu.memory_space<vmem>>
    %dma_wait3A_96 = arith.constant 0 : i32
    %dma_wait3A_97 = arith.constant 0 : i32
    %dma_wait3A_98 = tpu.memref_slice %arg2[%dma_wait3A_96, %dma_wait3A_97] : memref<100000x1024xf32, #tpu.memory_space<hbm>> -> memref<100000x1024xf32, #tpu.memory_space<hbm>>
    tpu.wait_indirect_dma semaphore(%arg13 : memref<!tpu.dma_semaphore, #tpu.memory_space<semaphore_mem>>) src(%dma_wait3A_98 : memref<100000x1024xf32, #tpu.memory_space<hbm>>) dst(%dma_wait3A_93 : memref<8x1024xf32, #tpu.memory_space<vmem>>)
    %dma_wait3A_99 = arith.constant 8 : i32
    %dma_wait3A_100 = arith.constant 0 : i32
    %dma_wait3A_101 = tpu.memref_slice %arg10[%dma_wait3A_99, %dma_wait3A_100] : memref<32x1024xf32, #tpu.memory_space<vmem>> -> memref<8x1024xf32, #tpu.memory_space<vmem>>
    %dma_wait3A_102 = arith.constant 248 : i32
    %dma_wait3A_103 = tpu.memref_slice %arg6[%dma_wait3A_102] : memref<512xi32, #tpu.memory_space<vmem>> -> memref<8xi32, #tpu.memory_space<vmem>>
    %dma_wait3A_104 = arith.constant 0 : i32
    %dma_wait3A_105 = arith.constant 0 : i32
    %dma_wait3A_106 = tpu.memref_slice %arg2[%dma_wait3A_104, %dma_wait3A_105] : memref<100000x1024xf32, #tpu.memory_space<hbm>> -> memref<100000x1024xf32, #tpu.memory_space<hbm>>
    tpu.wait_indirect_dma semaphore(%arg13 : memref<!tpu.dma_semaphore, #tpu.memory_space<semaphore_mem>>) src(%dma_wait3A_106 : memref<100000x1024xf32, #tpu.memory_space<hbm>>) dst(%dma_wait3A_101 : memref<8x1024xf32, #tpu.memory_space<vmem>>)
    %dma_wait3A_107 = arith.constant 16 : i32
    %dma_wait3A_108 = arith.constant 0 : i32
    %dma_wait3A_109 = tpu.memref_slice %arg10[%dma_wait3A_107, %dma_wait3A_108] : memref<32x1024xf32, #tpu.memory_space<vmem>> -> memref<8x1024xf32, #tpu.memory_space<vmem>>
    %dma_wait3A_110 = arith.constant 376 : i32
    %dma_wait3A_111 = tpu.memref_slice %arg6[%dma_wait3A_110] : memref<512xi32, #tpu.memory_space<vmem>> -> memref<8xi32, #tpu.memory_space<vmem>>
    %dma_wait3A_112 = arith.constant 0 : i32
    %dma_wait3A_113 = arith.constant 0 : i32
    %dma_wait3A_114 = tpu.memref_slice %arg2[%dma_wait3A_112, %dma_wait3A_113] : memref<100000x1024xf32, #tpu.memory_space<hbm>> -> memref<100000x1024xf32, #tpu.memory_space<hbm>>
    tpu.wait_indirect_dma semaphore(%arg13 : memref<!tpu.dma_semaphore, #tpu.memory_space<semaphore_mem>>) src(%dma_wait3A_114 : memref<100000x1024xf32, #tpu.memory_space<hbm>>) dst(%dma_wait3A_109 : memref<8x1024xf32, #tpu.memory_space<vmem>>)
    %dma_wait3A_115 = arith.constant 24 : i32
    %dma_wait3A_116 = arith.constant 0 : i32
    %dma_wait3A_117 = tpu.memref_slice %arg10[%dma_wait3A_115, %dma_wait3A_116] : memref<32x1024xf32, #tpu.memory_space<vmem>> -> memref<8x1024xf32, #tpu.memory_space<vmem>>
    %dma_wait3A_118 = arith.constant 504 : i32
    %dma_wait3A_119 = tpu.memref_slice %arg6[%dma_wait3A_118] : memref<512xi32, #tpu.memory_space<vmem>> -> memref<8xi32, #tpu.memory_space<vmem>>
    %dma_wait3A_120 = arith.constant 0 : i32
    %dma_wait3A_121 = arith.constant 0 : i32
    %dma_wait3A_122 = tpu.memref_slice %arg2[%dma_wait3A_120, %dma_wait3A_121] : memref<100000x1024xf32, #tpu.memory_space<hbm>> -> memref<100000x1024xf32, #tpu.memory_space<hbm>>
    tpu.wait_indirect_dma semaphore(%arg13 : memref<!tpu.dma_semaphore, #tpu.memory_space<semaphore_mem>>) src(%dma_wait3A_122 : memref<100000x1024xf32, #tpu.memory_space<hbm>>) dst(%dma_wait3A_117 : memref<8x1024xf32, #tpu.memory_space<vmem>>)
    %dma_wait3A_123 = arith.constant 0 : i32
    %dma_wait3A_124 = tpu.memref_slice %arg4[%add3A_91, %dma_wait3A_123] : memref<4096x1024xf32, #tpu.memory_space<hbm>> -> memref<8x1024xf32, #tpu.memory_space<hbm>>
    %dma_wait3A_125 = arith.constant 0 : i32
    %dma_wait3A_126 = tpu.memref_slice %arg4[%add3A_91, %dma_wait3A_125] : memref<4096x1024xf32, #tpu.memory_space<hbm>> -> memref<8x1024xf32, #tpu.memory_space<hbm>>
    tpu.wait_dma2 semaphore(%arg13 : memref<!tpu.dma_semaphore, #tpu.memory_space<semaphore_mem>>) src(%dma_wait3A_126 : memref<8x1024xf32, #tpu.memory_space<hbm>>) dst(%arg7 : memref<8x1024xf32, #tpu.memory_space<vmem>>)
    %scan3A_127 = arith.constant 0 : i32
    %scan3A_128 = arith.constant 8 : i32
    %scan3A_129 = arith.addi %scan3A_127, %scan3A_128 : i32
    %scan3A_130 = arith.constant 1 : i32
    scf.for %scan3A_356 = %scan3A_127 to %scan3A_129 step %scan3A_130  : i32 {
      %mul3A_357 = arith.constant 1 : i32
      %mul3A_358 = arith.muli %scan3A_356, %mul3A_357 : i32
      %add3A_359 = arith.constant 0 : i32
      %add3A_360 = arith.addi %add3A_359, %mul3A_358 : i32
      %scan3A_361 = arith.constant 0 : i32
      %scan3A_362 = arith.constant 64 : i32
      %scan3A_363 = arith.addi %scan3A_361, %scan3A_362 : i32
      %scan3A_364 = arith.constant 4 : i32
      scf.for %scan3A_366 = %scan3A_361 to %scan3A_363 step %scan3A_364  : i32 {
        %mul3A_367 = arith.constant 1 : i32
        %mul3A_368 = arith.muli %scan3A_366, %mul3A_367 : i32
        %add3A_369 = arith.constant 0 : i32
        %add3A_370 = arith.addi %add3A_369, %mul3A_368 : i32
        %mul3A_371 = arith.constant 16 : i32
        %mul3A_372 = arith.muli %add3A_370, %mul3A_371 : i32
        %get3A = arith.index_cast %add3A_360 : i32 to index
        %get3A_373 = arith.index_cast %mul3A_372 : i32 to index
        %get3A_374 = tpu.vector_load %arg7[%get3A, %get3A_373] {strides = array<i32>} : memref<8x1024xf32, #tpu.memory_space<vmem>>, vector<1x16xf32>,
        %get3A_375 = vector.shape_cast %get3A_374 : vector<1x16xf32> to vector<16xf32>
        %add3A_376 = arith.constant 0 : i32
        %add3A_377 = arith.addi %add3A_376, %add3A_360 : i32
        %swap3A = arith.index_cast %add3A_377 : i32 to index
        %swap3A_378 = arith.index_cast %mul3A_372 : i32 to index
        %swap3A_379 = tpu.vector_load %arg10[%swap3A, %swap3A_378] {strides = array<i32>} : memref<32x1024xf32, #tpu.memory_space<vmem>>, vector<1x16xf32>,
        %swap3A_380 = vector.shape_cast %swap3A_379 : vector<1x16xf32> to vector<16xf32>
        %swap3A_381 = vector.shape_cast %get3A_375 : vector<16xf32> to vector<1x16xf32>
        tpu.vector_store %arg10[%swap3A, %swap3A_378], %swap3A_381 {add = true, strides = array<i32>} : memref<32x1024xf32, #tpu.memory_space<vmem>>, vector<1x16xf32>,
        %add3A_382 = arith.constant 8 : i32
        %add3A_383 = arith.addi %add3A_382, %add3A_360 : i32
        %swap3A_384 = arith.index_cast %add3A_383 : i32 to index
        %swap3A_385 = arith.index_cast %mul3A_372 : i32 to index
        %swap3A_386 = tpu.vector_load %arg10[%swap3A_384, %swap3A_385] {strides = array<i32>} : memref<32x1024xf32, #tpu.memory_space<vmem>>, vector<1x16xf32>,
        %swap3A_387 = vector.shape_cast %swap3A_386 : vector<1x16xf32> to vector<16xf32>
        %swap3A_388 = vector.shape_cast %get3A_375 : vector<16xf32> to vector<1x16xf32>
        tpu.vector_store %arg10[%swap3A_384, %swap3A_385], %swap3A_388 {add = true, strides = array<i32>} : memref<32x1024xf32, #tpu.memory_space<vmem>>, vector<1x16xf32>,
        %add3A_389 = arith.constant 16 : i32
        %add3A_390 = arith.addi %add3A_389, %add3A_360 : i32
        %swap3A_391 = arith.index_cast %add3A_390 : i32 to index
        %swap3A_392 = arith.index_cast %mul3A_372 : i32 to index
        %swap3A_393 = tpu.vector_load %arg10[%swap3A_391, %swap3A_392] {strides = array<i32>} : memref<32x1024xf32, #tpu.memory_space<vmem>>, vector<1x16xf32>,
        %swap3A_394 = vector.shape_cast %swap3A_393 : vector<1x16xf32> to vector<16xf32>
        %swap3A_395 = vector.shape_cast %get3A_375 : vector<16xf32> to vector<1x16xf32>
        tpu.vector_store %arg10[%swap3A_391, %swap3A_392], %swap3A_395 {add = true, strides = array<i32>} : memref<32x1024xf32, #tpu.memory_space<vmem>>, vector<1x16xf32>,
        %add3A_396 = arith.constant 24 : i32
        %add3A_397 = arith.addi %add3A_396, %add3A_360 : i32
        %swap3A_398 = arith.index_cast %add3A_397 : i32 to index
        %swap3A_399 = arith.index_cast %mul3A_372 : i32 to index
        %swap3A_400 = tpu.vector_load %arg10[%swap3A_398, %swap3A_399] {strides = array<i32>} : memref<32x1024xf32, #tpu.memory_space<vmem>>, vector<1x16xf32>,
        %swap3A_401 = vector.shape_cast %swap3A_400 : vector<1x16xf32> to vector<16xf32>
        %swap3A_402 = vector.shape_cast %get3A_375 : vector<16xf32> to vector<1x16xf32>
        tpu.vector_store %arg10[%swap3A_398, %swap3A_399], %swap3A_402 {add = true, strides = array<i32>} : memref<32x1024xf32, #tpu.memory_space<vmem>>, vector<1x16xf32>,
        %scan3A_403 = arith.constant 1 : i32
        %scan3A_404 = arith.addi %scan3A_366, %scan3A_403 : i32
        %mul3A_405 = arith.constant 1 : i32
        %mul3A_406 = arith.muli %scan3A_404, %mul3A_405 : i32
        %add3A_407 = arith.constant 0 : i32
        %add3A_408 = arith.addi %add3A_407, %mul3A_406 : i32
        %mul3A_409 = arith.constant 16 : i32
        %mul3A_410 = arith.muli %add3A_408, %mul3A_409 : i32
        %get3A_411 = arith.index_cast %add3A_360 : i32 to index
        %get3A_412 = arith.index_cast %mul3A_410 : i32 to index
        %get3A_413 = tpu.vector_load %arg7[%get3A_411, %get3A_412] {strides = array<i32>} : memref<8x1024xf32, #tpu.memory_space<vmem>>, vector<1x16xf32>,
        %get3A_414 = vector.shape_cast %get3A_413 : vector<1x16xf32> to vector<16xf32>
        %add3A_415 = arith.constant 0 : i32
        %add3A_416 = arith.addi %add3A_415, %add3A_360 : i32
        %swap3A_417 = arith.index_cast %add3A_416 : i32 to index
        %swap3A_418 = arith.index_cast %mul3A_410 : i32 to index
        %swap3A_419 = tpu.vector_load %arg10[%swap3A_417, %swap3A_418] {strides = array<i32>} : memref<32x1024xf32, #tpu.memory_space<vmem>>, vector<1x16xf32>,
        %swap3A_420 = vector.shape_cast %swap3A_419 : vector<1x16xf32> to vector<16xf32>
        %swap3A_421 = vector.shape_cast %get3A_414 : vector<16xf32> to vector<1x16xf32>
        tpu.vector_store %arg10[%swap3A_417, %swap3A_418], %swap3A_421 {add = true, strides = array<i32>} : memref<32x1024xf32, #tpu.memory_space<vmem>>, vector<1x16xf32>,
        %add3A_422 = arith.constant 8 : i32
        %add3A_423 = arith.addi %add3A_422, %add3A_360 : i32
        %swap3A_424 = arith.index_cast %add3A_423 : i32 to index
        %swap3A_425 = arith.index_cast %mul3A_410 : i32 to index
        %swap3A_426 = tpu.vector_load %arg10[%swap3A_424, %swap3A_425] {strides = array<i32>} : memref<32x1024xf32, #tpu.memory_space<vmem>>, vector<1x16xf32>,
        %swap3A_427 = vector.shape_cast %swap3A_426 : vector<1x16xf32> to vector<16xf32>
        %swap3A_428 = vector.shape_cast %get3A_414 : vector<16xf32> to vector<1x16xf32>
        tpu.vector_store %arg10[%swap3A_424, %swap3A_425], %swap3A_428 {add = true, strides = array<i32>} : memref<32x1024xf32, #tpu.memory_space<vmem>>, vector<1x16xf32>,
        %add3A_429 = arith.constant 16 : i32
        %add3A_430 = arith.addi %add3A_429, %add3A_360 : i32
        %swap3A_431 = arith.index_cast %add3A_430 : i32 to index
        %swap3A_432 = arith.index_cast %mul3A_410 : i32 to index
        %swap3A_433 = tpu.vector_load %arg10[%swap3A_431, %swap3A_432] {strides = array<i32>} : memref<32x1024xf32, #tpu.memory_space<vmem>>, vector<1x16xf32>,
        %swap3A_434 = vector.shape_cast %swap3A_433 : vector<1x16xf32> to vector<16xf32>
        %swap3A_435 = vector.shape_cast %get3A_414 : vector<16xf32> to vector<1x16xf32>
        tpu.vector_store %arg10[%swap3A_431, %swap3A_432], %swap3A_435 {add = true, strides = array<i32>} : memref<32x1024xf32, #tpu.memory_space<vmem>>, vector<1x16xf32>,
        %add3A_436 = arith.constant 24 : i32
        %add3A_437 = arith.addi %add3A_436, %add3A_360 : i32
        %swap3A_438 = arith.index_cast %add3A_437 : i32 to index
        %swap3A_439 = arith.index_cast %mul3A_410 : i32 to index
        %swap3A_440 = tpu.vector_load %arg10[%swap3A_438, %swap3A_439] {strides = array<i32>} : memref<32x1024xf32, #tpu.memory_space<vmem>>, vector<1x16xf32>,
        %swap3A_441 = vector.shape_cast %swap3A_440 : vector<1x16xf32> to vector<16xf32>
        %swap3A_442 = vector.shape_cast %get3A_414 : vector<16xf32> to vector<1x16xf32>
        tpu.vector_store %arg10[%swap3A_438, %swap3A_439], %swap3A_442 {add = true, strides = array<i32>} : memref<32x1024xf32, #tpu.memory_space<vmem>>, vector<1x16xf32>,
        %scan3A_443 = arith.constant 2 : i32
        %scan3A_444 = arith.addi %scan3A_366, %scan3A_443 : i32
        %mul3A_445 = arith.constant 1 : i32
        %mul3A_446 = arith.muli %scan3A_444, %mul3A_445 : i32
        %add3A_447 = arith.constant 0 : i32
        %add3A_448 = arith.addi %add3A_447, %mul3A_446 : i32
        %mul3A_449 = arith.constant 16 : i32
        %mul3A_450 = arith.muli %add3A_448, %mul3A_449 : i32
        %get3A_451 = arith.index_cast %add3A_360 : i32 to index
        %get3A_452 = arith.index_cast %mul3A_450 : i32 to index
        %get3A_453 = tpu.vector_load %arg7[%get3A_451, %get3A_452] {strides = array<i32>} : memref<8x1024xf32, #tpu.memory_space<vmem>>, vector<1x16xf32>,
        %get3A_454 = vector.shape_cast %get3A_453 : vector<1x16xf32> to vector<16xf32>
        %add3A_455 = arith.constant 0 : i32
        %add3A_456 = arith.addi %add3A_455, %add3A_360 : i32
        %swap3A_457 = arith.index_cast %add3A_456 : i32 to index
        %swap3A_458 = arith.index_cast %mul3A_450 : i32 to index
        %swap3A_459 = tpu.vector_load %arg10[%swap3A_457, %swap3A_458] {strides = array<i32>} : memref<32x1024xf32, #tpu.memory_space<vmem>>, vector<1x16xf32>,
        %swap3A_460 = vector.shape_cast %swap3A_459 : vector<1x16xf32> to vector<16xf32>
        %swap3A_461 = vector.shape_cast %get3A_454 : vector<16xf32> to vector<1x16xf32>
        tpu.vector_store %arg10[%swap3A_457, %swap3A_458], %swap3A_461 {add = true, strides = array<i32>} : memref<32x1024xf32, #tpu.memory_space<vmem>>, vector<1x16xf32>,
        %add3A_462 = arith.constant 8 : i32
        %add3A_463 = arith.addi %add3A_462, %add3A_360 : i32
        %swap3A_464 = arith.index_cast %add3A_463 : i32 to index
        %swap3A_465 = arith.index_cast %mul3A_450 : i32 to index
        %swap3A_466 = tpu.vector_load %arg10[%swap3A_464, %swap3A_465] {strides = array<i32>} : memref<32x1024xf32, #tpu.memory_space<vmem>>, vector<1x16xf32>,
        %swap3A_467 = vector.shape_cast %swap3A_466 : vector<1x16xf32> to vector<16xf32>
        %swap3A_468 = vector.shape_cast %get3A_454 : vector<16xf32> to vector<1x16xf32>
        tpu.vector_store %arg10[%swap3A_464, %swap3A_465], %swap3A_468 {add = true, strides = array<i32>} : memref<32x1024xf32, #tpu.memory_space<vmem>>, vector<1x16xf32>,
        %add3A_469 = arith.constant 16 : i32
        %add3A_470 = arith.addi %add3A_469, %add3A_360 : i32
        %swap3A_471 = arith.index_cast %add3A_470 : i32 to index
        %swap3A_472 = arith.index_cast %mul3A_450 : i32 to index
        %swap3A_473 = tpu.vector_load %arg10[%swap3A_471, %swap3A_472] {strides = array<i32>} : memref<32x1024xf32, #tpu.memory_space<vmem>>, vector<1x16xf32>,
        %swap3A_474 = vector.shape_cast %swap3A_473 : vector<1x16xf32> to vector<16xf32>
        %swap3A_475 = vector.shape_cast %get3A_454 : vector<16xf32> to vector<1x16xf32>
        tpu.vector_store %arg10[%swap3A_471, %swap3A_472], %swap3A_475 {add = true, strides = array<i32>} : memref<32x1024xf32, #tpu.memory_space<vmem>>, vector<1x16xf32>,
        %add3A_476 = arith.constant 24 : i32
        %add3A_477 = arith.addi %add3A_476, %add3A_360 : i32
        %swap3A_478 = arith.index_cast %add3A_477 : i32 to index
        %swap3A_479 = arith.index_cast %mul3A_450 : i32 to index
        %swap3A_480 = tpu.vector_load %arg10[%swap3A_478, %swap3A_479] {strides = array<i32>} : memref<32x1024xf32, #tpu.memory_space<vmem>>, vector<1x16xf32>,
        %swap3A_481 = vector.shape_cast %swap3A_480 : vector<1x16xf32> to vector<16xf32>
        %swap3A_482 = vector.shape_cast %get3A_454 : vector<16xf32> to vector<1x16xf32>
        tpu.vector_store %arg10[%swap3A_478, %swap3A_479], %swap3A_482 {add = true, strides = array<i32>} : memref<32x1024xf32, #tpu.memory_space<vmem>>, vector<1x16xf32>,
        %scan3A_483 = arith.constant 3 : i32
        %scan3A_484 = arith.addi %scan3A_366, %scan3A_483 : i32
        %mul3A_485 = arith.constant 1 : i32
        %mul3A_486 = arith.muli %scan3A_484, %mul3A_485 : i32
        %add3A_487 = arith.constant 0 : i32
        %add3A_488 = arith.addi %add3A_487, %mul3A_486 : i32
        %mul3A_489 = arith.constant 16 : i32
        %mul3A_490 = arith.muli %add3A_488, %mul3A_489 : i32
        %get3A_491 = arith.index_cast %add3A_360 : i32 to index
        %get3A_492 = arith.index_cast %mul3A_490 : i32 to index
        %get3A_493 = tpu.vector_load %arg7[%get3A_491, %get3A_492] {strides = array<i32>} : memref<8x1024xf32, #tpu.memory_space<vmem>>, vector<1x16xf32>,
        %get3A_494 = vector.shape_cast %get3A_493 : vector<1x16xf32> to vector<16xf32>
        %add3A_495 = arith.constant 0 : i32
        %add3A_496 = arith.addi %add3A_495, %add3A_360 : i32
        %swap3A_497 = arith.index_cast %add3A_496 : i32 to index
        %swap3A_498 = arith.index_cast %mul3A_490 : i32 to index
        %swap3A_499 = tpu.vector_load %arg10[%swap3A_497, %swap3A_498] {strides = array<i32>} : memref<32x1024xf32, #tpu.memory_space<vmem>>, vector<1x16xf32>,
        %swap3A_500 = vector.shape_cast %swap3A_499 : vector<1x16xf32> to vector<16xf32>
        %swap3A_501 = vector.shape_cast %get3A_494 : vector<16xf32> to vector<1x16xf32>
        tpu.vector_store %arg10[%swap3A_497, %swap3A_498], %swap3A_501 {add = true, strides = array<i32>} : memref<32x1024xf32, #tpu.memory_space<vmem>>, vector<1x16xf32>,
        %add3A_502 = arith.constant 8 : i32
        %add3A_503 = arith.addi %add3A_502, %add3A_360 : i32
        %swap3A_504 = arith.index_cast %add3A_503 : i32 to index
        %swap3A_505 = arith.index_cast %mul3A_490 : i32 to index
        %swap3A_506 = tpu.vector_load %arg10[%swap3A_504, %swap3A_505] {strides = array<i32>} : memref<32x1024xf32, #tpu.memory_space<vmem>>, vector<1x16xf32>,
        %swap3A_507 = vector.shape_cast %swap3A_506 : vector<1x16xf32> to vector<16xf32>
        %swap3A_508 = vector.shape_cast %get3A_494 : vector<16xf32> to vector<1x16xf32>
        tpu.vector_store %arg10[%swap3A_504, %swap3A_505], %swap3A_508 {add = true, strides = array<i32>} : memref<32x1024xf32, #tpu.memory_space<vmem>>, vector<1x16xf32>,
        %add3A_509 = arith.constant 16 : i32
        %add3A_510 = arith.addi %add3A_509, %add3A_360 : i32
        %swap3A_511 = arith.index_cast %add3A_510 : i32 to index
        %swap3A_512 = arith.index_cast %mul3A_490 : i32 to index
        %swap3A_513 = tpu.vector_load %arg10[%swap3A_511, %swap3A_512] {strides = array<i32>} : memref<32x1024xf32, #tpu.memory_space<vmem>>, vector<1x16xf32>,
        %swap3A_514 = vector.shape_cast %swap3A_513 : vector<1x16xf32> to vector<16xf32>
        %swap3A_515 = vector.shape_cast %get3A_494 : vector<16xf32> to vector<1x16xf32>
        tpu.vector_store %arg10[%swap3A_511, %swap3A_512], %swap3A_515 {add = true, strides = array<i32>} : memref<32x1024xf32, #tpu.memory_space<vmem>>, vector<1x16xf32>,
        %add3A_516 = arith.constant 24 : i32
        %add3A_517 = arith.addi %add3A_516, %add3A_360 : i32
        %swap3A_518 = arith.index_cast %add3A_517 : i32 to index
        %swap3A_519 = arith.index_cast %mul3A_490 : i32 to index
        %swap3A_520 = tpu.vector_load %arg10[%swap3A_518, %swap3A_519] {strides = array<i32>} : memref<32x1024xf32, #tpu.memory_space<vmem>>, vector<1x16xf32>,
        %swap3A_521 = vector.shape_cast %swap3A_520 : vector<1x16xf32> to vector<16xf32>
        %swap3A_522 = vector.shape_cast %get3A_494 : vector<16xf32> to vector<1x16xf32>
        tpu.vector_store %arg10[%swap3A_518, %swap3A_519], %swap3A_522 {add = true, strides = array<i32>} : memref<32x1024xf32, #tpu.memory_space<vmem>>, vector<1x16xf32>,
      }
      %scan3A_365 = arith.constant 64 : i32
    }
    %scan3A_131 = arith.constant 8 : i32
    %add3A_132 = arith.constant 0 : i32
    %add3A_133 = arith.addi %add3A_132, %mul3A_2 : i32
    %add3A_134 = arith.constant 120 : i32
    %add3A_135 = arith.addi %add3A_133, %add3A_134 : i32
    %add3A_136 = arith.constant 4096 : i32
    %add3A_137 = arith.addi %add3A_136, %mul3A_2 : i32
    %add3A_138 = arith.constant 120 : i32
    %add3A_139 = arith.addi %add3A_137, %add3A_138 : i32
    %add3A_140 = arith.constant 8192 : i32
    %add3A_141 = arith.addi %add3A_140, %mul3A_2 : i32
    %add3A_142 = arith.constant 120 : i32
    %add3A_143 = arith.addi %add3A_141, %add3A_142 : i32
    %add3A_144 = arith.constant 12288 : i32
    %add3A_145 = arith.addi %add3A_144, %mul3A_2 : i32
    %add3A_146 = arith.constant 120 : i32
    %add3A_147 = arith.addi %add3A_145, %add3A_146 : i32
    %dma_start3A_148 = arith.constant 0 : i32
    %dma_start3A_149 = arith.constant 0 : i32
    %dma_start3A_150 = tpu.memref_slice %arg10[%dma_start3A_148, %dma_start3A_149] : memref<32x1024xf32, #tpu.memory_space<vmem>> -> memref<8x1024xf32, #tpu.memory_space<vmem>>
    %dma_start3A_151 = arith.constant 0 : i32
    %dma_start3A_152 = tpu.memref_slice %arg5[%add3A_135, %dma_start3A_151] : memref<16384x1024xf32, #tpu.memory_space<hbm>> -> memref<8x1024xf32, #tpu.memory_space<hbm>>
    %dma_start3A_153 = arith.constant 0 : i32
    %dma_start3A_154 = tpu.memref_slice %arg5[%add3A_135, %dma_start3A_153] : memref<16384x1024xf32, #tpu.memory_space<hbm>> -> memref<8x1024xf32, #tpu.memory_space<hbm>>
    %dma_start3A_155 = arith.constant 0 : i32
    %dma_start3A_156 = arith.constant 0 : i32
    %dma_start3A_157 = tpu.memref_slice %arg10[%dma_start3A_155, %dma_start3A_156] : memref<32x1024xf32, #tpu.memory_space<vmem>> -> memref<8x1024xf32, #tpu.memory_space<vmem>>
    tpu.enqueue_dma source(%dma_start3A_157 : memref<8x1024xf32, #tpu.memory_space<vmem>>) target(%dma_start3A_154 : memref<8x1024xf32, #tpu.memory_space<hbm>>) target_semaphore(%arg16 : memref<!tpu.dma_semaphore, #tpu.memory_space<semaphore_mem>>)
    %dma_start3A_158 = arith.constant 8 : i32
    %dma_start3A_159 = arith.constant 0 : i32
    %dma_start3A_160 = tpu.memref_slice %arg10[%dma_start3A_158, %dma_start3A_159] : memref<32x1024xf32, #tpu.memory_space<vmem>> -> memref<8x1024xf32, #tpu.memory_space<vmem>>
    %dma_start3A_161 = arith.constant 0 : i32
    %dma_start3A_162 = tpu.memref_slice %arg5[%add3A_139, %dma_start3A_161] : memref<16384x1024xf32, #tpu.memory_space<hbm>> -> memref<8x1024xf32, #tpu.memory_space<hbm>>
    %dma_start3A_163 = arith.constant 0 : i32
    %dma_start3A_164 = tpu.memref_slice %arg5[%add3A_139, %dma_start3A_163] : memref<16384x1024xf32, #tpu.memory_space<hbm>> -> memref<8x1024xf32, #tpu.memory_space<hbm>>
    %dma_start3A_165 = arith.constant 8 : i32
    %dma_start3A_166 = arith.constant 0 : i32
    %dma_start3A_167 = tpu.memref_slice %arg10[%dma_start3A_165, %dma_start3A_166] : memref<32x1024xf32, #tpu.memory_space<vmem>> -> memref<8x1024xf32, #tpu.memory_space<vmem>>
    tpu.enqueue_dma source(%dma_start3A_167 : memref<8x1024xf32, #tpu.memory_space<vmem>>) target(%dma_start3A_164 : memref<8x1024xf32, #tpu.memory_space<hbm>>) target_semaphore(%arg16 : memref<!tpu.dma_semaphore, #tpu.memory_space<semaphore_mem>>)
    %dma_start3A_168 = arith.constant 16 : i32
    %dma_start3A_169 = arith.constant 0 : i32
    %dma_start3A_170 = tpu.memref_slice %arg10[%dma_start3A_168, %dma_start3A_169] : memref<32x1024xf32, #tpu.memory_space<vmem>> -> memref<8x1024xf32, #tpu.memory_space<vmem>>
    %dma_start3A_171 = arith.constant 0 : i32
    %dma_start3A_172 = tpu.memref_slice %arg5[%add3A_143, %dma_start3A_171] : memref<16384x1024xf32, #tpu.memory_space<hbm>> -> memref<8x1024xf32, #tpu.memory_space<hbm>>
    %dma_start3A_173 = arith.constant 0 : i32
    %dma_start3A_174 = tpu.memref_slice %arg5[%add3A_143, %dma_start3A_173] : memref<16384x1024xf32, #tpu.memory_space<hbm>> -> memref<8x1024xf32, #tpu.memory_space<hbm>>
    %dma_start3A_175 = arith.constant 16 : i32
    %dma_start3A_176 = arith.constant 0 : i32
    %dma_start3A_177 = tpu.memref_slice %arg10[%dma_start3A_175, %dma_start3A_176] : memref<32x1024xf32, #tpu.memory_space<vmem>> -> memref<8x1024xf32, #tpu.memory_space<vmem>>
    tpu.enqueue_dma source(%dma_start3A_177 : memref<8x1024xf32, #tpu.memory_space<vmem>>) target(%dma_start3A_174 : memref<8x1024xf32, #tpu.memory_space<hbm>>) target_semaphore(%arg16 : memref<!tpu.dma_semaphore, #tpu.memory_space<semaphore_mem>>)
    %dma_start3A_178 = arith.constant 24 : i32
    %dma_start3A_179 = arith.constant 0 : i32
    %dma_start3A_180 = tpu.memref_slice %arg10[%dma_start3A_178, %dma_start3A_179] : memref<32x1024xf32, #tpu.memory_space<vmem>> -> memref<8x1024xf32, #tpu.memory_space<vmem>>
    %dma_start3A_181 = arith.constant 0 : i32
    %dma_start3A_182 = tpu.memref_slice %arg5[%add3A_147, %dma_start3A_181] : memref<16384x1024xf32, #tpu.memory_space<hbm>> -> memref<8x1024xf32, #tpu.memory_space<hbm>>
    %dma_start3A_183 = arith.constant 0 : i32
    %dma_start3A_184 = tpu.memref_slice %arg5[%add3A_147, %dma_start3A_183] : memref<16384x1024xf32, #tpu.memory_space<hbm>> -> memref<8x1024xf32, #tpu.memory_space<hbm>>
    %dma_start3A_185 = arith.constant 24 : i32
    %dma_start3A_186 = arith.constant 0 : i32
    %dma_start3A_187 = tpu.memref_slice %arg10[%dma_start3A_185, %dma_start3A_186] : memref<32x1024xf32, #tpu.memory_space<vmem>> -> memref<8x1024xf32, #tpu.memory_space<vmem>>
    tpu.enqueue_dma source(%dma_start3A_187 : memref<8x1024xf32, #tpu.memory_space<vmem>>) target(%dma_start3A_184 : memref<8x1024xf32, #tpu.memory_space<hbm>>) target_semaphore(%arg16 : memref<!tpu.dma_semaphore, #tpu.memory_space<semaphore_mem>>)
    %add3A_188 = arith.constant 0 : i32
    %add3A_189 = arith.addi %add3A_188, %mul3A_2 : i32
    %add3A_190 = arith.constant 104 : i32
    %add3A_191 = arith.addi %add3A_189, %add3A_190 : i32
    %add3A_192 = arith.constant 4096 : i32
    %add3A_193 = arith.addi %add3A_192, %mul3A_2 : i32
    %add3A_194 = arith.constant 104 : i32
    %add3A_195 = arith.addi %add3A_193, %add3A_194 : i32
    %add3A_196 = arith.constant 8192 : i32
    %add3A_197 = arith.addi %add3A_196, %mul3A_2 : i32
    %add3A_198 = arith.constant 104 : i32
    %add3A_199 = arith.addi %add3A_197, %add3A_198 : i32
    %add3A_200 = arith.constant 12288 : i32
    %add3A_201 = arith.addi %add3A_200, %mul3A_2 : i32
    %add3A_202 = arith.constant 104 : i32
    %add3A_203 = arith.addi %add3A_201, %add3A_202 : i32
    %dma_wait3A_204 = arith.constant 0 : i32
    %dma_wait3A_205 = arith.constant 0 : i32
    %dma_wait3A_206 = tpu.memref_slice %arg11[%dma_wait3A_204, %dma_wait3A_205] : memref<32x1024xf32, #tpu.memory_space<vmem>> -> memref<8x1024xf32, #tpu.memory_space<vmem>>
    %dma_wait3A_207 = arith.constant 0 : i32
    %dma_wait3A_208 = tpu.memref_slice %arg5[%add3A_191, %dma_wait3A_207] : memref<16384x1024xf32, #tpu.memory_space<hbm>> -> memref<8x1024xf32, #tpu.memory_space<hbm>>
    %dma_wait3A_209 = arith.constant 0 : i32
    %dma_wait3A_210 = tpu.memref_slice %arg5[%add3A_191, %dma_wait3A_209] : memref<16384x1024xf32, #tpu.memory_space<hbm>> -> memref<8x1024xf32, #tpu.memory_space<hbm>>
    %dma_wait3A_211 = arith.constant 0 : i32
    %dma_wait3A_212 = arith.constant 0 : i32
    %dma_wait3A_213 = tpu.memref_slice %arg11[%dma_wait3A_211, %dma_wait3A_212] : memref<32x1024xf32, #tpu.memory_space<vmem>> -> memref<8x1024xf32, #tpu.memory_space<vmem>>
    tpu.wait_dma2 semaphore(%arg17 : memref<!tpu.dma_semaphore, #tpu.memory_space<semaphore_mem>>) src(%dma_wait3A_213 : memref<8x1024xf32, #tpu.memory_space<vmem>>) dst(%dma_wait3A_210 : memref<8x1024xf32, #tpu.memory_space<hbm>>)
    %dma_wait3A_214 = arith.constant 8 : i32
    %dma_wait3A_215 = arith.constant 0 : i32
    %dma_wait3A_216 = tpu.memref_slice %arg11[%dma_wait3A_214, %dma_wait3A_215] : memref<32x1024xf32, #tpu.memory_space<vmem>> -> memref<8x1024xf32, #tpu.memory_space<vmem>>
    %dma_wait3A_217 = arith.constant 0 : i32
    %dma_wait3A_218 = tpu.memref_slice %arg5[%add3A_195, %dma_wait3A_217] : memref<16384x1024xf32, #tpu.memory_space<hbm>> -> memref<8x1024xf32, #tpu.memory_space<hbm>>
    %dma_wait3A_219 = arith.constant 0 : i32
    %dma_wait3A_220 = tpu.memref_slice %arg5[%add3A_195, %dma_wait3A_219] : memref<16384x1024xf32, #tpu.memory_space<hbm>> -> memref<8x1024xf32, #tpu.memory_space<hbm>>
    %dma_wait3A_221 = arith.constant 8 : i32
    %dma_wait3A_222 = arith.constant 0 : i32
    %dma_wait3A_223 = tpu.memref_slice %arg11[%dma_wait3A_221, %dma_wait3A_222] : memref<32x1024xf32, #tpu.memory_space<vmem>> -> memref<8x1024xf32, #tpu.memory_space<vmem>>
    tpu.wait_dma2 semaphore(%arg17 : memref<!tpu.dma_semaphore, #tpu.memory_space<semaphore_mem>>) src(%dma_wait3A_223 : memref<8x1024xf32, #tpu.memory_space<vmem>>) dst(%dma_wait3A_220 : memref<8x1024xf32, #tpu.memory_space<hbm>>)
    %dma_wait3A_224 = arith.constant 16 : i32
    %dma_wait3A_225 = arith.constant 0 : i32
    %dma_wait3A_226 = tpu.memref_slice %arg11[%dma_wait3A_224, %dma_wait3A_225] : memref<32x1024xf32, #tpu.memory_space<vmem>> -> memref<8x1024xf32, #tpu.memory_space<vmem>>
    %dma_wait3A_227 = arith.constant 0 : i32
    %dma_wait3A_228 = tpu.memref_slice %arg5[%add3A_199, %dma_wait3A_227] : memref<16384x1024xf32, #tpu.memory_space<hbm>> -> memref<8x1024xf32, #tpu.memory_space<hbm>>
    %dma_wait3A_229 = arith.constant 0 : i32
    %dma_wait3A_230 = tpu.memref_slice %arg5[%add3A_199, %dma_wait3A_229] : memref<16384x1024xf32, #tpu.memory_space<hbm>> -> memref<8x1024xf32, #tpu.memory_space<hbm>>
    %dma_wait3A_231 = arith.constant 16 : i32
    %dma_wait3A_232 = arith.constant 0 : i32
    %dma_wait3A_233 = tpu.memref_slice %arg11[%dma_wait3A_231, %dma_wait3A_232] : memref<32x1024xf32, #tpu.memory_space<vmem>> -> memref<8x1024xf32, #tpu.memory_space<vmem>>
    tpu.wait_dma2 semaphore(%arg17 : memref<!tpu.dma_semaphore, #tpu.memory_space<semaphore_mem>>) src(%dma_wait3A_233 : memref<8x1024xf32, #tpu.memory_space<vmem>>) dst(%dma_wait3A_230 : memref<8x1024xf32, #tpu.memory_space<hbm>>)
    %dma_wait3A_234 = arith.constant 24 : i32
    %dma_wait3A_235 = arith.constant 0 : i32
    %dma_wait3A_236 = tpu.memref_slice %arg11[%dma_wait3A_234, %dma_wait3A_235] : memref<32x1024xf32, #tpu.memory_space<vmem>> -> memref<8x1024xf32, #tpu.memory_space<vmem>>
    %dma_wait3A_237 = arith.constant 0 : i32
    %dma_wait3A_238 = tpu.memref_slice %arg5[%add3A_203, %dma_wait3A_237] : memref<16384x1024xf32, #tpu.memory_space<hbm>> -> memref<8x1024xf32, #tpu.memory_space<hbm>>
    %dma_wait3A_239 = arith.constant 0 : i32
    %dma_wait3A_240 = tpu.memref_slice %arg5[%add3A_203, %dma_wait3A_239] : memref<16384x1024xf32, #tpu.memory_space<hbm>> -> memref<8x1024xf32, #tpu.memory_space<hbm>>
    %dma_wait3A_241 = arith.constant 24 : i32
    %dma_wait3A_242 = arith.constant 0 : i32
    %dma_wait3A_243 = tpu.memref_slice %arg11[%dma_wait3A_241, %dma_wait3A_242] : memref<32x1024xf32, #tpu.memory_space<vmem>> -> memref<8x1024xf32, #tpu.memory_space<vmem>>
    tpu.wait_dma2 semaphore(%arg17 : memref<!tpu.dma_semaphore, #tpu.memory_space<semaphore_mem>>) src(%dma_wait3A_243 : memref<8x1024xf32, #tpu.memory_space<vmem>>) dst(%dma_wait3A_240 : memref<8x1024xf32, #tpu.memory_space<hbm>>)
    %add3A_244 = arith.constant 0 : i32
    %add3A_245 = arith.addi %add3A_244, %mul3A_2 : i32
    %add3A_246 = arith.constant 112 : i32
    %add3A_247 = arith.addi %add3A_245, %add3A_246 : i32
    %add3A_248 = arith.constant 4096 : i32
    %add3A_249 = arith.addi %add3A_248, %mul3A_2 : i32
    %add3A_250 = arith.constant 112 : i32
    %add3A_251 = arith.addi %add3A_249, %add3A_250 : i32
    %add3A_252 = arith.constant 8192 : i32
    %add3A_253 = arith.addi %add3A_252, %mul3A_2 : i32
    %add3A_254 = arith.constant 112 : i32
    %add3A_255 = arith.addi %add3A_253, %add3A_254 : i32
    %add3A_256 = arith.constant 12288 : i32
    %add3A_257 = arith.addi %add3A_256, %mul3A_2 : i32
    %add3A_258 = arith.constant 112 : i32
    %add3A_259 = arith.addi %add3A_257, %add3A_258 : i32
    %dma_wait3A_260 = arith.constant 0 : i32
    %dma_wait3A_261 = arith.constant 0 : i32
    %dma_wait3A_262 = tpu.memref_slice %arg12[%dma_wait3A_260, %dma_wait3A_261] : memref<32x1024xf32, #tpu.memory_space<vmem>> -> memref<8x1024xf32, #tpu.memory_space<vmem>>
    %dma_wait3A_263 = arith.constant 0 : i32
    %dma_wait3A_264 = tpu.memref_slice %arg5[%add3A_247, %dma_wait3A_263] : memref<16384x1024xf32, #tpu.memory_space<hbm>> -> memref<8x1024xf32, #tpu.memory_space<hbm>>
    %dma_wait3A_265 = arith.constant 0 : i32
    %dma_wait3A_266 = tpu.memref_slice %arg5[%add3A_247, %dma_wait3A_265] : memref<16384x1024xf32, #tpu.memory_space<hbm>> -> memref<8x1024xf32, #tpu.memory_space<hbm>>
    %dma_wait3A_267 = arith.constant 0 : i32
    %dma_wait3A_268 = arith.constant 0 : i32
    %dma_wait3A_269 = tpu.memref_slice %arg12[%dma_wait3A_267, %dma_wait3A_268] : memref<32x1024xf32, #tpu.memory_space<vmem>> -> memref<8x1024xf32, #tpu.memory_space<vmem>>
    tpu.wait_dma2 semaphore(%arg18 : memref<!tpu.dma_semaphore, #tpu.memory_space<semaphore_mem>>) src(%dma_wait3A_269 : memref<8x1024xf32, #tpu.memory_space<vmem>>) dst(%dma_wait3A_266 : memref<8x1024xf32, #tpu.memory_space<hbm>>)
    %dma_wait3A_270 = arith.constant 8 : i32
    %dma_wait3A_271 = arith.constant 0 : i32
    %dma_wait3A_272 = tpu.memref_slice %arg12[%dma_wait3A_270, %dma_wait3A_271] : memref<32x1024xf32, #tpu.memory_space<vmem>> -> memref<8x1024xf32, #tpu.memory_space<vmem>>
    %dma_wait3A_273 = arith.constant 0 : i32
    %dma_wait3A_274 = tpu.memref_slice %arg5[%add3A_251, %dma_wait3A_273] : memref<16384x1024xf32, #tpu.memory_space<hbm>> -> memref<8x1024xf32, #tpu.memory_space<hbm>>
    %dma_wait3A_275 = arith.constant 0 : i32
    %dma_wait3A_276 = tpu.memref_slice %arg5[%add3A_251, %dma_wait3A_275] : memref<16384x1024xf32, #tpu.memory_space<hbm>> -> memref<8x1024xf32, #tpu.memory_space<hbm>>
    %dma_wait3A_277 = arith.constant 8 : i32
    %dma_wait3A_278 = arith.constant 0 : i32
    %dma_wait3A_279 = tpu.memref_slice %arg12[%dma_wait3A_277, %dma_wait3A_278] : memref<32x1024xf32, #tpu.memory_space<vmem>> -> memref<8x1024xf32, #tpu.memory_space<vmem>>
    tpu.wait_dma2 semaphore(%arg18 : memref<!tpu.dma_semaphore, #tpu.memory_space<semaphore_mem>>) src(%dma_wait3A_279 : memref<8x1024xf32, #tpu.memory_space<vmem>>) dst(%dma_wait3A_276 : memref<8x1024xf32, #tpu.memory_space<hbm>>)
    %dma_wait3A_280 = arith.constant 16 : i32
    %dma_wait3A_281 = arith.constant 0 : i32
    %dma_wait3A_282 = tpu.memref_slice %arg12[%dma_wait3A_280, %dma_wait3A_281] : memref<32x1024xf32, #tpu.memory_space<vmem>> -> memref<8x1024xf32, #tpu.memory_space<vmem>>
    %dma_wait3A_283 = arith.constant 0 : i32
    %dma_wait3A_284 = tpu.memref_slice %arg5[%add3A_255, %dma_wait3A_283] : memref<16384x1024xf32, #tpu.memory_space<hbm>> -> memref<8x1024xf32, #tpu.memory_space<hbm>>
    %dma_wait3A_285 = arith.constant 0 : i32
    %dma_wait3A_286 = tpu.memref_slice %arg5[%add3A_255, %dma_wait3A_285] : memref<16384x1024xf32, #tpu.memory_space<hbm>> -> memref<8x1024xf32, #tpu.memory_space<hbm>>
    %dma_wait3A_287 = arith.constant 16 : i32
    %dma_wait3A_288 = arith.constant 0 : i32
    %dma_wait3A_289 = tpu.memref_slice %arg12[%dma_wait3A_287, %dma_wait3A_288] : memref<32x1024xf32, #tpu.memory_space<vmem>> -> memref<8x1024xf32, #tpu.memory_space<vmem>>
    tpu.wait_dma2 semaphore(%arg18 : memref<!tpu.dma_semaphore, #tpu.memory_space<semaphore_mem>>) src(%dma_wait3A_289 : memref<8x1024xf32, #tpu.memory_space<vmem>>) dst(%dma_wait3A_286 : memref<8x1024xf32, #tpu.memory_space<hbm>>)
    %dma_wait3A_290 = arith.constant 24 : i32
    %dma_wait3A_291 = arith.constant 0 : i32
    %dma_wait3A_292 = tpu.memref_slice %arg12[%dma_wait3A_290, %dma_wait3A_291] : memref<32x1024xf32, #tpu.memory_space<vmem>> -> memref<8x1024xf32, #tpu.memory_space<vmem>>
    %dma_wait3A_293 = arith.constant 0 : i32
    %dma_wait3A_294 = tpu.memref_slice %arg5[%add3A_259, %dma_wait3A_293] : memref<16384x1024xf32, #tpu.memory_space<hbm>> -> memref<8x1024xf32, #tpu.memory_space<hbm>>
    %dma_wait3A_295 = arith.constant 0 : i32
    %dma_wait3A_296 = tpu.memref_slice %arg5[%add3A_259, %dma_wait3A_295] : memref<16384x1024xf32, #tpu.memory_space<hbm>> -> memref<8x1024xf32, #tpu.memory_space<hbm>>
    %dma_wait3A_297 = arith.constant 24 : i32
    %dma_wait3A_298 = arith.constant 0 : i32
    %dma_wait3A_299 = tpu.memref_slice %arg12[%dma_wait3A_297, %dma_wait3A_298] : memref<32x1024xf32, #tpu.memory_space<vmem>> -> memref<8x1024xf32, #tpu.memory_space<vmem>>
    tpu.wait_dma2 semaphore(%arg18 : memref<!tpu.dma_semaphore, #tpu.memory_space<semaphore_mem>>) src(%dma_wait3A_299 : memref<8x1024xf32, #tpu.memory_space<vmem>>) dst(%dma_wait3A_296 : memref<8x1024xf32, #tpu.memory_space<hbm>>)
    %add3A_300 = arith.constant 0 : i32
    %add3A_301 = arith.addi %add3A_300, %mul3A_2 : i32
    %add3A_302 = arith.constant 120 : i32
    %add3A_303 = arith.addi %add3A_301, %add3A_302 : i32
    %add3A_304 = arith.constant 4096 : i32
    %add3A_305 = arith.addi %add3A_304, %mul3A_2 : i32
    %add3A_306 = arith.constant 120 : i32
    %add3A_307 = arith.addi %add3A_305, %add3A_306 : i32
    %add3A_308 = arith.constant 8192 : i32
    %add3A_309 = arith.addi %add3A_308, %mul3A_2 : i32
    %add3A_310 = arith.constant 120 : i32
    %add3A_311 = arith.addi %add3A_309, %add3A_310 : i32
    %add3A_312 = arith.constant 12288 : i32
    %add3A_313 = arith.addi %add3A_312, %mul3A_2 : i32
    %add3A_314 = arith.constant 120 : i32
    %add3A_315 = arith.addi %add3A_313, %add3A_314 : i32
    %dma_wait3A_316 = arith.constant 0 : i32
    %dma_wait3A_317 = arith.constant 0 : i32
    %dma_wait3A_318 = tpu.memref_slice %arg10[%dma_wait3A_316, %dma_wait3A_317] : memref<32x1024xf32, #tpu.memory_space<vmem>> -> memref<8x1024xf32, #tpu.memory_space<vmem>>
    %dma_wait3A_319 = arith.constant 0 : i32
    %dma_wait3A_320 = tpu.memref_slice %arg5[%add3A_303, %dma_wait3A_319] : memref<16384x1024xf32, #tpu.memory_space<hbm>> -> memref<8x1024xf32, #tpu.memory_space<hbm>>
    %dma_wait3A_321 = arith.constant 0 : i32
    %dma_wait3A_322 = tpu.memref_slice %arg5[%add3A_303, %dma_wait3A_321] : memref<16384x1024xf32, #tpu.memory_space<hbm>> -> memref<8x1024xf32, #tpu.memory_space<hbm>>
    %dma_wait3A_323 = arith.constant 0 : i32
    %dma_wait3A_324 = arith.constant 0 : i32
    %dma_wait3A_325 = tpu.memref_slice %arg10[%dma_wait3A_323, %dma_wait3A_324] : memref<32x1024xf32, #tpu.memory_space<vmem>> -> memref<8x1024xf32, #tpu.memory_space<vmem>>
    tpu.wait_dma2 semaphore(%arg16 : memref<!tpu.dma_semaphore, #tpu.memory_space<semaphore_mem>>) src(%dma_wait3A_325 : memref<8x1024xf32, #tpu.memory_space<vmem>>) dst(%dma_wait3A_322 : memref<8x1024xf32, #tpu.memory_space<hbm>>)
    %dma_wait3A_326 = arith.constant 8 : i32
    %dma_wait3A_327 = arith.constant 0 : i32
    %dma_wait3A_328 = tpu.memref_slice %arg10[%dma_wait3A_326, %dma_wait3A_327] : memref<32x1024xf32, #tpu.memory_space<vmem>> -> memref<8x1024xf32, #tpu.memory_space<vmem>>
    %dma_wait3A_329 = arith.constant 0 : i32
    %dma_wait3A_330 = tpu.memref_slice %arg5[%add3A_307, %dma_wait3A_329] : memref<16384x1024xf32, #tpu.memory_space<hbm>> -> memref<8x1024xf32, #tpu.memory_space<hbm>>
    %dma_wait3A_331 = arith.constant 0 : i32
    %dma_wait3A_332 = tpu.memref_slice %arg5[%add3A_307, %dma_wait3A_331] : memref<16384x1024xf32, #tpu.memory_space<hbm>> -> memref<8x1024xf32, #tpu.memory_space<hbm>>
    %dma_wait3A_333 = arith.constant 8 : i32
    %dma_wait3A_334 = arith.constant 0 : i32
    %dma_wait3A_335 = tpu.memref_slice %arg10[%dma_wait3A_333, %dma_wait3A_334] : memref<32x1024xf32, #tpu.memory_space<vmem>> -> memref<8x1024xf32, #tpu.memory_space<vmem>>
    tpu.wait_dma2 semaphore(%arg16 : memref<!tpu.dma_semaphore, #tpu.memory_space<semaphore_mem>>) src(%dma_wait3A_335 : memref<8x1024xf32, #tpu.memory_space<vmem>>) dst(%dma_wait3A_332 : memref<8x1024xf32, #tpu.memory_space<hbm>>)
    %dma_wait3A_336 = arith.constant 16 : i32
    %dma_wait3A_337 = arith.constant 0 : i32
    %dma_wait3A_338 = tpu.memref_slice %arg10[%dma_wait3A_336, %dma_wait3A_337] : memref<32x1024xf32, #tpu.memory_space<vmem>> -> memref<8x1024xf32, #tpu.memory_space<vmem>>
    %dma_wait3A_339 = arith.constant 0 : i32
    %dma_wait3A_340 = tpu.memref_slice %arg5[%add3A_311, %dma_wait3A_339] : memref<16384x1024xf32, #tpu.memory_space<hbm>> -> memref<8x1024xf32, #tpu.memory_space<hbm>>
    %dma_wait3A_341 = arith.constant 0 : i32
    %dma_wait3A_342 = tpu.memref_slice %arg5[%add3A_311, %dma_wait3A_341] : memref<16384x1024xf32, #tpu.memory_space<hbm>> -> memref<8x1024xf32, #tpu.memory_space<hbm>>
    %dma_wait3A_343 = arith.constant 16 : i32
    %dma_wait3A_344 = arith.constant 0 : i32
    %dma_wait3A_345 = tpu.memref_slice %arg10[%dma_wait3A_343, %dma_wait3A_344] : memref<32x1024xf32, #tpu.memory_space<vmem>> -> memref<8x1024xf32, #tpu.memory_space<vmem>>
    tpu.wait_dma2 semaphore(%arg16 : memref<!tpu.dma_semaphore, #tpu.memory_space<semaphore_mem>>) src(%dma_wait3A_345 : memref<8x1024xf32, #tpu.memory_space<vmem>>) dst(%dma_wait3A_342 : memref<8x1024xf32, #tpu.memory_space<hbm>>)
    %dma_wait3A_346 = arith.constant 24 : i32
    %dma_wait3A_347 = arith.constant 0 : i32
    %dma_wait3A_348 = tpu.memref_slice %arg10[%dma_wait3A_346, %dma_wait3A_347] : memref<32x1024xf32, #tpu.memory_space<vmem>> -> memref<8x1024xf32, #tpu.memory_space<vmem>>
    %dma_wait3A_349 = arith.constant 0 : i32
    %dma_wait3A_350 = tpu.memref_slice %arg5[%add3A_315, %dma_wait3A_349] : memref<16384x1024xf32, #tpu.memory_space<hbm>> -> memref<8x1024xf32, #tpu.memory_space<hbm>>
    %dma_wait3A_351 = arith.constant 0 : i32
    %dma_wait3A_352 = tpu.memref_slice %arg5[%add3A_315, %dma_wait3A_351] : memref<16384x1024xf32, #tpu.memory_space<hbm>> -> memref<8x1024xf32, #tpu.memory_space<hbm>>
    %dma_wait3A_353 = arith.constant 24 : i32
    %dma_wait3A_354 = arith.constant 0 : i32
    %dma_wait3A_355 = tpu.memref_slice %arg10[%dma_wait3A_353, %dma_wait3A_354] : memref<32x1024xf32, #tpu.memory_space<vmem>> -> memref<8x1024xf32, #tpu.memory_space<vmem>>
    tpu.wait_dma2 semaphore(%arg16 : memref<!tpu.dma_semaphore, #tpu.memory_space<semaphore_mem>>) src(%dma_wait3A_355 : memref<8x1024xf32, #tpu.memory_space<vmem>>) dst(%dma_wait3A_352 : memref<8x1024xf32, #tpu.memory_space<hbm>>)
    return
  }
}

</mosaic_0001>

<sc_bundles>
// kernel: kernel.3.cloned.1.call-start
scs
__scs_entry_jumppad:
0x0: {  	(pc) =	sbr.rel $0x88, $3  }
0x1: {  	(tag) =	ssettag $0x0;
	lr =	simm.s32 $0x1  }
0x2: {  	[smem:$0x3F9F] =	sst lr;
	_ =	strace $0xD0000000  }
0x3: {  	_ = 	snop  }
0x4: {  	_ = 	snop  }
0x5: {  	_ = 	snop  }
0x6: {  	_ = 	snop  }
0x7: {  	_ = 	snop  }
__scs_overlays_trampoline_lowered:
0x8: {  	[smem:$0x3FAE] =	sst s0  }
0x9: {  	[smem:$0x3FAF] =	sst s1  }
0xa: {  	[smem:$0x3FB0] =	sst s2  }
0xb: {  	[smem:$0x3FB1] =	sst s3  }
0xc: {  	[smem:$0x3FB2] =	sst s4  }
0xd: {  	[smem:$0x3FB3] =	sst s5  }
0xe: {  	[smem:$0x3FB4] =	sst s6  }
0xf: {  	[smem:$0x3FB5] =	sst s7  }
0x10: {  	[smem:$0x3FB6] =	sst s8  }
0x11: {  	[smem:$0x3FB7] =	sst s9;
	s0 =	simm.s32 @!p0 $0x0  }
0x12: {  	s1 =	sld [smem:$0x3F9D];
	s0 =	simm.s32 @p0 $0x1  }
0x13: {  	[smem:$0x3FB8] =	sst s0;
	s0 =	simm.s32 @!p1 $0x0  }
0x14: {  	s2 =	sld [smem:$0x3F9C];
	s0 =	simm.s32 @p1 $0x1  }
0x15: {  	[smem:$0x3FB9] =	sst s0;
	s0 =	simm.s32 @!p2 $0x0  }
0x16: {  	s3 =	sld [smem:$0x3FDB];
	s0 =	simm.s32 @p2 $0x1  }
0x17: {  	s4 =	simm.s32 $0x1BF5;
	[smem:$0x3FBB] =	sst s0  }
0x18: {  	s0 =	sld [smem:$0x3F9E];
	_ =	swait.ge [sflag:s4], $0x0  }
0x19: {  	s7 =	sld [smem:$0x3F9F]  }
0x1a: {  	s8 =	sadd.s32 $0xFFFFE003, lr  }
0x1b: {  	s9 =	sadd.s32 $0xFFFFFEF7, lr;
	s5 =	simm.s32 $0xFFFFFFFF;
	p2 =	slt.u32 s8, $0xFFFFF086  }
0x1c: {  	p1 =	slt.u32 s9, $0xF7A;
	s5 =	simm.s32 @!p2 $0x0  }
0x1d: {  	s5 =	simm.s32 @p1 $0x1;
	p0 =	seq.s32 s7, s2  }
0x1e: {  	s7 =	smul.u32 @!p0 $0xF7A, s2;
	p2 =	seq.s32 @!p0 s5, $0x0  }
0x1f: {  	s9 =	smul.u32 $0xF7A, s1;
	s8 =	simm.s32 @!p0 $0x1BF5;
	p2 =	por !p2, p0  }
0x20: {  	[sflag:s8] =	ssyncset.s32 @!p0 $0xFFFFF086;
	s6 =	sadd.s32 @!p0 s3, s7;
	s7 =	simm.s32 @!p0 $0x108  }
0x21: {  	s3 =	sadd.s32 s3, s9;
	s6 =	sadd.s32 @!p0 $0x88, s6;
	s7 =	simm.s32 @p2 $0x1082  }
0x22: {  	[simem:s7], [sflag:s8] =	dma.local @!p0 [hbm:s6], $0xF7A  }
0x23: {  	s9 =	sor.u32 $0xD0000000, s2;
	s6 =	simm.s32 $0x108;
	_ =	swait.ge @!p0 [sflag:s8], $0x0  }
0x24: {  	s3 =	sadd.s32 $0x88, s3;
	s6 =	simm.s32 @!p1 $0x1082;
	[sflag:s4] =	ssyncset.s32 $0xFFFFF086  }
0x25: {  	[simem:s6], [sflag:s4] =	dma.local [hbm:s3], $0xF7A  }
0x26: {  	[smem:$0x3F9F] =	sst s1;
	(tag) =	ssettag s2;
	_ =	strace s9  }
0x27: {  	s1 =	sld [smem:$0x3FAF]  }
0x28: {  	s2 =	sld [smem:$0x3FB0]  }
0x29: {  	s4 =	sld [smem:$0x3FB2]  }
0x2a: {  	p0 =	seq.s32 s5, $0x0;
	s5 =	sld [smem:$0x3FB3]  }
0x2b: {  	s6 =	sld [smem:$0x3FB4]  }
0x2c: {  	s7 =	sld [smem:$0x3FB5]  }
0x2d: {  	s3 =	simm.s32 $0x108;
	s8 =	sld [smem:$0x3FB6]  }
0x2e: {  	s3 =	simm.s32 @!p0 $0x1082;
	s9 =	sld [smem:$0x3FB7]  }
0x2f: {  	lr =	sadd.s32 s0, s3;
	s0 =	sld [smem:$0x3FAE]  }
0x30: {  	s3 =	sld [smem:$0x3FB1]  }
0x31: {  	[smem:$0x3FBA] =	sst s10  }
0x32: {  	s10 =	sld [smem:$0x3FB8];
	_ =	sdelay $0x3  }
0x33: {  	p0 =	seq.s32 s10, $0x1;
	s10 =	sld [smem:$0x3FBA];
	_ =	sdelay $0x3  }
0x34: {  	[smem:$0x3FBA] =	sst s10  }
0x35: {  	s10 =	sld [smem:$0x3FB9];
	_ =	sdelay $0x3  }
0x36: {  	p1 =	seq.s32 s10, $0x1;
	s10 =	sld [smem:$0x3FBA];
	_ =	sdelay $0x3  }
0x37: {  	[smem:$0x3FBA] =	sst s10  }
0x38: {  	s10 =	sld [smem:$0x3FBB]  }
0x39: {  	_ = 	snop;
	(pc) =	sbr.ind lr, $3  }
0x3a: {  	_ = 	snop  }
0x3b: {  	_ = 	snop  }
0x3c: {  	p2 =	seq.s32 s10, $0x1;
	s10 =	sld [smem:$0x3FBA]  }
0x3d: {  	_ =	shalt  }
0x3e: {  	_ =	shalt  }
0x3f: {  	_ =	shalt  }
0x40: {  	_ =	shalt  }
0x41: {  	_ =	shalt  }
0x42: {  	_ =	shalt  }
0x43: {  	_ =	shalt  }
0x44: {  	_ =	shalt  }
0x45: {  	_ =	shalt  }
0x46: {  	_ =	shalt  }
0x47: {  	_ =	shalt  }
0x48: {  	_ =	shalt  }
0x49: {  	_ =	shalt  }
0x4a: {  	_ =	shalt  }
0x4b: {  	_ =	shalt  }
0x4c: {  	_ =	shalt  }
0x4d: {  	_ =	shalt  }
0x4e: {  	_ =	shalt  }
0x4f: {  	_ =	shalt  }
0x50: {  	_ =	shalt  }
0x51: {  	_ =	shalt  }
0x52: {  	_ =	shalt  }
0x53: {  	_ =	shalt  }
0x54: {  	_ =	shalt  }
0x55: {  	_ =	shalt  }
0x56: {  	_ =	shalt  }
0x57: {  	_ =	shalt  }
0x58: {  	_ =	shalt  }
0x59: {  	_ =	shalt  }
0x5a: {  	_ =	shalt  }
0x5b: {  	_ =	shalt  }
0x5c: {  	_ =	shalt  }
0x5d: {  	_ =	shalt  }
0x5e: {  	_ =	shalt  }
0x5f: {  	_ =	shalt  }
0x60: {  	_ =	shalt  }
0x61: {  	_ =	shalt  }
0x62: {  	_ =	shalt  }
0x63: {  	_ =	shalt  }
0x64: {  	_ =	shalt  }
0x65: {  	_ =	shalt  }
0x66: {  	_ =	shalt  }
0x67: {  	_ =	shalt  }
0x68: {  	_ =	shalt  }
0x69: {  	_ =	shalt  }
0x6a: {  	_ =	shalt  }
0x6b: {  	_ =	shalt  }
0x6c: {  	_ =	shalt  }
0x6d: {  	_ =	shalt  }
0x6e: {  	_ =	shalt  }
0x6f: {  	_ =	shalt  }
0x70: {  	_ =	shalt  }
0x71: {  	_ =	shalt  }
0x72: {  	_ =	shalt  }
0x73: {  	_ =	shalt  }
0x74: {  	_ =	shalt  }
0x75: {  	_ =	shalt  }
0x76: {  	_ =	shalt  }
0x77: {  	_ =	shalt  }
0x78: {  	_ =	shalt  }
0x79: {  	_ =	shalt  }
0x7a: {  	_ =	shalt  }
0x7b: {  	_ =	shalt  }
0x7c: {  	_ =	shalt  }
0x7d: {  	_ =	shalt  }
0x7e: {  	_ =	shalt  }
0x7f: {  	_ =	shalt  }
0x80: {  	_ =	shalt  }
0x81: {  	_ =	shalt  }
0x82: {  	_ =	shalt  }
0x83: {  	_ =	shalt  }
0x84: {  	_ =	shalt  }
0x85: {  	_ =	shalt  }
0x86: {  	_ =	shalt  }
0x87: {  	_ =	shalt  }
.Lfunc_end0:
.L_simem_size_0:
called_computation_lowered:
.L_overlay_start_0:
0x88: {  	s2 =	sld [smem:$0x3FD9]  }
0x89: {  	s3 =	sld [smem:$0x3FFE];
	_ =	sdelay $0x1  }
0x8a: {  	s1 =	srdreg.scid  }
0x8b: {  	s0 =	sand.u32 $0x1, s1  }
0x8c: {  	s17 =	sshll.u32 s0, $0xA;
	s2 =	sadd.s32 s3, s2  }
0x8d: {  	s2 =	sadd.s32 s2, s17  }
0x8e: {  	[smem:$0x3FC6] =	sst s2  }
0x8f: {  	_ = 	snop  }
0x90: {  	s2 =	sld [smem:$0x3FC8]  }
0x91: {  	s18 =	sld [smem:$0x3FD0];
	(tm) =	ssettm $0x1  }
0x92: {  	s4 =	sld [smem:$0x3FFB];
	_ =	sdelay $0x3  }
0x93: {  	_ =	strace s4  }
0x94: {  	s4 =	sld [smem:$0x3FFC];
	_ =	sdelay $0x3  }
0x95: {  	_ =	strace s4  }
0x96: {  	s4 =	sld [smem:$0x3FFD];
	_ =	sdelay $0x3  }
0x97: {  	_ =	strace s4  }
0x98: {  	_ =	strace $0x8FFFFFFF  }
0x99: {  	s19 =	sld [smem:$0x3FDB];
	_ =	sdelay $0x1  }
0x9a: {  	s5 =	simm.s32 $_scs_section_size  }
0x9b: {  	s6 =	simm.s32 $_size__tile_overlayer_lowered;
	s7 =	simm.s32 $_tile_overlayer_lowered  }
0x9c: {  	s22 =	simm.s32 $0x1BFF;
	s21 =	sshll.u32 s7, $0x1;
	s4 =	sadd.s32 s5, s19  }
0x9d: {  	s8 =	simm.s32 $0x0;
	s20 =	sshll.u32 s6, $0x1;
	s6 =	sadd.s32 s21, s4  }
0x9e: {  	[timem:s8], [sflag:s22] =	dma.local [hbm:s6], s20  }
0x9f: {  	_ =	swait.ge [sflag:s22], s20  }
0xa0: {  	s5 =	ssub.s32 $0x0, s20;
	[sflag:s22] =	ssyncset.done $0x0  }
0xa1: {  	[sflag:s22] =	ssyncadd.s32 s5;
	_ =	sdelay $0x1  }
0xa2: {  	s23 =	simm.s32 $0x1B8B  }
0xa3: {  	_ =	swait.ge [sflag:s23], $0x1  }
0xa4: {  	[sflag:s23] =	ssyncset.done $0x0  }
0xa5: {  	s25 =	simm.s32 $0x1B8E;
	s24 =	sld [smem:$0x3FFE];
	[sflag:s23] =	ssyncadd.s32 $0xFFFFFFFF  }
0xa6: {  	s26 =	simm.s32 $execute0_lowered;
	[smem:$0x3FD2] =	sst s25  }
0xa7: {  	s6 =	sshll.u32 s26, $0x1;
	_ =	strace $0x80000046;
	[dreg:$0x1] =	wrdreg $0xFFFFFFFF  }
0xa8: {  	s28 =	simm.s32 $_size_execute0_lowered;
	s4 =	sadd.s32 s4, s6;
	[dreg:$0x0] =	wrdreg $0x0  }
0xa9: {  	s6 =	sshll.u32 s28, $0x1;
	[dreg:$0x2] =	wrdreg s4  }
0xaa: {  	[dreg:$0x3] =	wrdreg s6  }
0xab: {  	[dreg:$0x4] =	wrdreg $0xC0  }
0xac: {  	_ =	task [dreg:s8], $0x5FFFF  }
0xad: {  	[dreg:$0x1] =	wrdreg $0xFFFFFFFF  }
0xae: {  	[dreg:$0x0] =	wrdreg $0x60  }
0xaf: {  	[dreg:$0x2] =	wrdreg s2  }
0xb0: {  	[dreg:$0x3] =	wrdreg s24  }
0xb1: {  	[dreg:$0x4] =	wrdreg s18  }
0xb2: {  	[dreg:$0x5] =	wrdreg $0x9  }
0xb3: {  	_ =	task.clear_ibuf [dreg:s8], $0x6FFFF;
	_ =	strace $0x90000046  }
0xb4: {  	s29 =	simm.s32 $0x9;
	_ =	strace $0x80000048  }
0xb5: {  	_ =	swait.ge [sflag:s29], $0x1  }
0xb6: {  	[sflag:s29] =	ssyncadd.s32 $0xFFFFFFFF  }
0xb7: {  	_ =	strace $0x90000048  }
0xb8: {  	_ =	sfence  }
0xb9: {  	s30 =	sld [smem:$0x0];
	_ =	sdelay $0x2  }
0xba: {  	s31 =	sshll.u32 s1, $0xD;
	s1 =	sshrl.u32 s1, $0x2  }
0xbb: {  	s3 =	sand.u32 $0x4000, s31;
	s1 =	sadd.s32 s1, s30  }
0xbc: {  	s0 =	sor.u32 s3, s0;
	s1 =	sshll.u32 s1, $0x11  }
0xbd: {  	s0 =	sor.u32 s1, s0  }
0xbe: {  	s0 =	sadd.s32 $0x8F2B, s0  }
0xbf: {  	[sflag:s0] =	ssyncadd.remote.s32 $0x1  }
0xc0: {  	_ =	sfence.sel $0xFFFF  }
0xc1: {  	[dreg:$0x0] =	wrdreg $0xFFFFFFFF;
	(pc) =	sbr.abs _section_cstart, $3  }
0xc2: {  	[dreg:$0x1] =	wrdreg $0xFFFFFFFF  }
0xc3: {  	_ =	task.clear_ibuf [dreg:s8], $0x2FFFF;
	_ =	strace $0x9FFFFFFF  }
0xc4: {  	(tm) =	ssettm $0x7FFFFFFF  }
0xc5: {  	_ =	shalt  }
tec
execute0_lowered:
.L_overlay_start_1:
0x0: {  	(tag) =	ssettag $0x1  }
0x1: {  	s30 =	rddreg [dreg:$0x0]  }
0x2: {  	s0 =	rddreg [dreg:$0x1]  }
0x3: {  	s1 =	rddreg [dreg:$0x2]  }
0x4: {  	s4 =	simm.s32 $0x0;
	s3 =	srdreg.scid;
	s2 =	stileid.u32  }
0x5: {  	s31 =	simm.s32 $0x1;
	s28 =	simm.s32 $0x1A200;
	s29 =	simm.s32 $0x1C200  }
0x6: {  	s11 =	simm.s32 $0x3;
	[smem:$0x7FF] =	sst s4;
	s3 =	sand.u32 $0x1, s3  }
0x7: {  	s6 =	sshll.u32 s2, $0x8;
	s7 =	sadd.s32 $0x400, s0;
	s12 =	sadd.s32 $0xC00, s0  }
0x8: {  	s14 =	sadd.s32 $0x100, s30;
	s15 =	sadd.s32 $0x200, s30;
	_ =	strace $0x80000047  }
0x9: {  	s5 =	ssub.s32 $0x2, s3;
	s3 =	sshll.u32 s3, $0x7;
	[dreg:$0x5] =	wrdreg s12  }
0xa: {  	s8 =	sshrl.u32 s5, $0x1;
	s2 =	sor.u32 s3, s6;
	s6 =	simm.s32 $0xA200  }
0xb: {  	s13 =	ssub.s32 s5, s8;
	s16 =	sor.u32 $0x1000, s2;
	[dreg:$0x4] =	wrdreg s2  }
0xc: {  	s3 =	sshrl.u32 s2, $0x3;
	s17 =	sor.u32 $0x2000, s2;
	[dreg:$0x7] =	wrdreg s16  }
0xd: {  	s18 =	sor.u32 $0x3000, s2;
	s21 =	sshll.u32 s2, $0x7;
	[dreg:$0x8] =	wrdreg s17  }
0xe: {  	s3 =	sadd.s32 s7, s3;
	s5 =	sshrl.u32 s17, $0x3;
	[dreg:$0x9] =	wrdreg s18  }
0xf: {  	s20 =	sshrl.u32 s18, $0x3;
	s2 =	sadd.s32 s12, s21;
	[dreg:$0x6] =	wrdreg s3  }
0x10: {  	s17 =	sadd.s32 $0x300, s30;
	s0 =	smax.u32 s13, $0x1;
	[dreg:$0xd] =	wrdreg s2  }
0x11: {  	s3 =	sshrl.u32 s16, $0x3;
	s19 =	sadd.s32 s7, s5;
	[dreg:$0x13] =	wrdreg s0  }
0x12: {  	s13 =	simm.s32 $0x2;
	s3 =	sadd.s32 s7, s3;
	[dreg:$0xb] =	wrdreg s19  }
0x13: {  	s12 =	simm.s32 $0x4;
	[dreg:$0xa] =	wrdreg s3;
	s3 =	sadd.s32 s7, s20  }
0x14: {  	s22 =	sadd.s32 $0x400, s2;
	[dreg:$0xc] =	wrdreg s3;
	s3 =	sadd.s32 s21, s1  }
0x15: {  	s5 =	simm.s32 $0x8200;
	[dreg:$0xe] =	wrdreg s22;
	s23 =	sadd.s32 $0x83C00, s3  }
0x16: {  	s7 =	simm.s32 $0xC200;
	s24 =	sadd.s32 $0x3C00, s3;
	[dreg:$0xf] =	wrdreg s23  }
0x17: {  	v0 =	vlaneseq.u32;
	s1 =	simm.s32 $0x0;
	s25 =	sadd.s32 $0x103C00, s3;
	[dreg:$0x10] =	wrdreg s24  }
0x18: {  	v1 =	vshrl.u32 v0, $0x3;
	s26 =	sadd.s32 $0x183C00, s3;
	s3 =	simm.s32 $0x6200;
	[dreg:$0x11] =	wrdreg s25  }
0x19: {  	vm0 =	vmmov $0xffff;
	v0 =	vand.u32 $0x7, v0;
	v1 =	vmul.u32 $0x8, v1;
	[dreg:$0x12] =	wrdreg s26;
	s25 =	simm.s32 $0x16200;
	s26 =	simm.s32 $0x18200  }
.LBB2_1:
0x1a: {  	[dreg:$0x14] =	wrdreg s1  }
0x1b: {  	s0 =	rddreg [dreg:$0x6];
	s19 =	simm.s32 $0x7  }
0x1c: {  	[tilespmem:s4], [sflag:$0x7] =	stream.linear.gather [hbm4b:s0+s4], $0x80, $0x38;
	[tilespmem:$0x1E200] =	vst v63  }
0x1d: {  	_ =	swait.ge [sflag:s19], $0x80  }
0x1e: {  	[sflag:s19] =	ssyncset.done $0x0  }
0x1f: {  	s2 =	simm.s32 $0x80;
	s20 =	rddreg [dreg:$0xa];
	[sflag:s19] =	ssyncadd.s32 $0xFFFFFF80  }
0x20: {  	[tilespmem:s2], [sflag:$0x7] =	stream.linear.gather [hbm4b:s20+s4], $0x80, $0x38;
	[tilespmem:$0x1E200] =	vst v63  }
0x21: {  	_ =	swait.ge [sflag:s19], $0x80  }
0x22: {  	[sflag:s19] =	ssyncset.done $0x0  }
0x23: {  	s22 =	simm.s32 $0x100;
	s21 =	rddreg [dreg:$0xb];
	[sflag:s19] =	ssyncadd.s32 $0xFFFFFF80  }
0x24: {  	[tilespmem:s22], [sflag:$0x7] =	stream.linear.gather [hbm4b:s21+s4], $0x80, $0x38;
	[tilespmem:$0x1E200] =	vst v63  }
0x25: {  	_ =	swait.ge [sflag:s19], $0x80  }
0x26: {  	[sflag:s19] =	ssyncset.done $0x0  }
0x27: {  	s24 =	simm.s32 $0x180;
	s23 =	rddreg [dreg:$0xc];
	[sflag:s19] =	ssyncadd.s32 $0xFFFFFF80  }
0x28: {  	[tilespmem:s24], [sflag:$0x7] =	stream.linear.gather [hbm4b:s23+s4], $0x80, $0x38;
	[tilespmem:$0x1E200] =	vst v63  }
0x29: {  	_ =	swait.ge [sflag:s19], $0x80  }
0x2a: {  	[sflag:s19] =	ssyncset.done $0x0  }
0x2b: {  	[sflag:s19] =	ssyncadd.s32 $0xFFFFFF80  }
0x2c: {  	v2 =	vld.msk [tilespmem:$0x0], $0xff;
	_ =	sdelay $0x4  }
0x2d: {  	v3 =	vshll.u32 v2, $0x3  }
0x2e: {  	v2 =	vand.u32 $0x7, v2;
	v3 =	vand.u32 $0xFFFFFFC0, v3  }
0x2f: {  	v2 =	vor.u32 v2, v3  }
0x30: {  	v2 =	vperm.xlane v2, v0;
	_ =	sdelay $0x1  }
0x31: {  	v2 =	vadd.s32 v1, v2;
	_ =	sdelay $0x4  }
0x32: {  	[tilespmem:s3], [sflag:$0x1] =	stream.indirect_vreg.gather [hbm4b:s30+s4], $0x80, v2, vm0, $0xb8;
	[tilespmem:$0x1E200] =	vst v63  }
0x33: {  	s1 =	simm.s32 $0x6A00  }
0x34: {  	[tilespmem:s1], [sflag:$0x1] =	stream.indirect_vreg.gather [hbm4b:s14+s4], $0x80, v2, vm0, $0xb8;
	[tilespmem:$0x1E200] =	vst v63  }
0x35: {  	s2 =	simm.s32 $0x7200  }
0x36: {  	[tilespmem:s2], [sflag:$0x1] =	stream.indirect_vreg.gather [hbm4b:s15+s4], $0x80, v2, vm0, $0xb8;
	[tilespmem:$0x1E200] =	vst v63  }
0x37: {  	s3 =	simm.s32 $0x7A00  }
0x38: {  	[tilespmem:s3], [sflag:$0x1] =	stream.indirect_vreg.gather [hbm4b:s17+s4], $0x80, v2, vm0, $0xb8;
	[tilespmem:$0x1E200] =	vst v63  }
0x39: {  	v2 =	vld.msk [tilespmem:$0x80], $0xff;
	_ =	sdelay $0x4  }
0x3a: {  	v3 =	vshll.u32 v2, $0x3  }
0x3b: {  	v2 =	vand.u32 $0x7, v2;
	v3 =	vand.u32 $0xFFFFFFC0, v3  }
0x3c: {  	v2 =	vor.u32 v2, v3  }
0x3d: {  	v2 =	vperm.xlane v2, v0;
	_ =	sdelay $0x1  }
0x3e: {  	v2 =	vadd.s32 v1, v2;
	_ =	sdelay $0x4  }
0x3f: {  	[tilespmem:s5], [sflag:$0x1] =	stream.indirect_vreg.gather [hbm4b:s30+s4], $0x80, v2, vm0, $0xb8;
	[tilespmem:$0x1E200] =	vst v63  }
0x40: {  	s5 =	simm.s32 $0x8A00  }
0x41: {  	[tilespmem:s5], [sflag:$0x1] =	stream.indirect_vreg.gather [hbm4b:s14+s4], $0x80, v2, vm0, $0xb8;
	[tilespmem:$0x1E200] =	vst v63  }
0x42: {  	s8 =	simm.s32 $0x9200  }
0x43: {  	[tilespmem:s8], [sflag:$0x1] =	stream.indirect_vreg.gather [hbm4b:s15+s4], $0x80, v2, vm0, $0xb8;
	[tilespmem:$0x1E200] =	vst v63  }
0x44: {  	s9 =	simm.s32 $0x9A00  }
0x45: {  	[tilespmem:s9], [sflag:$0x1] =	stream.indirect_vreg.gather [hbm4b:s17+s4], $0x80, v2, vm0, $0xb8;
	[tilespmem:$0x1E200] =	vst v63  }
0x46: {  	v2 =	vld.msk [tilespmem:$0x100], $0xff;
	_ =	sdelay $0x4  }
0x47: {  	v3 =	vshll.u32 v2, $0x3  }
0x48: {  	v2 =	vand.u32 $0x7, v2;
	v3 =	vand.u32 $0xFFFFFFC0, v3  }
0x49: {  	v2 =	vor.u32 v2, v3  }
0x4a: {  	v2 =	vperm.xlane v2, v0;
	_ =	sdelay $0x1  }
0x4b: {  	v2 =	vadd.s32 v1, v2;
	_ =	sdelay $0x4  }
0x4c: {  	[tilespmem:s6], [sflag:$0x1] =	stream.indirect_vreg.gather [hbm4b:s30+s4], $0x80, v2, vm0, $0xb8;
	[tilespmem:$0x1E200] =	vst v63  }
0x4d: {  	s10 =	simm.s32 $0xAA00  }
0x4e: {  	[tilespmem:s10], [sflag:$0x1] =	stream.indirect_vreg.gather [hbm4b:s14+s4], $0x80, v2, vm0, $0xb8;
	[tilespmem:$0x1E200] =	vst v63  }
0x4f: {  	s16 =	simm.s32 $0xB200  }
0x50: {  	[tilespmem:s16], [sflag:$0x1] =	stream.indirect_vreg.gather [hbm4b:s15+s4], $0x80, v2, vm0, $0xb8;
	[tilespmem:$0x1E200] =	vst v63  }
0x51: {  	s18 =	simm.s32 $0xBA00  }
0x52: {  	[tilespmem:s18], [sflag:$0x1] =	stream.indirect_vreg.gather [hbm4b:s17+s4], $0x80, v2, vm0, $0xb8;
	[tilespmem:$0x1E200] =	vst v63  }
0x53: {  	v2 =	vld.msk [tilespmem:$0x180], $0xff;
	_ =	sdelay $0x4  }
0x54: {  	v3 =	vshll.u32 v2, $0x3  }
0x55: {  	v2 =	vand.u32 $0x7, v2;
	v3 =	vand.u32 $0xFFFFFFC0, v3  }
0x56: {  	v2 =	vor.u32 v2, v3  }
0x57: {  	v2 =	vperm.xlane v2, v0;
	_ =	sdelay $0x1  }
0x58: {  	v2 =	vadd.s32 v1, v2;
	_ =	sdelay $0x4  }
0x59: {  	[tilespmem:s7], [sflag:$0x1] =	stream.indirect_vreg.gather [hbm4b:s30+s4], $0x80, v2, vm0, $0xb8;
	[tilespmem:$0x1E200] =	vst v63  }
0x5a: {  	s19 =	simm.s32 $0xCA00  }
0x5b: {  	[tilespmem:s19], [sflag:$0x1] =	stream.indirect_vreg.gather [hbm4b:s14+s4], $0x80, v2, vm0, $0xb8;
	[tilespmem:$0x1E200] =	vst v63  }
0x5c: {  	s20 =	simm.s32 $0xD200  }
0x5d: {  	[tilespmem:s20], [sflag:$0x1] =	stream.indirect_vreg.gather [hbm4b:s15+s4], $0x80, v2, vm0, $0xb8;
	[tilespmem:$0x1E200] =	vst v63  }
0x5e: {  	s21 =	simm.s32 $0xDA00  }
0x5f: {  	[tilespmem:s21], [sflag:$0x1] =	stream.indirect_vreg.gather [hbm4b:s17+s4], $0x80, v2, vm0, $0xb8;
	[tilespmem:$0x1E200] =	vst v63  }
0x60: {  	s23 =	simm.s32 $0x200;
	s22 =	rddreg [dreg:$0xd]  }
0x61: {  	[tilespmem:s23], [sflag:$0x1] =	stream.linear.gather [hbm4b:s22+s4], $0x2000, $0x38;
	[tilespmem:$0x1E200] =	vst v63  }
0x62: {  	v2 =	vld.msk [tilespmem:$0x8], $0xff;
	_ =	sdelay $0x4  }
0x63: {  	v3 =	vshll.u32 v2, $0x3  }
0x64: {  	v2 =	vand.u32 $0x7, v2;
	v3 =	vand.u32 $0xFFFFFFC0, v3  }
0x65: {  	v2 =	vor.u32 v2, v3  }
0x66: {  	v2 =	vperm.xlane v2, v0;
	_ =	sdelay $0x1  }
0x67: {  	v2 =	vadd.s32 v1, v2;
	_ =	sdelay $0x3  }
0x68: {  	s24 =	simm.s32 $0xE200  }
0x69: {  	[tilespmem:s24], [sflag:$0x2] =	stream.indirect_vreg.gather [hbm4b:s30+s4], $0x80, v2, vm0, $0xb8;
	[tilespmem:$0x1E200] =	vst v63  }
0x6a: {  	s1 =	simm.s32 $0xEA00  }
0x6b: {  	[tilespmem:s1], [sflag:$0x2] =	stream.indirect_vreg.gather [hbm4b:s14+s4], $0x80, v2, vm0, $0xb8;
	[tilespmem:$0x1E200] =	vst v63  }
0x6c: {  	s2 =	simm.s32 $0xF200  }
0x6d: {  	[tilespmem:s2], [sflag:$0x2] =	stream.indirect_vreg.gather [hbm4b:s15+s4], $0x80, v2, vm0, $0xb8;
	[tilespmem:$0x1E200] =	vst v63  }
0x6e: {  	s3 =	simm.s32 $0xFA00  }
0x6f: {  	[tilespmem:s3], [sflag:$0x2] =	stream.indirect_vreg.gather [hbm4b:s17+s4], $0x80, v2, vm0, $0xb8;
	[tilespmem:$0x1E200] =	vst v63  }
0x70: {  	v2 =	vld.msk [tilespmem:$0x88], $0xff;
	_ =	sdelay $0x4  }
0x71: {  	v3 =	vshll.u32 v2, $0x3  }
0x72: {  	v2 =	vand.u32 $0x7, v2;
	v3 =	vand.u32 $0xFFFFFFC0, v3  }
0x73: {  	v2 =	vor.u32 v2, v3  }
0x74: {  	v2 =	vperm.xlane v2, v0;
	_ =	sdelay $0x1  }
0x75: {  	v2 =	vadd.s32 v1, v2;
	_ =	sdelay $0x3  }
0x76: {  	s5 =	simm.s32 $0x10200  }
0x77: {  	[tilespmem:s5], [sflag:$0x2] =	stream.indirect_vreg.gather [hbm4b:s30+s4], $0x80, v2, vm0, $0xb8;
	[tilespmem:$0x1E200] =	vst v63  }
0x78: {  	s6 =	simm.s32 $0x10A00  }
0x79: {  	[tilespmem:s6], [sflag:$0x2] =	stream.indirect_vreg.gather [hbm4b:s14+s4], $0x80, v2, vm0, $0xb8;
	[tilespmem:$0x1E200] =	vst v63  }
0x7a: {  	s7 =	simm.s32 $0x11200  }
0x7b: {  	[tilespmem:s7], [sflag:$0x2] =	stream.indirect_vreg.gather [hbm4b:s15+s4], $0x80, v2, vm0, $0xb8;
	[tilespmem:$0x1E200] =	vst v63  }
0x7c: {  	s8 =	simm.s32 $0x11A00  }
0x7d: {  	[tilespmem:s8], [sflag:$0x2] =	stream.indirect_vreg.gather [hbm4b:s17+s4], $0x80, v2, vm0, $0xb8;
	[tilespmem:$0x1E200] =	vst v63  }
0x7e: {  	v2 =	vld.msk [tilespmem:$0x108], $0xff;
	_ =	sdelay $0x4  }
0x7f: {  	v3 =	vshll.u32 v2, $0x3  }
0x80: {  	v2 =	vand.u32 $0x7, v2;
	v3 =	vand.u32 $0xFFFFFFC0, v3  }
0x81: {  	v2 =	vor.u32 v2, v3  }
0x82: {  	v2 =	vperm.xlane v2, v0;
	_ =	sdelay $0x1  }
0x83: {  	v2 =	vadd.s32 v1, v2;
	_ =	sdelay $0x3  }
0x84: {  	s9 =	simm.s32 $0x12200  }
0x85: {  	[tilespmem:s9], [sflag:$0x2] =	stream.indirect_vreg.gather [hbm4b:s30+s4], $0x80, v2, vm0, $0xb8;
	[tilespmem:$0x1E200] =	vst v63  }
0x86: {  	s10 =	simm.s32 $0x12A00  }
0x87: {  	[tilespmem:s10], [sflag:$0x2] =	stream.indirect_vreg.gather [hbm4b:s14+s4], $0x80, v2, vm0, $0xb8;
	[tilespmem:$0x1E200] =	vst v63  }
0x88: {  	s16 =	simm.s32 $0x13200  }
0x89: {  	[tilespmem:s16], [sflag:$0x2] =	stream.indirect_vreg.gather [hbm4b:s15+s4], $0x80, v2, vm0, $0xb8;
	[tilespmem:$0x1E200] =	vst v63  }
0x8a: {  	s18 =	simm.s32 $0x13A00  }
0x8b: {  	[tilespmem:s18], [sflag:$0x2] =	stream.indirect_vreg.gather [hbm4b:s17+s4], $0x80, v2, vm0, $0xb8;
	[tilespmem:$0x1E200] =	vst v63  }
0x8c: {  	v2 =	vld.msk [tilespmem:$0x188], $0xff;
	_ =	sdelay $0x4  }
0x8d: {  	v3 =	vshll.u32 v2, $0x3  }
0x8e: {  	v2 =	vand.u32 $0x7, v2;
	v3 =	vand.u32 $0xFFFFFFC0, v3  }
0x8f: {  	v2 =	vor.u32 v2, v3  }
0x90: {  	v2 =	vperm.xlane v2, v0;
	_ =	sdelay $0x1  }
0x91: {  	v2 =	vadd.s32 v1, v2;
	_ =	sdelay $0x3  }
0x92: {  	s19 =	simm.s32 $0x14200  }
0x93: {  	[tilespmem:s19], [sflag:$0x2] =	stream.indirect_vreg.gather [hbm4b:s30+s4], $0x80, v2, vm0, $0xb8;
	[tilespmem:$0x1E200] =	vst v63  }
0x94: {  	s20 =	simm.s32 $0x14A00  }
0x95: {  	[tilespmem:s20], [sflag:$0x2] =	stream.indirect_vreg.gather [hbm4b:s14+s4], $0x80, v2, vm0, $0xb8;
	[tilespmem:$0x1E200] =	vst v63  }
0x96: {  	s21 =	simm.s32 $0x15200  }
0x97: {  	[tilespmem:s21], [sflag:$0x2] =	stream.indirect_vreg.gather [hbm4b:s15+s4], $0x80, v2, vm0, $0xb8;
	[tilespmem:$0x1E200] =	vst v63  }
0x98: {  	s22 =	simm.s32 $0x15A00  }
0x99: {  	[tilespmem:s22], [sflag:$0x2] =	stream.indirect_vreg.gather [hbm4b:s17+s4], $0x80, v2, vm0, $0xb8;
	[tilespmem:$0x1E200] =	vst v63  }
0x9a: {  	s23 =	rddreg [dreg:$0xe];
	s24 =	simm.s32 $0x2200;
	s20 =	simm.s32 $0x0  }
0x9b: {  	[tilespmem:s24], [sflag:$0x2] =	stream.linear.gather [hbm4b:s23+s4], $0x2000, $0x38;
	[tilespmem:$0x1E200] =	vst v63  }
.LBB2_2:
0x9c: {  	_ =	swait.ge [sflag:s31], $0x2000  }
0x9d: {  	[sflag:s31] =	ssyncset.done $0x0  }
0x9e: {  	[sflag:s31] =	ssyncadd.s32 $0xFFFFE000  }
0x9f: {  	_ =	swait.ge [sflag:s31], $0x2000  }
0xa0: {  	[sflag:s31] =	ssyncset.done $0x0  }
0xa1: {  	[sflag:s31] =	ssyncadd.s32 $0xFFFFE000  }
0xa2: {  	_ =	swait.ge [sflag:s31], $0x2000  }
0xa3: {  	[sflag:s31] =	ssyncset.done $0x0  }
0xa4: {  	[sflag:s31] =	ssyncadd.s32 $0xFFFFE000  }
0xa5: {  	_ =	swait.ge [sflag:s31], $0x2000  }
0xa6: {  	[sflag:s31] =	ssyncset.done $0x0  }
0xa7: {  	[sflag:s31] =	ssyncadd.s32 $0xFFFFE000  }
0xa8: {  	_ =	swait.ge [sflag:s31], $0x2000  }
0xa9: {  	p0 =	seq.s32 s20, $0x0;
	[sflag:s31] =	ssyncset.done $0x0  }
0xaa: {  	s0 =	simm.s32 @!p0 $0x6;
	[sflag:s31] =	ssyncadd.s32 $0xFFFFE000  }
0xab: {  	_ =	swait.ge @!p0 [sflag:s0], $0x2000  }
0xac: {  	[sflag:s0] =	ssyncset.done @!p0 $0x0  }
0xad: {  	[sflag:s0] =	ssyncadd.s32 @!p0 $0xFFFFE000  }
0xae: {  	_ =	swait.ge @!p0 [sflag:s0], $0x2000  }
0xaf: {  	[sflag:s0] =	ssyncset.done @!p0 $0x0  }
0xb0: {  	[sflag:s0] =	ssyncadd.s32 @!p0 $0xFFFFE000  }
0xb1: {  	_ =	swait.ge @!p0 [sflag:s0], $0x2000  }
0xb2: {  	[sflag:s0] =	ssyncset.done @!p0 $0x0  }
0xb3: {  	[sflag:s0] =	ssyncadd.s32 @!p0 $0xFFFFE000  }
0xb4: {  	_ =	swait.ge @!p0 [sflag:s0], $0x2000  }
0xb5: {  	s23 =	smul.u32 $0x18, s20;
	[sflag:s0] =	ssyncset.done @!p0 $0x0  }
0xb6: {  	[sflag:s0] =	ssyncadd.s32 @!p0 $0xFFFFE000  }
0xb7: {  	v2 =	vld.msk [tilespmem:s23+$0x10], $0xff;
	_ =	sdelay $0x4  }
0xb8: {  	v3 =	vshll.u32 v2, $0x3  }
0xb9: {  	v2 =	vand.u32 $0x7, v2;
	v3 =	vand.u32 $0xFFFFFFC0, v3  }
0xba: {  	v2 =	vor.u32 v2, v3  }
0xbb: {  	v2 =	vperm.xlane v2, v0;
	_ =	sdelay $0x1  }
0xbc: {  	v2 =	vadd.s32 v1, v2;
	_ =	sdelay $0x3  }
0xbd: {  	s24 =	simm.s32 $0x0  }
0xbe: {  	[tilespmem:s25], [sflag:$0x3] =	stream.indirect_vreg.gather [hbm4b:s30+s24], $0x80, v2, vm0, $0xb8;
	[tilespmem:$0x1E200] =	vst v63  }
0xbf: {  	s5 =	simm.s32 $0x16A00  }
0xc0: {  	[tilespmem:s5], [sflag:$0x3] =	stream.indirect_vreg.gather [hbm4b:s14+s24], $0x80, v2, vm0, $0xb8;
	[tilespmem:$0x1E200] =	vst v63  }
0xc1: {  	s6 =	simm.s32 $0x17200  }
0xc2: {  	[tilespmem:s6], [sflag:$0x3] =	stream.indirect_vreg.gather [hbm4b:s15+s24], $0x80, v2, vm0, $0xb8;
	[tilespmem:$0x1E200] =	vst v63  }
0xc3: {  	s7 =	simm.s32 $0x17A00  }
0xc4: {  	[tilespmem:s7], [sflag:$0x3] =	stream.indirect_vreg.gather [hbm4b:s17+s24], $0x80, v2, vm0, $0xb8;
	[tilespmem:$0x1E200] =	vst v63  }
0xc5: {  	v2 =	vld.msk [tilespmem:s23+$0x90], $0xff;
	_ =	sdelay $0x4  }
0xc6: {  	v3 =	vshll.u32 v2, $0x3  }
0xc7: {  	v2 =	vand.u32 $0x7, v2;
	v3 =	vand.u32 $0xFFFFFFC0, v3  }
0xc8: {  	v2 =	vor.u32 v2, v3  }
0xc9: {  	v2 =	vperm.xlane v2, v0;
	_ =	sdelay $0x1  }
0xca: {  	v2 =	vadd.s32 v1, v2;
	_ =	sdelay $0x4  }
0xcb: {  	[tilespmem:s26], [sflag:$0x3] =	stream.indirect_vreg.gather [hbm4b:s30+s24], $0x80, v2, vm0, $0xb8;
	[tilespmem:$0x1E200] =	vst v63  }
0xcc: {  	s8 =	simm.s32 $0x18A00  }
0xcd: {  	[tilespmem:s8], [sflag:$0x3] =	stream.indirect_vreg.gather [hbm4b:s14+s24], $0x80, v2, vm0, $0xb8;
	[tilespmem:$0x1E200] =	vst v63  }
0xce: {  	s9 =	simm.s32 $0x19200  }
0xcf: {  	[tilespmem:s9], [sflag:$0x3] =	stream.indirect_vreg.gather [hbm4b:s15+s24], $0x80, v2, vm0, $0xb8;
	[tilespmem:$0x1E200] =	vst v63  }
0xd0: {  	s10 =	simm.s32 $0x19A00  }
0xd1: {  	[tilespmem:s10], [sflag:$0x3] =	stream.indirect_vreg.gather [hbm4b:s17+s24], $0x80, v2, vm0, $0xb8;
	[tilespmem:$0x1E200] =	vst v63  }
0xd2: {  	v2 =	vld.msk [tilespmem:s23+$0x110], $0xff;
	_ =	sdelay $0x4  }
0xd3: {  	v3 =	vshll.u32 v2, $0x3  }
0xd4: {  	v2 =	vand.u32 $0x7, v2;
	v3 =	vand.u32 $0xFFFFFFC0, v3  }
0xd5: {  	v2 =	vor.u32 v2, v3  }
0xd6: {  	v2 =	vperm.xlane v2, v0;
	_ =	sdelay $0x1  }
0xd7: {  	v2 =	vadd.s32 v1, v2;
	_ =	sdelay $0x4  }
0xd8: {  	[tilespmem:s28], [sflag:$0x3] =	stream.indirect_vreg.gather [hbm4b:s30+s24], $0x80, v2, vm0, $0xb8;
	[tilespmem:$0x1E200] =	vst v63  }
0xd9: {  	s16 =	simm.s32 $0x1AA00  }
0xda: {  	[tilespmem:s16], [sflag:$0x3] =	stream.indirect_vreg.gather [hbm4b:s14+s24], $0x80, v2, vm0, $0xb8;
	[tilespmem:$0x1E200] =	vst v63  }
0xdb: {  	s18 =	simm.s32 $0x1B200  }
0xdc: {  	[tilespmem:s18], [sflag:$0x3] =	stream.indirect_vreg.gather [hbm4b:s15+s24], $0x80, v2, vm0, $0xb8;
	[tilespmem:$0x1E200] =	vst v63  }
0xdd: {  	s19 =	simm.s32 $0x1BA00  }
0xde: {  	[tilespmem:s19], [sflag:$0x3] =	stream.indirect_vreg.gather [hbm4b:s17+s24], $0x80, v2, vm0, $0xb8;
	[tilespmem:$0x1E200] =	vst v63  }
0xdf: {  	v2 =	vld.msk [tilespmem:s23+$0x190], $0xff;
	_ =	sdelay $0x4  }
0xe0: {  	v3 =	vshll.u32 v2, $0x3  }
0xe1: {  	v2 =	vand.u32 $0x7, v2;
	v3 =	vand.u32 $0xFFFFFFC0, v3  }
0xe2: {  	v2 =	vor.u32 v2, v3  }
0xe3: {  	v2 =	vperm.xlane v2, v0;
	_ =	sdelay $0x1  }
0xe4: {  	v2 =	vadd.s32 v1, v2;
	_ =	sdelay $0x4  }
0xe5: {  	[tilespmem:s29], [sflag:$0x3] =	stream.indirect_vreg.gather [hbm4b:s30+s24], $0x80, v2, vm0, $0xb8;
	[tilespmem:$0x1E200] =	vst v63  }
0xe6: {  	s2 =	smov.u32 s30;
	s21 =	simm.s32 $0x1CA00  }
0xe7: {  	[tilespmem:s21], [sflag:$0x3] =	stream.indirect_vreg.gather [hbm4b:s14+s24], $0x80, v2, vm0, $0xb8;
	[tilespmem:$0x1E200] =	vst v63  }
0xe8: {  	s22 =	simm.s32 $0x1D200;
	s1 =	rddreg [dreg:$0x4];
	s21 =	sadd.s32 $0x10, s23  }
0xe9: {  	s25 =	simm.s32 $0x1DA00;
	s28 =	rddreg [dreg:$0x5];
	s26 =	sadd.s32 s1, s21  }
0xea: {  	[tilespmem:s22], [sflag:$0x3] =	stream.indirect_vreg.gather [hbm4b:s15+s24], $0x80, v2, vm0, $0xb8;
	[tilespmem:$0x1E200] =	vst v63  }
0xeb: {  	s16 =	sadd.s32 s1, s23;
	s29 =	simm.s32 $0x4200;
	s3 =	sshll.u32 s26, $0x7  }
0xec: {  	[tilespmem:s25], [sflag:$0x3] =	stream.indirect_vreg.gather [hbm4b:s17+s24], $0x80, v2, vm0, $0xb8;
	[tilespmem:$0x1E200] =	vst v63  }
0xed: {  	s30 =	simm.s32 $0x0;
	[dreg:$0x15] =	wrdreg s3;
	s0 =	sadd.s32 s28, s3  }
0xee: {  	[tilespmem:s29], [sflag:$0x3] =	stream.linear.gather [hbm4b:s0+s24], $0x2000, $0x38;
	[tilespmem:$0x1E200] =	vst v63  }
.LBB2_3:
0xef: {  	s0 =	sshll.u32 s30, $0x7;
	s3 =	sand.u32 $0x1C00, s24  }
0xf0: {  	s5 =	sand.u32 $0x40, s24;
	s6 =	sor.u32 s0, s3  }
0xf1: {  	s7 =	sor.u32 s5, s6  }
0xf2: {  	v2 =	vld [tilespmem:s7+$0x200];
	_ =	sdelay $0x2  }
0xf3: {  	s29 =	sadd.s32 $0x8200, s0  }
0xf4: {  	s26 =	sadd.s32 $0xA200, s0;
	s9 =	sadd.s32 s3, s29  }
0xf5: {  	s25 =	sadd.s32 $0xC200, s0;
	s10 =	sadd.s32 s3, s26;
	s1 =	sadd.s32 s5, s9;
	[tilespmem:s7+$0x6200] =	vst.add.f32.msk $0xffff, v2  }
0xf6: {  	s3 =	sadd.s32 s3, s25;
	s8 =	sadd.s32 s5, s10;
	[tilespmem:s1+$0x0] =	vst.add.f32.msk $0xffff, v2  }
0xf7: {  	s18 =	sadd.s32 s5, s3;
	[tilespmem:s8+$0x0] =	vst.add.f32.msk $0xffff, v2;
	s8 =	sor.u32 $0x10, s5  }
0xf8: {  	[tilespmem:s18+$0x0] =	vst.add.f32.msk $0xffff, v2;
	s19 =	sor.u32 s8, s6  }
0xf9: {  	v2 =	vld [tilespmem:s19+$0x200];
	_ =	sdelay $0x4  }
0xfa: {  	s22 =	sadd.s32 s8, s9;
	[tilespmem:s19+$0x6200] =	vst.add.f32.msk $0xffff, v2  }
0xfb: {  	s1 =	sadd.s32 s8, s10;
	[tilespmem:s22+$0x0] =	vst.add.f32.msk $0xffff, v2  }
0xfc: {  	s8 =	sadd.s32 s8, s3;
	s18 =	sor.u32 $0x20, s5;
	[tilespmem:s1+$0x0] =	vst.add.f32.msk $0xffff, v2  }
0xfd: {  	s19 =	sor.u32 s18, s6;
	[tilespmem:s8+$0x0] =	vst.add.f32.msk $0xffff, v2  }
0xfe: {  	v2 =	vld [tilespmem:s19+$0x200];
	_ =	sdelay $0x4  }
0xff: {  	s22 =	sadd.s32 s18, s9;
	[tilespmem:s19+$0x6200] =	vst.add.f32.msk $0xffff, v2  }
0x100: {  	s1 =	sadd.s32 s18, s10;
	[tilespmem:s22+$0x0] =	vst.add.f32.msk $0xffff, v2  }
0x101: {  	s5 =	sor.u32 $0x30, s5;
	s18 =	sadd.s32 s18, s3;
	[tilespmem:s1+$0x0] =	vst.add.f32.msk $0xffff, v2  }
0x102: {  	s19 =	sor.u32 s5, s6;
	[tilespmem:s18+$0x0] =	vst.add.f32.msk $0xffff, v2  }
0x103: {  	v2 =	vld [tilespmem:s19+$0x200];
	_ =	sdelay $0x3  }
0x104: {  	s10 =	sadd.s32 s5, s10;
	s8 =	simm.s32 $0x40  }
0x105: {  	s28 =	sand.u32 $0x40, s8;
	s22 =	sadd.s32 s5, s9;
	s9 =	simm.s32 $0x200;
	[tilespmem:s19+$0x6200] =	vst.add.f32.msk $0xffff, v2  }
0x106: {  	s6 =	simm.s32 $0x4;
	s5 =	sadd.s32 s5, s3;
	s19 =	sand.u32 $0x1C00, s9;
	[tilespmem:s22+$0x0] =	vst.add.f32.msk $0xffff, v2  }
0x107: {  	s18 =	sor.u32 s0, s19;
	s7 =	sadd.s32 s19, s29;
	s3 =	sadd.s32 s19, s26;
	[tilespmem:s10+$0x0] =	vst.add.f32.msk $0xffff, v2  }
.LBB2_4:
0x108: {  	s6 =	sadd.s32 $0x4, s6;
	s22 =	sor.u32 s28, s18;
	s10 =	sadd.s32 s19, s25;
	[tilespmem:s5+$0x0] =	vst.add.f32.msk $0xffff, v2  }
0x109: {  	p0 =	slt.u32 s6, $0x3C;
	v2 =	vld [tilespmem:s22+$0x200];
	_ =	sdelay $0x4  }
0x10a: {  	s5 =	sadd.s32 s28, s7;
	[tilespmem:s22+$0x6200] =	vst.add.f32.msk $0xffff, v2  }
0x10b: {  	[tilespmem:s5+$0x0] =	vst.add.f32.msk $0xffff, v2;
	s5 =	sadd.s32 s28, s3  }
0x10c: {  	s19 =	sor.u32 $0x10, s28;
	[tilespmem:s5+$0x0] =	vst.add.f32.msk $0xffff, v2;
	s5 =	sadd.s32 s28, s10  }
0x10d: {  	[tilespmem:s5+$0x0] =	vst.add.f32.msk $0xffff, v2;
	s5 =	sor.u32 s19, s18  }
0x10e: {  	v2 =	vld [tilespmem:s5+$0x200];
	_ =	sdelay $0x4  }
0x10f: {  	[tilespmem:s5+$0x6200] =	vst.add.f32.msk $0xffff, v2;
	s5 =	sadd.s32 s19, s7  }
0x110: {  	[tilespmem:s5+$0x0] =	vst.add.f32.msk $0xffff, v2;
	s5 =	sadd.s32 s19, s3  }
0x111: {  	[tilespmem:s5+$0x0] =	vst.add.f32.msk $0xffff, v2;
	s5 =	sadd.s32 s19, s10;
	s19 =	sor.u32 $0x20, s28  }
0x112: {  	[tilespmem:s5+$0x0] =	vst.add.f32.msk $0xffff, v2;
	s5 =	sor.u32 s19, s18  }
0x113: {  	v2 =	vld [tilespmem:s5+$0x200];
	_ =	sdelay $0x4  }
0x114: {  	[tilespmem:s5+$0x6200] =	vst.add.f32.msk $0xffff, v2;
	s5 =	sadd.s32 s19, s7  }
0x115: {  	[tilespmem:s5+$0x0] =	vst.add.f32.msk $0xffff, v2;
	s5 =	sadd.s32 s19, s3  }
0x116: {  	s22 =	sor.u32 $0x30, s28;
	[tilespmem:s5+$0x0] =	vst.add.f32.msk $0xffff, v2;
	s5 =	sadd.s32 s19, s10  }
0x117: {  	[tilespmem:s5+$0x0] =	vst.add.f32.msk $0xffff, v2;
	s5 =	sor.u32 s22, s18  }
0x118: {  	v2 =	vld [tilespmem:s5+$0x200];
	_ =	sdelay $0x2  }
.Ltmp0:
0x119: {  	(pc) =	sbr.rel @p0 .LBB2_4-.Ltmp0, $4  }
0x11a: {  	s8 =	sadd.s32 $0x40, s8  }
0x11b: {  	s9 =	sadd.s32 $0x200, s9;
	s28 =	sand.u32 $0x40, s8;
	[tilespmem:s5+$0x6200] =	vst.add.f32.msk $0xffff, v2;
	s5 =	sadd.s32 s22, s7  }
0x11c: {  	s1 =	sadd.s32 s22, s3;
	s19 =	sand.u32 $0x1C00, s9;
	[tilespmem:s5+$0x0] =	vst.add.f32.msk $0xffff, v2;
	s5 =	sadd.s32 s22, s10  }
0x11d: {  	s18 =	sor.u32 s0, s19;
	s3 =	sadd.s32 s19, s26;
	s7 =	sadd.s32 s19, s29;
	[tilespmem:s1+$0x0] =	vst.add.f32.msk $0xffff, v2  }
0x11e: {  	s0 =	sor.u32 s28, s18;
	[tilespmem:s5+$0x0] =	vst.add.f32.msk $0xffff, v2  }
0x11f: {  	v2 =	vld [tilespmem:s0+$0x200];
	_ =	sdelay $0x4  }
0x120: {  	s9 =	sadd.s32 s28, s7;
	[tilespmem:s0+$0x6200] =	vst.add.f32.msk $0xffff, v2  }
0x121: {  	s1 =	sadd.s32 s19, s25;
	s10 =	sadd.s32 s28, s3;
	[tilespmem:s9+$0x0] =	vst.add.f32.msk $0xffff, v2  }
0x122: {  	s22 =	sor.u32 $0x10, s28;
	s19 =	sadd.s32 s28, s1;
	[tilespmem:s10+$0x0] =	vst.add.f32.msk $0xffff, v2  }
0x123: {  	s25 =	sor.u32 s22, s18;
	[tilespmem:s19+$0x0] =	vst.add.f32.msk $0xffff, v2  }
0x124: {  	v2 =	vld [tilespmem:s25+$0x200];
	_ =	sdelay $0x4  }
0x125: {  	s26 =	sadd.s32 s22, s7;
	[tilespmem:s25+$0x6200] =	vst.add.f32.msk $0xffff, v2  }
0x126: {  	s29 =	sadd.s32 s22, s3;
	[tilespmem:s26+$0x0] =	vst.add.f32.msk $0xffff, v2  }
0x127: {  	s8 =	sor.u32 $0x20, s28;
	s6 =	sadd.s32 s22, s1;
	[tilespmem:s29+$0x0] =	vst.add.f32.msk $0xffff, v2  }
0x128: {  	s9 =	sor.u32 s8, s18;
	[tilespmem:s6+$0x0] =	vst.add.f32.msk $0xffff, v2  }
0x129: {  	v2 =	vld [tilespmem:s9+$0x200];
	_ =	sdelay $0x4  }
0x12a: {  	s10 =	sadd.s32 s8, s7;
	[tilespmem:s9+$0x6200] =	vst.add.f32.msk $0xffff, v2  }
0x12b: {  	s19 =	sadd.s32 s8, s3;
	[tilespmem:s10+$0x0] =	vst.add.f32.msk $0xffff, v2  }
0x12c: {  	s22 =	sadd.s32 s8, s1;
	s25 =	sor.u32 $0x30, s28;
	[tilespmem:s19+$0x0] =	vst.add.f32.msk $0xffff, v2  }
0x12d: {  	s26 =	sor.u32 s25, s18;
	[tilespmem:s22+$0x0] =	vst.add.f32.msk $0xffff, v2  }
0x12e: {  	v2 =	vld [tilespmem:s26+$0x200];
	_ =	sdelay $0x1  }
0x12f: {  	s30 =	sadd.s32 $0x1, s30  }
0x130: {  	p0 =	sne.s32 s30, $0x8  }
.Ltmp1:
0x131: {  	_ = 	snop;
	(pc) =	sbr.rel @p0 .LBB2_3-.Ltmp1, $4  }
0x132: {  	s28 =	sadd.s32 s25, s7;
	[tilespmem:s26+$0x6200] =	vst.add.f32.msk $0xffff, v2  }
0x133: {  	s29 =	sadd.s32 s25, s3;
	[tilespmem:s28+$0x0] =	vst.add.f32.msk $0xffff, v2  }
0x134: {  	s1 =	sadd.s32 s25, s1;
	[tilespmem:s29+$0x0] =	vst.add.f32.msk $0xffff, v2  }
0x135: {  	[tilespmem:s1+$0x0] =	vst.add.f32.msk $0xffff, v2  }
0x136: {  	s0 =	sshll.u32 s16, $0x7;
	s22 =	rddreg [dreg:$0x2];
	s24 =	simm.s32 $0x0  }
0x137: {  	s1 =	simm.s32 $0x6200;
	s18 =	rddreg [dreg:$0x7];
	s0 =	sadd.s32 s22, s0  }
0x138: {  	[hbm4b:s0+s24] =	stream.linear.scatter [tilespmem:s1], [sflag:$0x4], $0x2000, $0x38;
	[tilespmem:$0x1E200] =	vst v63  }
0x139: {  	s0 =	sadd.s32 s18, s23  }
0x13a: {  	s0 =	sshll.u32 s0, $0x7  }
0x13b: {  	s3 =	simm.s32 $0x8200;
	s19 =	rddreg [dreg:$0x8];
	s0 =	sadd.s32 s22, s0  }
0x13c: {  	[hbm4b:s0+s24] =	stream.linear.scatter [tilespmem:s3], [sflag:$0x4], $0x2000, $0x38;
	[tilespmem:$0x1E200] =	vst v63  }
0x13d: {  	s0 =	sadd.s32 s19, s23  }
0x13e: {  	s0 =	sshll.u32 s0, $0x7  }
0x13f: {  	s5 =	simm.s32 $0xA200;
	s25 =	rddreg [dreg:$0x9];
	s0 =	sadd.s32 s22, s0  }
0x140: {  	[hbm4b:s0+s24] =	stream.linear.scatter [tilespmem:s5], [sflag:$0x4], $0x2000, $0x38;
	[tilespmem:$0x1E200] =	vst v63  }
0x141: {  	s0 =	sadd.s32 s25, s23  }
0x142: {  	s0 =	sshll.u32 s0, $0x7  }
0x143: {  	s6 =	simm.s32 $0xC200;
	s0 =	sadd.s32 s22, s0  }
0x144: {  	[hbm4b:s0+s24] =	stream.linear.scatter [tilespmem:s6], [sflag:$0x4], $0x2000, $0x38;
	[tilespmem:$0x1E200] =	vst v63  }
0x145: {  	_ =	swait.ge [sflag:s13], $0x2000  }
0x146: {  	[sflag:s13] =	ssyncset.done $0x0  }
0x147: {  	[sflag:s13] =	ssyncadd.s32 $0xFFFFE000  }
0x148: {  	_ =	swait.ge [sflag:s13], $0x2000  }
0x149: {  	[sflag:s13] =	ssyncset.done $0x0  }
0x14a: {  	[sflag:s13] =	ssyncadd.s32 $0xFFFFE000  }
0x14b: {  	_ =	swait.ge [sflag:s13], $0x2000  }
0x14c: {  	[sflag:s13] =	ssyncset.done $0x0  }
0x14d: {  	[sflag:s13] =	ssyncadd.s32 $0xFFFFE000  }
0x14e: {  	_ =	swait.ge [sflag:s13], $0x2000  }
0x14f: {  	[sflag:s13] =	ssyncset.done $0x0  }
0x150: {  	[sflag:s13] =	ssyncadd.s32 $0xFFFFE000  }
0x151: {  	_ =	swait.ge [sflag:s13], $0x2000  }
0x152: {  	[sflag:s13] =	ssyncset.done $0x0  }
0x153: {  	[sflag:s13] =	ssyncadd.s32 $0xFFFFE000  }
0x154: {  	_ =	swait.ge [sflag:s12], $0x2000  }
0x155: {  	[sflag:s12] =	ssyncset.done $0x0  }
0x156: {  	[sflag:s12] =	ssyncadd.s32 $0xFFFFE000  }
0x157: {  	_ =	swait.ge [sflag:s12], $0x2000  }
0x158: {  	[sflag:s12] =	ssyncset.done $0x0  }
0x159: {  	[sflag:s12] =	ssyncadd.s32 $0xFFFFE000  }
0x15a: {  	_ =	swait.ge [sflag:s12], $0x2000  }
0x15b: {  	[sflag:s12] =	ssyncset.done $0x0  }
0x15c: {  	[sflag:s12] =	ssyncadd.s32 $0xFFFFE000  }
0x15d: {  	_ =	swait.ge [sflag:s12], $0x2000  }
0x15e: {  	[sflag:s12] =	ssyncset.done $0x0  }
0x15f: {  	[sflag:s12] =	ssyncadd.s32 $0xFFFFE000  }
0x160: {  	v2 =	vld.msk [tilespmem:s23+$0x18], $0xff;
	_ =	sdelay $0x4  }
0x161: {  	v3 =	vshll.u32 v2, $0x3  }
0x162: {  	v2 =	vand.u32 $0x7, v2;
	v3 =	vand.u32 $0xFFFFFFC0, v3  }
0x163: {  	v2 =	vor.u32 v2, v3  }
0x164: {  	v2 =	vperm.xlane v2, v0;
	_ =	sdelay $0x1  }
0x165: {  	v2 =	vadd.s32 v1, v2;
	_ =	sdelay $0x4  }
0x166: {  	[tilespmem:s1], [sflag:$0x1] =	stream.indirect_vreg.gather [hbm4b:s2+s24], $0x80, v2, vm0, $0xb8;
	[tilespmem:$0x1E200] =	vst v63  }
0x167: {  	s26 =	simm.s32 $0x6A00  }
0x168: {  	[tilespmem:s26], [sflag:$0x1] =	stream.indirect_vreg.gather [hbm4b:s14+s24], $0x80, v2, vm0, $0xb8;
	[tilespmem:$0x1E200] =	vst v63  }
0x169: {  	s28 =	simm.s32 $0x7200  }
0x16a: {  	[tilespmem:s28], [sflag:$0x1] =	stream.indirect_vreg.gather [hbm4b:s15+s24], $0x80, v2, vm0, $0xb8;
	[tilespmem:$0x1E200] =	vst v63  }
0x16b: {  	s29 =	simm.s32 $0x7A00  }
0x16c: {  	[tilespmem:s29], [sflag:$0x1] =	stream.indirect_vreg.gather [hbm4b:s17+s24], $0x80, v2, vm0, $0xb8;
	[tilespmem:$0x1E200] =	vst v63  }
0x16d: {  	v2 =	vld.msk [tilespmem:s23+$0x98], $0xff;
	_ =	sdelay $0x4  }
0x16e: {  	v3 =	vshll.u32 v2, $0x3  }
0x16f: {  	v2 =	vand.u32 $0x7, v2;
	v3 =	vand.u32 $0xFFFFFFC0, v3  }
0x170: {  	v2 =	vor.u32 v2, v3  }
0x171: {  	v2 =	vperm.xlane v2, v0;
	_ =	sdelay $0x1  }
0x172: {  	v2 =	vadd.s32 v1, v2;
	_ =	sdelay $0x4  }
0x173: {  	[tilespmem:s3], [sflag:$0x1] =	stream.indirect_vreg.gather [hbm4b:s2+s24], $0x80, v2, vm0, $0xb8;
	[tilespmem:$0x1E200] =	vst v63  }
0x174: {  	s1 =	simm.s32 $0x8A00  }
0x175: {  	[tilespmem:s1], [sflag:$0x1] =	stream.indirect_vreg.gather [hbm4b:s14+s24], $0x80, v2, vm0, $0xb8;
	[tilespmem:$0x1E200] =	vst v63  }
0x176: {  	s3 =	simm.s32 $0x9200  }
0x177: {  	[tilespmem:s3], [sflag:$0x1] =	stream.indirect_vreg.gather [hbm4b:s15+s24], $0x80, v2, vm0, $0xb8;
	[tilespmem:$0x1E200] =	vst v63  }
0x178: {  	s7 =	simm.s32 $0x9A00  }
0x179: {  	[tilespmem:s7], [sflag:$0x1] =	stream.indirect_vreg.gather [hbm4b:s17+s24], $0x80, v2, vm0, $0xb8;
	[tilespmem:$0x1E200] =	vst v63  }
0x17a: {  	v2 =	vld.msk [tilespmem:s23+$0x118], $0xff;
	_ =	sdelay $0x4  }
0x17b: {  	v3 =	vshll.u32 v2, $0x3  }
0x17c: {  	v2 =	vand.u32 $0x7, v2;
	v3 =	vand.u32 $0xFFFFFFC0, v3  }
0x17d: {  	v2 =	vor.u32 v2, v3  }
0x17e: {  	v2 =	vperm.xlane v2, v0;
	_ =	sdelay $0x1  }
0x17f: {  	v2 =	vadd.s32 v1, v2;
	_ =	sdelay $0x4  }
0x180: {  	[tilespmem:s5], [sflag:$0x1] =	stream.indirect_vreg.gather [hbm4b:s2+s24], $0x80, v2, vm0, $0xb8;
	[tilespmem:$0x1E200] =	vst v63  }
0x181: {  	s8 =	simm.s32 $0xAA00  }
0x182: {  	[tilespmem:s8], [sflag:$0x1] =	stream.indirect_vreg.gather [hbm4b:s14+s24], $0x80, v2, vm0, $0xb8;
	[tilespmem:$0x1E200] =	vst v63  }
0x183: {  	s9 =	simm.s32 $0xB200  }
0x184: {  	[tilespmem:s9], [sflag:$0x1] =	stream.indirect_vreg.gather [hbm4b:s15+s24], $0x80, v2, vm0, $0xb8;
	[tilespmem:$0x1E200] =	vst v63  }
0x185: {  	s10 =	simm.s32 $0xBA00  }
0x186: {  	[tilespmem:s10], [sflag:$0x1] =	stream.indirect_vreg.gather [hbm4b:s17+s24], $0x80, v2, vm0, $0xb8;
	[tilespmem:$0x1E200] =	vst v63  }
0x187: {  	v2 =	vld.msk [tilespmem:s23+$0x198], $0xff;
	_ =	sdelay $0x4  }
0x188: {  	v3 =	vshll.u32 v2, $0x3  }
0x189: {  	v2 =	vand.u32 $0x7, v2;
	v3 =	vand.u32 $0xFFFFFFC0, v3  }
0x18a: {  	v2 =	vor.u32 v2, v3  }
0x18b: {  	v2 =	vperm.xlane v2, v0;
	_ =	sdelay $0x1  }
0x18c: {  	v2 =	vadd.s32 v1, v2;
	_ =	sdelay $0x4  }
0x18d: {  	[tilespmem:s6], [sflag:$0x1] =	stream.indirect_vreg.gather [hbm4b:s2+s24], $0x80, v2, vm0, $0xb8;
	[tilespmem:$0x1E200] =	vst v63  }
0x18e: {  	s16 =	simm.s32 $0xCA00;
	s19 =	sadd.s32 $0x18, s23;
	s26 =	rddreg [dreg:$0x4]  }
0x18f: {  	[tilespmem:s16], [sflag:$0x1] =	stream.indirect_vreg.gather [hbm4b:s14+s24], $0x80, v2, vm0, $0xb8;
	[tilespmem:$0x1E200] =	vst v63  }
0x190: {  	s30 =	smov.u32 s2;
	s18 =	simm.s32 $0xD200;
	s0 =	sadd.s32 s26, s19  }
0x191: {  	[tilespmem:s18], [sflag:$0x1] =	stream.indirect_vreg.gather [hbm4b:s15+s24], $0x80, v2, vm0, $0xb8;
	[tilespmem:$0x1E200] =	vst v63  }
0x192: {  	s25 =	simm.s32 $0xDA00;
	s0 =	sshll.u32 s0, $0x7;
	s28 =	rddreg [dreg:$0x5]  }
0x193: {  	[tilespmem:s25], [sflag:$0x1] =	stream.indirect_vreg.gather [hbm4b:s17+s24], $0x80, v2, vm0, $0xb8;
	[tilespmem:$0x1E200] =	vst v63  }
0x194: {  	s0 =	sadd.s32 s28, s0;
	s29 =	simm.s32 $0x200;
	s16 =	simm.s32 $0x0  }
0x195: {  	[tilespmem:s29], [sflag:$0x1] =	stream.linear.gather [hbm4b:s0+s24], $0x2000, $0x38;
	[tilespmem:$0x1E200] =	vst v63  }
.LBB2_7:
0x196: {  	s0 =	sshll.u32 s16, $0x7;
	s1 =	sand.u32 $0x1C00, s24  }
0x197: {  	s3 =	sand.u32 $0x40, s24;
	s5 =	sor.u32 s0, s1  }
0x198: {  	s6 =	sor.u32 s3, s5  }
0x199: {  	v2 =	vld [tilespmem:s6+$0x2200];
	_ =	sdelay $0x2  }
0x19a: {  	s29 =	sadd.s32 $0x10200, s0  }
0x19b: {  	s26 =	sadd.s32 $0x12200, s0;
	s7 =	sadd.s32 s1, s29  }
0x19c: {  	s25 =	sadd.s32 $0x14200, s0;
	s10 =	sadd.s32 s1, s26;
	s2 =	sadd.s32 s3, s7;
	[tilespmem:s6+$0xE200] =	vst.add.f32.msk $0xffff, v2  }
0x19d: {  	s1 =	sadd.s32 s1, s25;
	s8 =	sadd.s32 s3, s10;
	[tilespmem:s2+$0x0] =	vst.add.f32.msk $0xffff, v2  }
0x19e: {  	s9 =	sadd.s32 s3, s1;
	[tilespmem:s8+$0x0] =	vst.add.f32.msk $0xffff, v2;
	s8 =	sor.u32 $0x10, s3  }
0x19f: {  	[tilespmem:s9+$0x0] =	vst.add.f32.msk $0xffff, v2;
	s18 =	sor.u32 s8, s5  }
0x1a0: {  	v2 =	vld [tilespmem:s18+$0x2200];
	_ =	sdelay $0x4  }
0x1a1: {  	s19 =	sadd.s32 s8, s7;
	[tilespmem:s18+$0xE200] =	vst.add.f32.msk $0xffff, v2  }
0x1a2: {  	s2 =	sadd.s32 s8, s10;
	[tilespmem:s19+$0x0] =	vst.add.f32.msk $0xffff, v2  }
0x1a3: {  	s8 =	sadd.s32 s8, s1;
	s9 =	sor.u32 $0x20, s3;
	[tilespmem:s2+$0x0] =	vst.add.f32.msk $0xffff, v2  }
0x1a4: {  	s18 =	sor.u32 s9, s5;
	[tilespmem:s8+$0x0] =	vst.add.f32.msk $0xffff, v2  }
0x1a5: {  	v2 =	vld [tilespmem:s18+$0x2200];
	_ =	sdelay $0x4  }
0x1a6: {  	s19 =	sadd.s32 s9, s7;
	[tilespmem:s18+$0xE200] =	vst.add.f32.msk $0xffff, v2  }
0x1a7: {  	s2 =	sadd.s32 s9, s10;
	[tilespmem:s19+$0x0] =	vst.add.f32.msk $0xffff, v2  }
0x1a8: {  	s3 =	sor.u32 $0x30, s3;
	s9 =	sadd.s32 s9, s1;
	[tilespmem:s2+$0x0] =	vst.add.f32.msk $0xffff, v2  }
0x1a9: {  	s5 =	sor.u32 s3, s5;
	[tilespmem:s9+$0x0] =	vst.add.f32.msk $0xffff, v2  }
0x1aa: {  	v2 =	vld [tilespmem:s5+$0x2200];
	_ =	sdelay $0x3  }
0x1ab: {  	s6 =	simm.s32 $0x4;
	s9 =	simm.s32 $0x200  }
0x1ac: {  	s8 =	simm.s32 $0x40;
	s18 =	sadd.s32 s3, s7;
	s19 =	sand.u32 $0x1C00, s9;
	[tilespmem:s5+$0xE200] =	vst.add.f32.msk $0xffff, v2  }
0x1ad: {  	s10 =	sadd.s32 s3, s10;
	s28 =	sand.u32 $0x40, s8;
	s7 =	sadd.s32 s19, s29;
	[tilespmem:s18+$0x0] =	vst.add.f32.msk $0xffff, v2  }
0x1ae: {  	s5 =	sadd.s32 s3, s1;
	s3 =	sadd.s32 s19, s26;
	s18 =	sor.u32 s0, s19;
	[tilespmem:s10+$0x0] =	vst.add.f32.msk $0xffff, v2  }
.LBB2_8:
0x1af: {  	s6 =	sadd.s32 $0x4, s6;
	s1 =	sor.u32 s28, s18;
	s10 =	sadd.s32 s19, s25;
	[tilespmem:s5+$0x0] =	vst.add.f32.msk $0xffff, v2  }
0x1b0: {  	p0 =	slt.u32 s6, $0x3C;
	v2 =	vld [tilespmem:s1+$0x2200];
	_ =	sdelay $0x4  }
0x1b1: {  	[tilespmem:s1+$0xE200] =	vst.add.f32.msk $0xffff, v2;
	s1 =	sadd.s32 s28, s7  }
0x1b2: {  	[tilespmem:s1+$0x0] =	vst.add.f32.msk $0xffff, v2;
	s1 =	sadd.s32 s28, s3  }
0x1b3: {  	s5 =	sor.u32 $0x10, s28;
	[tilespmem:s1+$0x0] =	vst.add.f32.msk $0xffff, v2;
	s1 =	sadd.s32 s28, s10  }
0x1b4: {  	[tilespmem:s1+$0x0] =	vst.add.f32.msk $0xffff, v2;
	s1 =	sor.u32 s5, s18  }
0x1b5: {  	v2 =	vld [tilespmem:s1+$0x2200];
	_ =	sdelay $0x4  }
0x1b6: {  	[tilespmem:s1+$0xE200] =	vst.add.f32.msk $0xffff, v2;
	s1 =	sadd.s32 s5, s7  }
0x1b7: {  	[tilespmem:s1+$0x0] =	vst.add.f32.msk $0xffff, v2;
	s1 =	sadd.s32 s5, s3  }
0x1b8: {  	[tilespmem:s1+$0x0] =	vst.add.f32.msk $0xffff, v2;
	s1 =	sadd.s32 s5, s10;
	s5 =	sor.u32 $0x20, s28  }
0x1b9: {  	[tilespmem:s1+$0x0] =	vst.add.f32.msk $0xffff, v2;
	s1 =	sor.u32 s5, s18  }
0x1ba: {  	v2 =	vld [tilespmem:s1+$0x2200];
	_ =	sdelay $0x4  }
0x1bb: {  	[tilespmem:s1+$0xE200] =	vst.add.f32.msk $0xffff, v2;
	s1 =	sadd.s32 s5, s7  }
0x1bc: {  	[tilespmem:s1+$0x0] =	vst.add.f32.msk $0xffff, v2;
	s1 =	sadd.s32 s5, s3  }
0x1bd: {  	[tilespmem:s1+$0x0] =	vst.add.f32.msk $0xffff, v2;
	s1 =	sadd.s32 s5, s10;
	s5 =	sor.u32 $0x30, s28  }
0x1be: {  	[tilespmem:s1+$0x0] =	vst.add.f32.msk $0xffff, v2;
	s1 =	sor.u32 s5, s18  }
0x1bf: {  	v2 =	vld [tilespmem:s1+$0x2200];
	_ =	sdelay $0x2  }
.Ltmp2:
0x1c0: {  	(pc) =	sbr.rel @p0 .LBB2_8-.Ltmp2, $4  }
0x1c1: {  	s8 =	sadd.s32 $0x40, s8  }
0x1c2: {  	s9 =	sadd.s32 $0x200, s9;
	s28 =	sand.u32 $0x40, s8;
	[tilespmem:s1+$0xE200] =	vst.add.f32.msk $0xffff, v2;
	s1 =	sadd.s32 s5, s7  }
0x1c3: {  	s19 =	sand.u32 $0x1C00, s9;
	[tilespmem:s1+$0x0] =	vst.add.f32.msk $0xffff, v2;
	s1 =	sadd.s32 s5, s3;
	s5 =	sadd.s32 s5, s10  }
0x1c4: {  	s18 =	sor.u32 s0, s19;
	s7 =	sadd.s32 s19, s29;
	s3 =	sadd.s32 s19, s26;
	[tilespmem:s1+$0x0] =	vst.add.f32.msk $0xffff, v2  }
0x1c5: {  	s0 =	sor.u32 s28, s18;
	[tilespmem:s5+$0x0] =	vst.add.f32.msk $0xffff, v2  }
0x1c6: {  	v2 =	vld [tilespmem:s0+$0x2200];
	_ =	sdelay $0x4  }
0x1c7: {  	s9 =	sadd.s32 s28, s7;
	[tilespmem:s0+$0xE200] =	vst.add.f32.msk $0xffff, v2  }
0x1c8: {  	s1 =	sadd.s32 s19, s25;
	s10 =	sadd.s32 s28, s3;
	[tilespmem:s9+$0x0] =	vst.add.f32.msk $0xffff, v2  }
0x1c9: {  	s25 =	sor.u32 $0x10, s28;
	s19 =	sadd.s32 s28, s1;
	[tilespmem:s10+$0x0] =	vst.add.f32.msk $0xffff, v2  }
0x1ca: {  	s26 =	sor.u32 s25, s18;
	[tilespmem:s19+$0x0] =	vst.add.f32.msk $0xffff, v2  }
0x1cb: {  	v2 =	vld [tilespmem:s26+$0x2200];
	_ =	sdelay $0x4  }
0x1cc: {  	s29 =	sadd.s32 s25, s7;
	[tilespmem:s26+$0xE200] =	vst.add.f32.msk $0xffff, v2  }
0x1cd: {  	s2 =	sadd.s32 s25, s3;
	[tilespmem:s29+$0x0] =	vst.add.f32.msk $0xffff, v2  }
0x1ce: {  	s6 =	sor.u32 $0x20, s28;
	s5 =	sadd.s32 s25, s1;
	[tilespmem:s2+$0x0] =	vst.add.f32.msk $0xffff, v2  }
0x1cf: {  	s8 =	sor.u32 s6, s18;
	[tilespmem:s5+$0x0] =	vst.add.f32.msk $0xffff, v2  }
0x1d0: {  	v2 =	vld [tilespmem:s8+$0x2200];
	_ =	sdelay $0x4  }
0x1d1: {  	s9 =	sadd.s32 s6, s7;
	[tilespmem:s8+$0xE200] =	vst.add.f32.msk $0xffff, v2  }
0x1d2: {  	s10 =	sadd.s32 s6, s3;
	[tilespmem:s9+$0x0] =	vst.add.f32.msk $0xffff, v2  }
0x1d3: {  	s25 =	sor.u32 $0x30, s28;
	s19 =	sadd.s32 s6, s1;
	[tilespmem:s10+$0x0] =	vst.add.f32.msk $0xffff, v2  }
0x1d4: {  	s26 =	sor.u32 s25, s18;
	[tilespmem:s19+$0x0] =	vst.add.f32.msk $0xffff, v2  }
0x1d5: {  	v2 =	vld [tilespmem:s26+$0x2200];
	_ =	sdelay $0x1  }
0x1d6: {  	s16 =	sadd.s32 $0x1, s16  }
0x1d7: {  	p0 =	sne.s32 s16, $0x8  }
.Ltmp3:
0x1d8: {  	_ = 	snop;
	(pc) =	sbr.rel @p0 .LBB2_7-.Ltmp3, $4  }
0x1d9: {  	s28 =	sadd.s32 s25, s7;
	[tilespmem:s26+$0xE200] =	vst.add.f32.msk $0xffff, v2  }
0x1da: {  	s29 =	sadd.s32 s25, s3;
	[tilespmem:s28+$0x0] =	vst.add.f32.msk $0xffff, v2  }
0x1db: {  	s1 =	sadd.s32 s25, s1;
	[tilespmem:s29+$0x0] =	vst.add.f32.msk $0xffff, v2  }
0x1dc: {  	[tilespmem:s1+$0x0] =	vst.add.f32.msk $0xffff, v2  }
0x1dd: {  	s1 =	rddreg [dreg:$0x4]  }
0x1de: {  	s0 =	sadd.s32 $0x8, s23;
	s2 =	rddreg [dreg:$0x7];
	s10 =	simm.s32 $0xE200  }
0x1df: {  	s18 =	rddreg [dreg:$0x8];
	s24 =	simm.s32 $0x10200;
	s1 =	sadd.s32 s1, s0  }
0x1e0: {  	s26 =	rddreg [dreg:$0x9];
	s3 =	sadd.s32 s2, s0;
	s1 =	sshll.u32 s1, $0x7  }
0x1e1: {  	s19 =	sadd.s32 s18, s0;
	s16 =	sshll.u32 s3, $0x7;
	s1 =	sadd.s32 s22, s1  }
0x1e2: {  	[hbm4b:s1+s4] =	stream.linear.scatter [tilespmem:s10], [sflag:$0x5], $0x2000, $0x38;
	[tilespmem:$0x1E200] =	vst v63  }
0x1e3: {  	s0 =	sadd.s32 s26, s0;
	s25 =	sshll.u32 s19, $0x7;
	s1 =	sadd.s32 s22, s16  }
0x1e4: {  	[hbm4b:s1+s4] =	stream.linear.scatter [tilespmem:s24], [sflag:$0x5], $0x2000, $0x38;
	[tilespmem:$0x1E200] =	vst v63  }
0x1e5: {  	s28 =	simm.s32 $0x12200;
	s0 =	sshll.u32 s0, $0x7;
	s1 =	sadd.s32 s22, s25  }
0x1e6: {  	[hbm4b:s1+s4] =	stream.linear.scatter [tilespmem:s28], [sflag:$0x5], $0x2000, $0x38;
	[tilespmem:$0x1E200] =	vst v63  }
0x1e7: {  	s29 =	simm.s32 $0x14200;
	s0 =	sadd.s32 s22, s0  }
0x1e8: {  	[hbm4b:s0+s4] =	stream.linear.scatter [tilespmem:s29], [sflag:$0x5], $0x2000, $0x38;
	[tilespmem:$0x1E200] =	vst v63  }
0x1e9: {  	_ =	swait.ge [sflag:s11], $0x2000  }
0x1ea: {  	[sflag:s11] =	ssyncset.done $0x0  }
0x1eb: {  	[sflag:s11] =	ssyncadd.s32 $0xFFFFE000  }
0x1ec: {  	_ =	swait.ge [sflag:s11], $0x2000  }
0x1ed: {  	[sflag:s11] =	ssyncset.done $0x0  }
0x1ee: {  	[sflag:s11] =	ssyncadd.s32 $0xFFFFE000  }
0x1ef: {  	_ =	swait.ge [sflag:s11], $0x2000  }
0x1f0: {  	[sflag:s11] =	ssyncset.done $0x0  }
0x1f1: {  	[sflag:s11] =	ssyncadd.s32 $0xFFFFE000  }
0x1f2: {  	p0 =	seq.s32 s20, $0x4;
	_ =	swait.ge [sflag:s11], $0x2000  }
.Ltmp4:
0x1f3: {  	[sflag:s11] =	ssyncset.done $0x0;
	(pc) =	sbr.rel @p0 .LBB2_12-.Ltmp4, $4  }
0x1f4: {  	[sflag:s11] =	ssyncadd.s32 $0xFFFFE000  }
0x1f5: {  	_ =	swait.ge [sflag:s11], $0x2000  }
0x1f6: {  	[sflag:s11] =	ssyncset.done $0x0  }
0x1f7: {  	[sflag:s11] =	ssyncadd.s32 $0xFFFFE000  }
0x1f8: {  	s0 =	simm.s32 $0x5  }
0x1f9: {  	_ =	swait.ge [sflag:s0], $0x2000  }
0x1fa: {  	[sflag:s0] =	ssyncset.done $0x0  }
0x1fb: {  	[sflag:s0] =	ssyncadd.s32 $0xFFFFE000  }
0x1fc: {  	_ =	swait.ge [sflag:s0], $0x2000  }
0x1fd: {  	[sflag:s0] =	ssyncset.done $0x0  }
0x1fe: {  	[sflag:s0] =	ssyncadd.s32 $0xFFFFE000  }
0x1ff: {  	_ =	swait.ge [sflag:s0], $0x2000  }
0x200: {  	[sflag:s0] =	ssyncset.done $0x0  }
0x201: {  	[sflag:s0] =	ssyncadd.s32 $0xFFFFE000  }
0x202: {  	_ =	swait.ge [sflag:s0], $0x2000  }
0x203: {  	[sflag:s0] =	ssyncset.done $0x0  }
0x204: {  	[sflag:s0] =	ssyncadd.s32 $0xFFFFE000  }
0x205: {  	v2 =	vld.msk [tilespmem:s23+$0x20], $0xff;
	_ =	sdelay $0x4  }
0x206: {  	v3 =	vshll.u32 v2, $0x3  }
0x207: {  	v2 =	vand.u32 $0x7, v2;
	v3 =	vand.u32 $0xFFFFFFC0, v3  }
0x208: {  	v2 =	vor.u32 v2, v3  }
0x209: {  	v2 =	vperm.xlane v2, v0;
	_ =	sdelay $0x1  }
0x20a: {  	v2 =	vadd.s32 v1, v2;
	_ =	sdelay $0x3  }
0x20b: {  	s28 =	simm.s32 $0xE200  }
0x20c: {  	[tilespmem:s28], [sflag:$0x2] =	stream.indirect_vreg.gather [hbm4b:s30+s4], $0x80, v2, vm0, $0xb8;
	[tilespmem:$0x1E200] =	vst v63  }
0x20d: {  	s29 =	simm.s32 $0xEA00  }
0x20e: {  	[tilespmem:s29], [sflag:$0x2] =	stream.indirect_vreg.gather [hbm4b:s14+s4], $0x80, v2, vm0, $0xb8;
	[tilespmem:$0x1E200] =	vst v63  }
0x20f: {  	s1 =	simm.s32 $0xF200  }
0x210: {  	[tilespmem:s1], [sflag:$0x2] =	stream.indirect_vreg.gather [hbm4b:s15+s4], $0x80, v2, vm0, $0xb8;
	[tilespmem:$0x1E200] =	vst v63  }
0x211: {  	s2 =	simm.s32 $0xFA00  }
0x212: {  	[tilespmem:s2], [sflag:$0x2] =	stream.indirect_vreg.gather [hbm4b:s17+s4], $0x80, v2, vm0, $0xb8;
	[tilespmem:$0x1E200] =	vst v63  }
0x213: {  	v2 =	vld.msk [tilespmem:s23+$0xA0], $0xff;
	_ =	sdelay $0x4  }
0x214: {  	v3 =	vshll.u32 v2, $0x3  }
0x215: {  	v2 =	vand.u32 $0x7, v2;
	v3 =	vand.u32 $0xFFFFFFC0, v3  }
0x216: {  	v2 =	vor.u32 v2, v3  }
0x217: {  	v2 =	vperm.xlane v2, v0;
	_ =	sdelay $0x1  }
0x218: {  	v2 =	vadd.s32 v1, v2;
	_ =	sdelay $0x3  }
0x219: {  	s3 =	simm.s32 $0x10200  }
0x21a: {  	[tilespmem:s3], [sflag:$0x2] =	stream.indirect_vreg.gather [hbm4b:s30+s4], $0x80, v2, vm0, $0xb8;
	[tilespmem:$0x1E200] =	vst v63  }
0x21b: {  	s5 =	simm.s32 $0x10A00  }
0x21c: {  	[tilespmem:s5], [sflag:$0x2] =	stream.indirect_vreg.gather [hbm4b:s14+s4], $0x80, v2, vm0, $0xb8;
	[tilespmem:$0x1E200] =	vst v63  }
0x21d: {  	s6 =	simm.s32 $0x11200  }
0x21e: {  	[tilespmem:s6], [sflag:$0x2] =	stream.indirect_vreg.gather [hbm4b:s15+s4], $0x80, v2, vm0, $0xb8;
	[tilespmem:$0x1E200] =	vst v63  }
0x21f: {  	s7 =	simm.s32 $0x11A00  }
0x220: {  	[tilespmem:s7], [sflag:$0x2] =	stream.indirect_vreg.gather [hbm4b:s17+s4], $0x80, v2, vm0, $0xb8;
	[tilespmem:$0x1E200] =	vst v63  }
0x221: {  	v2 =	vld.msk [tilespmem:s23+$0x120], $0xff;
	_ =	sdelay $0x4  }
0x222: {  	v3 =	vshll.u32 v2, $0x3  }
0x223: {  	v2 =	vand.u32 $0x7, v2;
	v3 =	vand.u32 $0xFFFFFFC0, v3  }
0x224: {  	v2 =	vor.u32 v2, v3  }
0x225: {  	v2 =	vperm.xlane v2, v0;
	_ =	sdelay $0x1  }
0x226: {  	v2 =	vadd.s32 v1, v2;
	_ =	sdelay $0x3  }
0x227: {  	s8 =	simm.s32 $0x12200  }
0x228: {  	[tilespmem:s8], [sflag:$0x2] =	stream.indirect_vreg.gather [hbm4b:s30+s4], $0x80, v2, vm0, $0xb8;
	[tilespmem:$0x1E200] =	vst v63  }
0x229: {  	s9 =	simm.s32 $0x12A00  }
0x22a: {  	[tilespmem:s9], [sflag:$0x2] =	stream.indirect_vreg.gather [hbm4b:s14+s4], $0x80, v2, vm0, $0xb8;
	[tilespmem:$0x1E200] =	vst v63  }
0x22b: {  	s10 =	simm.s32 $0x13200  }
0x22c: {  	[tilespmem:s10], [sflag:$0x2] =	stream.indirect_vreg.gather [hbm4b:s15+s4], $0x80, v2, vm0, $0xb8;
	[tilespmem:$0x1E200] =	vst v63  }
0x22d: {  	s16 =	simm.s32 $0x13A00  }
0x22e: {  	[tilespmem:s16], [sflag:$0x2] =	stream.indirect_vreg.gather [hbm4b:s17+s4], $0x80, v2, vm0, $0xb8;
	[tilespmem:$0x1E200] =	vst v63  }
0x22f: {  	v2 =	vld.msk [tilespmem:s23+$0x1A0], $0xff;
	_ =	sdelay $0x4  }
0x230: {  	v3 =	vshll.u32 v2, $0x3  }
0x231: {  	v2 =	vand.u32 $0x7, v2;
	v3 =	vand.u32 $0xFFFFFFC0, v3  }
0x232: {  	v2 =	vor.u32 v2, v3  }
0x233: {  	v2 =	vperm.xlane v2, v0;
	_ =	sdelay $0x1  }
0x234: {  	v2 =	vadd.s32 v1, v2;
	_ =	sdelay $0x3  }
0x235: {  	s18 =	simm.s32 $0x14200  }
0x236: {  	[tilespmem:s18], [sflag:$0x2] =	stream.indirect_vreg.gather [hbm4b:s30+s4], $0x80, v2, vm0, $0xb8;
	[tilespmem:$0x1E200] =	vst v63  }
0x237: {  	s19 =	simm.s32 $0x14A00;
	s25 =	sadd.s32 $0x20, s23;
	s26 =	rddreg [dreg:$0x4]  }
0x238: {  	[tilespmem:s19], [sflag:$0x2] =	stream.indirect_vreg.gather [hbm4b:s14+s4], $0x80, v2, vm0, $0xb8;
	[tilespmem:$0x1E200] =	vst v63  }
0x239: {  	s24 =	simm.s32 $0x15200;
	s0 =	sadd.s32 s26, s25  }
0x23a: {  	[tilespmem:s24], [sflag:$0x2] =	stream.indirect_vreg.gather [hbm4b:s15+s4], $0x80, v2, vm0, $0xb8;
	[tilespmem:$0x1E200] =	vst v63  }
0x23b: {  	s0 =	sshll.u32 s0, $0x7;
	s28 =	rddreg [dreg:$0x5];
	s1 =	simm.s32 $0x15A00  }
0x23c: {  	[tilespmem:s1], [sflag:$0x2] =	stream.indirect_vreg.gather [hbm4b:s17+s4], $0x80, v2, vm0, $0xb8;
	[tilespmem:$0x1E200] =	vst v63  }
0x23d: {  	s0 =	sadd.s32 s28, s0;
	s29 =	simm.s32 $0x2200  }
0x23e: {  	[tilespmem:s29], [sflag:$0x2] =	stream.linear.gather [hbm4b:s0+s4], $0x2000, $0x38;
	[tilespmem:$0x1E200] =	vst v63  }
.LBB2_12:
0x23f: {  	s16 =	simm.s32 $0x0;
	s23 =	simm.s32 $0x0;
	s29 =	simm.s32 $0x1C200  }
.LBB2_13:
0x240: {  	s0 =	sshll.u32 s23, $0x7;
	s1 =	sand.u32 $0x1C00, s16  }
0x241: {  	s3 =	sand.u32 $0x40, s16;
	s5 =	sor.u32 s0, s1  }
0x242: {  	s6 =	sor.u32 s3, s5  }
0x243: {  	v2 =	vld [tilespmem:s6+$0x4200];
	_ =	sdelay $0x2  }
0x244: {  	s25 =	sadd.s32 $0x18200, s0  }
0x245: {  	s26 =	sadd.s32 $0x1A200, s0;
	s7 =	sadd.s32 s1, s25  }
0x246: {  	s24 =	sadd.s32 $0x1C200, s0;
	s10 =	sadd.s32 s1, s26;
	s2 =	sadd.s32 s3, s7;
	[tilespmem:s6+$0x16200] =	vst.add.f32.msk $0xffff, v2  }
0x247: {  	s1 =	sadd.s32 s1, s24;
	s8 =	sadd.s32 s3, s10;
	[tilespmem:s2+$0x0] =	vst.add.f32.msk $0xffff, v2  }
0x248: {  	s9 =	sadd.s32 s3, s1;
	[tilespmem:s8+$0x0] =	vst.add.f32.msk $0xffff, v2;
	s8 =	sor.u32 $0x10, s3  }
0x249: {  	[tilespmem:s9+$0x0] =	vst.add.f32.msk $0xffff, v2;
	s18 =	sor.u32 s8, s5  }
0x24a: {  	v2 =	vld [tilespmem:s18+$0x4200];
	_ =	sdelay $0x4  }
0x24b: {  	s19 =	sadd.s32 s8, s7;
	[tilespmem:s18+$0x16200] =	vst.add.f32.msk $0xffff, v2  }
0x24c: {  	s2 =	sadd.s32 s8, s10;
	[tilespmem:s19+$0x0] =	vst.add.f32.msk $0xffff, v2  }
0x24d: {  	s8 =	sadd.s32 s8, s1;
	s9 =	sor.u32 $0x20, s3;
	[tilespmem:s2+$0x0] =	vst.add.f32.msk $0xffff, v2  }
0x24e: {  	s18 =	sor.u32 s9, s5;
	[tilespmem:s8+$0x0] =	vst.add.f32.msk $0xffff, v2  }
0x24f: {  	v2 =	vld [tilespmem:s18+$0x4200];
	_ =	sdelay $0x4  }
0x250: {  	s19 =	sadd.s32 s9, s7;
	[tilespmem:s18+$0x16200] =	vst.add.f32.msk $0xffff, v2  }
0x251: {  	s2 =	sadd.s32 s9, s10;
	[tilespmem:s19+$0x0] =	vst.add.f32.msk $0xffff, v2  }
0x252: {  	s3 =	sor.u32 $0x30, s3;
	s9 =	sadd.s32 s9, s1;
	[tilespmem:s2+$0x0] =	vst.add.f32.msk $0xffff, v2  }
0x253: {  	s5 =	sor.u32 s3, s5;
	[tilespmem:s9+$0x0] =	vst.add.f32.msk $0xffff, v2  }
0x254: {  	v2 =	vld [tilespmem:s5+$0x4200];
	_ =	sdelay $0x3  }
0x255: {  	s6 =	simm.s32 $0x4;
	s9 =	simm.s32 $0x200  }
0x256: {  	s8 =	simm.s32 $0x40;
	s18 =	sadd.s32 s3, s7;
	s19 =	sand.u32 $0x1C00, s9;
	[tilespmem:s5+$0x16200] =	vst.add.f32.msk $0xffff, v2  }
0x257: {  	s10 =	sadd.s32 s3, s10;
	s28 =	sand.u32 $0x40, s8;
	s7 =	sadd.s32 s19, s25;
	[tilespmem:s18+$0x0] =	vst.add.f32.msk $0xffff, v2  }
0x258: {  	s5 =	sadd.s32 s3, s1;
	s3 =	sadd.s32 s19, s26;
	s18 =	sor.u32 s0, s19;
	[tilespmem:s10+$0x0] =	vst.add.f32.msk $0xffff, v2  }
.LBB2_14:
0x259: {  	s6 =	sadd.s32 $0x4, s6;
	s1 =	sor.u32 s28, s18;
	s10 =	sadd.s32 s19, s24;
	[tilespmem:s5+$0x0] =	vst.add.f32.msk $0xffff, v2  }
0x25a: {  	p0 =	slt.u32 s6, $0x3C;
	v2 =	vld [tilespmem:s1+$0x4200];
	_ =	sdelay $0x4  }
0x25b: {  	[tilespmem:s1+$0x16200] =	vst.add.f32.msk $0xffff, v2;
	s1 =	sadd.s32 s28, s7  }
0x25c: {  	[tilespmem:s1+$0x0] =	vst.add.f32.msk $0xffff, v2;
	s1 =	sadd.s32 s28, s3  }
0x25d: {  	s5 =	sor.u32 $0x10, s28;
	[tilespmem:s1+$0x0] =	vst.add.f32.msk $0xffff, v2;
	s1 =	sadd.s32 s28, s10  }
0x25e: {  	[tilespmem:s1+$0x0] =	vst.add.f32.msk $0xffff, v2;
	s1 =	sor.u32 s5, s18  }
0x25f: {  	v2 =	vld [tilespmem:s1+$0x4200];
	_ =	sdelay $0x4  }
0x260: {  	[tilespmem:s1+$0x16200] =	vst.add.f32.msk $0xffff, v2;
	s1 =	sadd.s32 s5, s7  }
0x261: {  	[tilespmem:s1+$0x0] =	vst.add.f32.msk $0xffff, v2;
	s1 =	sadd.s32 s5, s3  }
0x262: {  	[tilespmem:s1+$0x0] =	vst.add.f32.msk $0xffff, v2;
	s1 =	sadd.s32 s5, s10;
	s5 =	sor.u32 $0x20, s28  }
0x263: {  	[tilespmem:s1+$0x0] =	vst.add.f32.msk $0xffff, v2;
	s1 =	sor.u32 s5, s18  }
0x264: {  	v2 =	vld [tilespmem:s1+$0x4200];
	_ =	sdelay $0x4  }
0x265: {  	[tilespmem:s1+$0x16200] =	vst.add.f32.msk $0xffff, v2;
	s1 =	sadd.s32 s5, s7  }
0x266: {  	[tilespmem:s1+$0x0] =	vst.add.f32.msk $0xffff, v2;
	s1 =	sadd.s32 s5, s3  }
0x267: {  	[tilespmem:s1+$0x0] =	vst.add.f32.msk $0xffff, v2;
	s1 =	sadd.s32 s5, s10;
	s5 =	sor.u32 $0x30, s28  }
0x268: {  	[tilespmem:s1+$0x0] =	vst.add.f32.msk $0xffff, v2;
	s1 =	sor.u32 s5, s18  }
0x269: {  	v2 =	vld [tilespmem:s1+$0x4200];
	_ =	sdelay $0x2  }
.Ltmp5:
0x26a: {  	(pc) =	sbr.rel @p0 .LBB2_14-.Ltmp5, $4  }
0x26b: {  	s8 =	sadd.s32 $0x40, s8  }
0x26c: {  	s9 =	sadd.s32 $0x200, s9;
	s28 =	sand.u32 $0x40, s8;
	[tilespmem:s1+$0x16200] =	vst.add.f32.msk $0xffff, v2;
	s1 =	sadd.s32 s5, s7  }
0x26d: {  	s19 =	sand.u32 $0x1C00, s9;
	[tilespmem:s1+$0x0] =	vst.add.f32.msk $0xffff, v2;
	s1 =	sadd.s32 s5, s3;
	s5 =	sadd.s32 s5, s10  }
0x26e: {  	s18 =	sor.u32 s0, s19;
	s7 =	sadd.s32 s19, s25;
	s3 =	sadd.s32 s19, s26;
	[tilespmem:s1+$0x0] =	vst.add.f32.msk $0xffff, v2  }
0x26f: {  	s0 =	sor.u32 s28, s18;
	[tilespmem:s5+$0x0] =	vst.add.f32.msk $0xffff, v2  }
0x270: {  	v2 =	vld [tilespmem:s0+$0x4200];
	_ =	sdelay $0x4  }
0x271: {  	s9 =	sadd.s32 s28, s7;
	[tilespmem:s0+$0x16200] =	vst.add.f32.msk $0xffff, v2  }
0x272: {  	s1 =	sadd.s32 s19, s24;
	s10 =	sadd.s32 s28, s3;
	[tilespmem:s9+$0x0] =	vst.add.f32.msk $0xffff, v2  }
0x273: {  	s24 =	sor.u32 $0x10, s28;
	s19 =	sadd.s32 s28, s1;
	[tilespmem:s10+$0x0] =	vst.add.f32.msk $0xffff, v2  }
0x274: {  	s25 =	sor.u32 s24, s18;
	[tilespmem:s19+$0x0] =	vst.add.f32.msk $0xffff, v2  }
0x275: {  	v2 =	vld [tilespmem:s25+$0x4200];
	_ =	sdelay $0x4  }
0x276: {  	s26 =	sadd.s32 s24, s7;
	[tilespmem:s25+$0x16200] =	vst.add.f32.msk $0xffff, v2  }
0x277: {  	s2 =	sadd.s32 s24, s3;
	[tilespmem:s26+$0x0] =	vst.add.f32.msk $0xffff, v2  }
0x278: {  	s6 =	sor.u32 $0x20, s28;
	s5 =	sadd.s32 s24, s1;
	[tilespmem:s2+$0x0] =	vst.add.f32.msk $0xffff, v2  }
0x279: {  	s8 =	sor.u32 s6, s18;
	[tilespmem:s5+$0x0] =	vst.add.f32.msk $0xffff, v2  }
0x27a: {  	v2 =	vld [tilespmem:s8+$0x4200];
	_ =	sdelay $0x4  }
0x27b: {  	s9 =	sadd.s32 s6, s7;
	[tilespmem:s8+$0x16200] =	vst.add.f32.msk $0xffff, v2  }
0x27c: {  	s10 =	sadd.s32 s6, s3;
	[tilespmem:s9+$0x0] =	vst.add.f32.msk $0xffff, v2  }
0x27d: {  	s24 =	sor.u32 $0x30, s28;
	s19 =	sadd.s32 s6, s1;
	[tilespmem:s10+$0x0] =	vst.add.f32.msk $0xffff, v2  }
0x27e: {  	s25 =	sor.u32 s24, s18;
	[tilespmem:s19+$0x0] =	vst.add.f32.msk $0xffff, v2  }
0x27f: {  	v2 =	vld [tilespmem:s25+$0x4200];
	_ =	sdelay $0x1  }
0x280: {  	s23 =	sadd.s32 $0x1, s23  }
0x281: {  	p0 =	sne.s32 s23, $0x8  }
.Ltmp6:
0x282: {  	_ = 	snop;
	(pc) =	sbr.rel @p0 .LBB2_13-.Ltmp6, $4  }
0x283: {  	s26 =	sadd.s32 s24, s7;
	[tilespmem:s25+$0x16200] =	vst.add.f32.msk $0xffff, v2  }
0x284: {  	s28 =	sadd.s32 s24, s3;
	[tilespmem:s26+$0x0] =	vst.add.f32.msk $0xffff, v2  }
0x285: {  	s1 =	sadd.s32 s24, s1;
	[tilespmem:s28+$0x0] =	vst.add.f32.msk $0xffff, v2  }
0x286: {  	[tilespmem:s1+$0x0] =	vst.add.f32.msk $0xffff, v2  }
0x287: {  	s0 =	rddreg [dreg:$0x7]  }
0x288: {  	s1 =	rddreg [dreg:$0x15]  }
0x289: {  	s25 =	simm.s32 $0x16200;
	s18 =	rddreg [dreg:$0x8]  }
0x28a: {  	s26 =	simm.s32 $0x18200;
	s0 =	sadd.s32 s0, s21;
	s1 =	sadd.s32 s22, s1  }
0x28b: {  	[hbm4b:s1+s4] =	stream.linear.scatter [tilespmem:s25], [sflag:$0x6], $0x2000, $0x38;
	[tilespmem:$0x1E200] =	vst v63  }
0x28c: {  	s23 =	rddreg [dreg:$0x9];
	s20 =	sadd.s32 $0x1, s20;
	s0 =	sshll.u32 s0, $0x7  }
0x28d: {  	p0 =	sne.s32 s20, $0x5;
	s1 =	sadd.s32 s18, s21;
	s0 =	sadd.s32 s22, s0  }
0x28e: {  	[hbm4b:s0+s4] =	stream.linear.scatter [tilespmem:s26], [sflag:$0x6], $0x2000, $0x38;
	[tilespmem:$0x1E200] =	vst v63  }
.Ltmp7:
0x28f: {  	s19 =	sshll.u32 s1, $0x7;
	s1 =	sadd.s32 s23, s21;
	(pc) =	sbr.rel @p0 .LBB2_2-.Ltmp7, $4  }
0x290: {  	s28 =	simm.s32 $0x1A200;
	s0 =	sadd.s32 s22, s19;
	s24 =	sshll.u32 s1, $0x7  }
0x291: {  	[hbm4b:s0+s4] =	stream.linear.scatter [tilespmem:s28], [sflag:$0x6], $0x2000, $0x38;
	[tilespmem:$0x1E200] =	vst v63  }
0x292: {  	s0 =	sadd.s32 s22, s24  }
0x293: {  	[hbm4b:s0+s4] =	stream.linear.scatter [tilespmem:s29], [sflag:$0x6], $0x2000, $0x38;
	[tilespmem:$0x1E200] =	vst v63  }
0x294: {  	_ =	swait.ge [sflag:s31], $0x2000  }
0x295: {  	[sflag:s31] =	ssyncset.done $0x0  }
0x296: {  	[sflag:s31] =	ssyncadd.s32 $0xFFFFE000  }
0x297: {  	_ =	swait.ge [sflag:s31], $0x2000  }
0x298: {  	[sflag:s31] =	ssyncset.done $0x0  }
0x299: {  	[sflag:s31] =	ssyncadd.s32 $0xFFFFE000  }
0x29a: {  	_ =	swait.ge [sflag:s31], $0x2000  }
0x29b: {  	[sflag:s31] =	ssyncset.done $0x0  }
0x29c: {  	[sflag:s31] =	ssyncadd.s32 $0xFFFFE000  }
0x29d: {  	_ =	swait.ge [sflag:s31], $0x2000  }
0x29e: {  	[sflag:s31] =	ssyncset.done $0x0  }
0x29f: {  	[sflag:s31] =	ssyncadd.s32 $0xFFFFE000  }
0x2a0: {  	_ =	swait.ge [sflag:s31], $0x2000  }
0x2a1: {  	[sflag:s31] =	ssyncset.done $0x0  }
0x2a2: {  	s16 =	simm.s32 $0x0;
	s20 =	simm.s32 $0x0;
	[sflag:s31] =	ssyncadd.s32 $0xFFFFE000  }
.LBB2_18:
0x2a3: {  	s0 =	sshll.u32 s20, $0x7;
	s1 =	sand.u32 $0x1C00, s16  }
0x2a4: {  	s3 =	sand.u32 $0x40, s16;
	s5 =	sor.u32 s0, s1  }
0x2a5: {  	s6 =	sor.u32 s3, s5  }
0x2a6: {  	v2 =	vld [tilespmem:s6+$0x200];
	_ =	sdelay $0x2  }
0x2a7: {  	s22 =	sadd.s32 $0x8200, s0  }
0x2a8: {  	s23 =	sadd.s32 $0xA200, s0;
	s7 =	sadd.s32 s1, s22  }
0x2a9: {  	s21 =	sadd.s32 $0xC200, s0;
	s10 =	sadd.s32 s1, s23;
	s8 =	sadd.s32 s3, s7;
	[tilespmem:s6+$0x6200] =	vst.add.f32.msk $0xffff, v2  }
0x2aa: {  	s1 =	sadd.s32 s1, s21;
	s9 =	sadd.s32 s3, s10;
	[tilespmem:s8+$0x0] =	vst.add.f32.msk $0xffff, v2  }
0x2ab: {  	s18 =	sadd.s32 s3, s1;
	s8 =	sor.u32 $0x10, s3;
	[tilespmem:s9+$0x0] =	vst.add.f32.msk $0xffff, v2  }
0x2ac: {  	s19 =	sor.u32 s8, s5;
	[tilespmem:s18+$0x0] =	vst.add.f32.msk $0xffff, v2  }
0x2ad: {  	v2 =	vld [tilespmem:s19+$0x200];
	_ =	sdelay $0x4  }
0x2ae: {  	s24 =	sadd.s32 s8, s7;
	[tilespmem:s19+$0x6200] =	vst.add.f32.msk $0xffff, v2  }
0x2af: {  	s2 =	sadd.s32 s8, s10;
	[tilespmem:s24+$0x0] =	vst.add.f32.msk $0xffff, v2  }
0x2b0: {  	s9 =	sadd.s32 s8, s1;
	s18 =	sor.u32 $0x20, s3;
	[tilespmem:s2+$0x0] =	vst.add.f32.msk $0xffff, v2  }
0x2b1: {  	s19 =	sor.u32 s18, s5;
	[tilespmem:s9+$0x0] =	vst.add.f32.msk $0xffff, v2  }
0x2b2: {  	v2 =	vld [tilespmem:s19+$0x200];
	_ =	sdelay $0x4  }
0x2b3: {  	s24 =	sadd.s32 s18, s7;
	[tilespmem:s19+$0x6200] =	vst.add.f32.msk $0xffff, v2  }
0x2b4: {  	s2 =	sadd.s32 s18, s10;
	[tilespmem:s24+$0x0] =	vst.add.f32.msk $0xffff, v2  }
0x2b5: {  	s3 =	sor.u32 $0x30, s3;
	s9 =	sadd.s32 s18, s1;
	[tilespmem:s2+$0x0] =	vst.add.f32.msk $0xffff, v2  }
0x2b6: {  	s5 =	sor.u32 s3, s5;
	[tilespmem:s9+$0x0] =	vst.add.f32.msk $0xffff, v2  }
0x2b7: {  	v2 =	vld [tilespmem:s5+$0x200];
	_ =	sdelay $0x3  }
0x2b8: {  	s6 =	simm.s32 $0x4;
	s9 =	simm.s32 $0x200  }
0x2b9: {  	s8 =	simm.s32 $0x40;
	s18 =	sadd.s32 s3, s7;
	s19 =	sand.u32 $0x1C00, s9;
	[tilespmem:s5+$0x6200] =	vst.add.f32.msk $0xffff, v2  }
0x2ba: {  	s10 =	sadd.s32 s3, s10;
	s24 =	sand.u32 $0x40, s8;
	s7 =	sadd.s32 s19, s22;
	[tilespmem:s18+$0x0] =	vst.add.f32.msk $0xffff, v2  }
0x2bb: {  	s5 =	sadd.s32 s3, s1;
	s3 =	sadd.s32 s19, s23;
	s18 =	sor.u32 s0, s19;
	[tilespmem:s10+$0x0] =	vst.add.f32.msk $0xffff, v2  }
.LBB2_19:
0x2bc: {  	s6 =	sadd.s32 $0x4, s6;
	s1 =	sor.u32 s24, s18;
	s10 =	sadd.s32 s19, s21;
	[tilespmem:s5+$0x0] =	vst.add.f32.msk $0xffff, v2  }
0x2bd: {  	p0 =	slt.u32 s6, $0x3C;
	v2 =	vld [tilespmem:s1+$0x200];
	_ =	sdelay $0x4  }
0x2be: {  	[tilespmem:s1+$0x6200] =	vst.add.f32.msk $0xffff, v2;
	s1 =	sadd.s32 s24, s7  }
0x2bf: {  	[tilespmem:s1+$0x0] =	vst.add.f32.msk $0xffff, v2;
	s1 =	sadd.s32 s24, s3  }
0x2c0: {  	s5 =	sor.u32 $0x10, s24;
	[tilespmem:s1+$0x0] =	vst.add.f32.msk $0xffff, v2;
	s1 =	sadd.s32 s24, s10  }
0x2c1: {  	[tilespmem:s1+$0x0] =	vst.add.f32.msk $0xffff, v2;
	s1 =	sor.u32 s5, s18  }
0x2c2: {  	v2 =	vld [tilespmem:s1+$0x200];
	_ =	sdelay $0x4  }
0x2c3: {  	[tilespmem:s1+$0x6200] =	vst.add.f32.msk $0xffff, v2;
	s1 =	sadd.s32 s5, s7  }
0x2c4: {  	[tilespmem:s1+$0x0] =	vst.add.f32.msk $0xffff, v2;
	s1 =	sadd.s32 s5, s3  }
0x2c5: {  	[tilespmem:s1+$0x0] =	vst.add.f32.msk $0xffff, v2;
	s1 =	sadd.s32 s5, s10;
	s5 =	sor.u32 $0x20, s24  }
0x2c6: {  	[tilespmem:s1+$0x0] =	vst.add.f32.msk $0xffff, v2;
	s1 =	sor.u32 s5, s18  }
0x2c7: {  	v2 =	vld [tilespmem:s1+$0x200];
	_ =	sdelay $0x4  }
0x2c8: {  	[tilespmem:s1+$0x6200] =	vst.add.f32.msk $0xffff, v2;
	s1 =	sadd.s32 s5, s7  }
0x2c9: {  	[tilespmem:s1+$0x0] =	vst.add.f32.msk $0xffff, v2;
	s1 =	sadd.s32 s5, s3  }
0x2ca: {  	[tilespmem:s1+$0x0] =	vst.add.f32.msk $0xffff, v2;
	s1 =	sadd.s32 s5, s10;
	s5 =	sor.u32 $0x30, s24  }
0x2cb: {  	[tilespmem:s1+$0x0] =	vst.add.f32.msk $0xffff, v2;
	s1 =	sor.u32 s5, s18  }
0x2cc: {  	v2 =	vld [tilespmem:s1+$0x200];
	_ =	sdelay $0x2  }
.Ltmp8:
0x2cd: {  	(pc) =	sbr.rel @p0 .LBB2_19-.Ltmp8, $4  }
0x2ce: {  	s8 =	sadd.s32 $0x40, s8  }
0x2cf: {  	s9 =	sadd.s32 $0x200, s9;
	s24 =	sand.u32 $0x40, s8;
	[tilespmem:s1+$0x6200] =	vst.add.f32.msk $0xffff, v2;
	s1 =	sadd.s32 s5, s7  }
0x2d0: {  	s19 =	sand.u32 $0x1C00, s9;
	[tilespmem:s1+$0x0] =	vst.add.f32.msk $0xffff, v2;
	s1 =	sadd.s32 s5, s3;
	s5 =	sadd.s32 s5, s10  }
0x2d1: {  	s18 =	sor.u32 s0, s19;
	s7 =	sadd.s32 s19, s22;
	s3 =	sadd.s32 s19, s23;
	[tilespmem:s1+$0x0] =	vst.add.f32.msk $0xffff, v2  }
0x2d2: {  	s0 =	sor.u32 s24, s18;
	[tilespmem:s5+$0x0] =	vst.add.f32.msk $0xffff, v2  }
0x2d3: {  	v2 =	vld [tilespmem:s0+$0x200];
	_ =	sdelay $0x4  }
0x2d4: {  	s9 =	sadd.s32 s24, s7;
	[tilespmem:s0+$0x6200] =	vst.add.f32.msk $0xffff, v2  }
0x2d5: {  	s1 =	sadd.s32 s19, s21;
	s10 =	sadd.s32 s24, s3;
	[tilespmem:s9+$0x0] =	vst.add.f32.msk $0xffff, v2  }
0x2d6: {  	s21 =	sor.u32 $0x10, s24;
	s19 =	sadd.s32 s24, s1;
	[tilespmem:s10+$0x0] =	vst.add.f32.msk $0xffff, v2  }
0x2d7: {  	s22 =	sor.u32 s21, s18;
	[tilespmem:s19+$0x0] =	vst.add.f32.msk $0xffff, v2  }
0x2d8: {  	v2 =	vld [tilespmem:s22+$0x200];
	_ =	sdelay $0x4  }
0x2d9: {  	s23 =	sadd.s32 s21, s7;
	[tilespmem:s22+$0x6200] =	vst.add.f32.msk $0xffff, v2  }
0x2da: {  	s2 =	sadd.s32 s21, s3;
	[tilespmem:s23+$0x0] =	vst.add.f32.msk $0xffff, v2  }
0x2db: {  	s6 =	sor.u32 $0x20, s24;
	s5 =	sadd.s32 s21, s1;
	[tilespmem:s2+$0x0] =	vst.add.f32.msk $0xffff, v2  }
0x2dc: {  	s8 =	sor.u32 s6, s18;
	[tilespmem:s5+$0x0] =	vst.add.f32.msk $0xffff, v2  }
0x2dd: {  	v2 =	vld [tilespmem:s8+$0x200];
	_ =	sdelay $0x4  }
0x2de: {  	s9 =	sadd.s32 s6, s7;
	[tilespmem:s8+$0x6200] =	vst.add.f32.msk $0xffff, v2  }
0x2df: {  	s10 =	sadd.s32 s6, s3;
	[tilespmem:s9+$0x0] =	vst.add.f32.msk $0xffff, v2  }
0x2e0: {  	s21 =	sor.u32 $0x30, s24;
	s19 =	sadd.s32 s6, s1;
	[tilespmem:s10+$0x0] =	vst.add.f32.msk $0xffff, v2  }
0x2e1: {  	s22 =	sor.u32 s21, s18;
	[tilespmem:s19+$0x0] =	vst.add.f32.msk $0xffff, v2  }
0x2e2: {  	v2 =	vld [tilespmem:s22+$0x200];
	_ =	sdelay $0x1  }
0x2e3: {  	s20 =	sadd.s32 $0x1, s20  }
0x2e4: {  	p0 =	sne.s32 s20, $0x8  }
.Ltmp9:
0x2e5: {  	_ = 	snop;
	(pc) =	sbr.rel @p0 .LBB2_18-.Ltmp9, $4  }
0x2e6: {  	s23 =	sadd.s32 s21, s7;
	[tilespmem:s22+$0x6200] =	vst.add.f32.msk $0xffff, v2  }
0x2e7: {  	s24 =	sadd.s32 s21, s3;
	[tilespmem:s23+$0x0] =	vst.add.f32.msk $0xffff, v2  }
0x2e8: {  	s1 =	sadd.s32 s21, s1;
	[tilespmem:s24+$0x0] =	vst.add.f32.msk $0xffff, v2  }
0x2e9: {  	[tilespmem:s1+$0x0] =	vst.add.f32.msk $0xffff, v2  }
0x2ea: {  	s0 =	rddreg [dreg:$0x10];
	s3 =	simm.s32 $0x6200  }
0x2eb: {  	[hbm4b:s0+s4] =	stream.linear.scatter [tilespmem:s3], [sflag:$0x4], $0x2000, $0x38;
	[tilespmem:$0x1E200] =	vst v63  }
0x2ec: {  	s19 =	rddreg [dreg:$0xf];
	s5 =	simm.s32 $0x8200  }
0x2ed: {  	[hbm4b:s19+s4] =	stream.linear.scatter [tilespmem:s5], [sflag:$0x4], $0x2000, $0x38;
	[tilespmem:$0x1E200] =	vst v63  }
0x2ee: {  	s20 =	rddreg [dreg:$0x11];
	s6 =	simm.s32 $0xA200  }
0x2ef: {  	[hbm4b:s20+s4] =	stream.linear.scatter [tilespmem:s6], [sflag:$0x4], $0x2000, $0x38;
	[tilespmem:$0x1E200] =	vst v63  }
0x2f0: {  	s21 =	rddreg [dreg:$0x12];
	s7 =	simm.s32 $0xC200;
	s22 =	simm.s32 $0x5  }
0x2f1: {  	[hbm4b:s21+s4] =	stream.linear.scatter [tilespmem:s7], [sflag:$0x4], $0x2000, $0x38;
	[tilespmem:$0x1E200] =	vst v63  }
0x2f2: {  	_ =	swait.ge [sflag:s22], $0x2000  }
0x2f3: {  	[sflag:s22] =	ssyncset.done $0x0  }
0x2f4: {  	[sflag:s22] =	ssyncadd.s32 $0xFFFFE000  }
0x2f5: {  	_ =	swait.ge [sflag:s22], $0x2000  }
0x2f6: {  	[sflag:s22] =	ssyncset.done $0x0  }
0x2f7: {  	[sflag:s22] =	ssyncadd.s32 $0xFFFFE000  }
0x2f8: {  	_ =	swait.ge [sflag:s22], $0x2000  }
0x2f9: {  	[sflag:s22] =	ssyncset.done $0x0  }
0x2fa: {  	[sflag:s22] =	ssyncadd.s32 $0xFFFFE000  }
0x2fb: {  	_ =	swait.ge [sflag:s22], $0x2000  }
0x2fc: {  	[sflag:s22] =	ssyncset.done $0x0  }
0x2fd: {  	s23 =	simm.s32 $0x6;
	[sflag:s22] =	ssyncadd.s32 $0xFFFFE000  }
0x2fe: {  	_ =	swait.ge [sflag:s23], $0x2000  }
0x2ff: {  	[sflag:s23] =	ssyncset.done $0x0  }
0x300: {  	[sflag:s23] =	ssyncadd.s32 $0xFFFFE000  }
0x301: {  	_ =	swait.ge [sflag:s23], $0x2000  }
0x302: {  	[sflag:s23] =	ssyncset.done $0x0  }
0x303: {  	[sflag:s23] =	ssyncadd.s32 $0xFFFFE000  }
0x304: {  	_ =	swait.ge [sflag:s23], $0x2000  }
0x305: {  	[sflag:s23] =	ssyncset.done $0x0  }
0x306: {  	[sflag:s23] =	ssyncadd.s32 $0xFFFFE000  }
0x307: {  	_ =	swait.ge [sflag:s23], $0x2000  }
0x308: {  	[sflag:s23] =	ssyncset.done $0x0  }
0x309: {  	[sflag:s23] =	ssyncadd.s32 $0xFFFFE000  }
0x30a: {  	_ =	swait.ge [sflag:s12], $0x2000  }
0x30b: {  	[sflag:s12] =	ssyncset.done $0x0  }
0x30c: {  	[sflag:s12] =	ssyncadd.s32 $0xFFFFE000  }
0x30d: {  	_ =	swait.ge [sflag:s12], $0x2000  }
0x30e: {  	[sflag:s12] =	ssyncset.done $0x0  }
0x30f: {  	[sflag:s12] =	ssyncadd.s32 $0xFFFFE000  }
0x310: {  	_ =	swait.ge [sflag:s12], $0x2000  }
0x311: {  	[sflag:s12] =	ssyncset.done $0x0  }
0x312: {  	[sflag:s12] =	ssyncadd.s32 $0xFFFFE000  }
0x313: {  	_ =	swait.ge [sflag:s12], $0x2000  }
0x314: {  	s1 =	rddreg [dreg:$0x14]  }
0x315: {  	s24 =	rddreg [dreg:$0x13];
	s1 =	sadd.s32 $0x1, s1  }
0x316: {  	p0 =	sne.s32 s1, s24  }
.Ltmp10:
0x317: {  	_ = 	snop;
	(pc) =	sbr.rel @p0 .LBB2_1-.Ltmp10, $3  }
0x318: {  	_ =	sdelay $0x1  }
0x319: {  	[sflag:s12] =	ssyncset.done $0x0  }
0x31a: {  	[sflag:s12] =	ssyncadd.s32 $0xFFFFE000  }
0x31b: {  	_ =	sfence.sel $0x180000  }
0x31c: {  	[bflag:$0x0] =	sbarrier.arrive $0xFFFF  }
0x31d: {  	_ =	strace $0x90000047  }
0x31e: {  	s0 =	stileid.u32;
	[bflag:$0x2] =	sbarrier.arrive $0xFFFF  }
0x31f: {  	p0 =	sne.s32 s0, $0x0;
	s0 =	rddreg [dreg:$0x3]  }
0x320: {  	s0 =	sadd.s32 @!p0 $0x100000, s0  }
0x321: {  	[sflag:s0] =	ssyncadd.tile.s32 @!p0 $0x1;
	_ =	shalt  }
.Lfunc_end2:
_tile_overlayer_lowered:
.L_overlay_start_2:
0x322: {  	(tag) =	ssettag $0x2  }
0x323: {  	s0 =	rddreg [dreg:$0x0];
	s2 =	stileid.u32  }
0x324: {  	s1 =	rddreg [dreg:$0x1];
	p0 =	sne.s32 s2, $0x0  }
0x325: {  	s3 =	rddreg [dreg:$0x2];
	[bflag:$0x3] =	sbarrier.arrive $0xFFFF;
	s2 =	simm.s32 @!p0 $0x1C07  }
0x326: {  	[timem:s3], [sflag:s2] =	dma.local @!p0 [hbm:s0], s1  }
0x327: {  	s0 =	simm.s32 @!p0 $0x7  }
0x328: {  	_ =	swait.ge @!p0 [sflag:s0], s1  }
0x329: {  	s1 =	ssub.s32 @!p0 $0x0, s1;
	[sflag:s0] =	ssyncset.done @!p0 $0x0  }
0x32a: {  	[sflag:s0] =	ssyncadd.s32 @!p0 s1  }
0x32b: {  	[bflag:$0x3] =	sbarrier.arrive $0xFFFF  }
0x32c: {  	_ =	shalt  }

</sc_bundles>
